<compile_context>
chip_gen: v7x
topology: tpu7x:2x2x1
jax: 0.10.2.dev20260603
libtpu: 0.0.44.dev20260713+nightly
codegen_flags: <defaults>
</compile_context>

<pallas_src>
import functools

import jax
import jax.numpy as jnp
from jax import lax
from jax.experimental import pallas as pl
from jax.experimental.pallas import tpu as pltpu
from jax.experimental.pallas import tpu_sc as plsc

B, N, D = 32, 1024, 3
L = 16
NCHUNK = N // L
LB = 4

B_SC = 2
W_SUB = 16
CPW = NCHUNK // W_SUB

_INF = float("inf")




def _direction_pass(scal_v, vec_v, colmin_v, base):

  def outer(js, _):
    soff = js * L
    c0 = scal_v[0, pl.ds(soff, L)]
    c1 = scal_v[1, pl.ds(soff, L)]
    c2 = scal_v[2, pl.ds(soff, L)]
    a0_all = c0 * -2.0
    a1_all = c1 * -2.0
    a2_all = c2 * -2.0
    ss_all = c0 * c0 + c1 * c1 + c2 * c2

    for lb in range(L // LB):
      a0s = [jnp.full((L,), a0_all[lb * LB + i], jnp.float32)
             for i in range(LB)]
      a1s = [jnp.full((L,), a1_all[lb * LB + i], jnp.float32)
             for i in range(LB)]
      a2s = [jnp.full((L,), a2_all[lb * LB + i], jnp.float32)
             for i in range(LB)]
      sss = [jnp.full((L,), ss_all[lb * LB + i], jnp.float32)
             for i in range(LB)]

      for j in range(CPW):
        off = base + j * L
        v0 = vec_v[0, pl.ds(off, L)]
        v1 = vec_v[1, pl.ds(off, L)]
        v2 = vec_v[2, pl.ds(off, L)]
        cm = colmin_v[pl.ds(off, L)]
        for i in range(LB):
          t = sss[i] + a0s[i] * v0 + a1s[i] * v1 + a2s[i] * v2
          cm = jnp.minimum(cm, t)
        colmin_v[pl.ds(off, L)] = cm
    return 0

  lax.fori_loop(0, NCHUNK, outer, 0)


def _sc_body(tmpl_hbm, src_hbm, out_hbm, tmpl_v, src_v, colmin0_v, colmin1_v,
             out_v):
  core = lax.axis_index("c")
  sub = lax.axis_index("s")
  base = sub * (CPW * L)

  pltpu.sync_copy(tmpl_hbm.at[core], tmpl_v)
  pltpu.sync_copy(src_hbm.at[core], src_v)

  for j in range(CPW):
    off = base + j * L
    colmin0_v[pl.ds(off, L)] = jnp.full((L,), _INF, jnp.float32)
    colmin1_v[pl.ds(off, L)] = jnp.full((L,), _INF, jnp.float32)

  _direction_pass(src_v, tmpl_v, colmin0_v, base)
  _direction_pass(tmpl_v, src_v, colmin1_v, base)

  vacc = jnp.zeros((L,), jnp.float32)
  for j in range(CPW):
    off = base + j * L
    t0 = tmpl_v[0, pl.ds(off, L)]
    t1 = tmpl_v[1, pl.ds(off, L)]
    t2 = tmpl_v[2, pl.ds(off, L)]
    s0 = src_v[0, pl.ds(off, L)]
    s1 = src_v[1, pl.ds(off, L)]
    s2 = src_v[2, pl.ds(off, L)]
    min0 = colmin0_v[pl.ds(off, L)] + (t0 * t0 + t1 * t1 + t2 * t2)
    min1 = colmin1_v[pl.ds(off, L)] + (s0 * s0 + s1 * s1 + s2 * s2)
    vacc = vacc + (min0 + min1)

  out_v[...] = vacc
  pltpu.sync_copy(out_v, out_hbm.at[core, sub])


def _sc_chamfer(tmpl_t, src_t):
  mesh = plsc.VectorSubcoreMesh(core_axis_name="c", subcore_axis_name="s")
  run = pl.kernel(
      _sc_body,
      out_type=jax.ShapeDtypeStruct((B_SC, W_SUB, L), jnp.float32),
      mesh=mesh,
      scratch_types=[
          pltpu.VMEM((D, N), jnp.float32),
          pltpu.VMEM((D, N), jnp.float32),
          pltpu.VMEM((N,), jnp.float32),
          pltpu.VMEM((N,), jnp.float32),
          pltpu.VMEM((L,), jnp.float32),
      ],
  )
  out = run(tmpl_t, src_t)
  return jnp.sum(out, axis=(1, 2)) * (1.0 / N)




def _tc_body(x_ref, y_ref, out_ref):
  x = x_ref[0]
  y = y_ref[0]

  xx = jnp.sum(x * x, axis=1, keepdims=True)
  yy = jnp.sum(y * y, axis=1, keepdims=True)

  lhs = jnp.concatenate([x * -2.0, jnp.ones((N, 1), jnp.float32)], axis=1)
  rhs = jnp.concatenate([y, yy], axis=1)
  r0 = lax.dot_general(lhs, rhs, (((1,), (1,)), ((), ())),
                       preferred_element_type=jnp.float32)

  m0 = jnp.min(r0, axis=1)
  m1 = jnp.min(r0 + xx, axis=0)

  total = jnp.sum(m0) + jnp.sum(xx) + jnp.sum(m1)
  out_ref[0, 0, 0] = total * (1.0 / N)


def _tc_chamfer(x, y):
  nb = x.shape[0]
  return pl.pallas_call(
      _tc_body,
      grid=(nb,),
      in_specs=[
          pl.BlockSpec((1, N, D), lambda i: (i, 0, 0)),
          pl.BlockSpec((1, N, D), lambda i: (i, 0, 0)),
      ],
      out_specs=pl.BlockSpec((1, 1, 1), lambda i: (i, 0, 0),
                             memory_space=pltpu.SMEM),
      out_shape=jax.ShapeDtypeStruct((nb, 1, 1), jnp.float32),
      compiler_params=pltpu.CompilerParams(
          dimension_semantics=("arbitrary",),
      ),
  )(x, y)[:, 0, 0]




@jax.jit
def kernel(template, source):
  sc_vals = _sc_chamfer(jnp.transpose(template[:B_SC], (0, 2, 1)),
                        jnp.transpose(source[:B_SC], (0, 2, 1)))

  tc_vals = _tc_chamfer(template[B_SC:], source[B_SC:])

  return jnp.mean(jnp.concatenate([sc_vals, tc_vals]))

# --- scband reference (transcript-rebuilt; emitter-appended) ---
"""Pipeline reference for scband-chamfer-distance-loss-11063835755244 (READ-ONLY COPY).

The authoritative reference and input builder live on the scoring server;
editing this copy changes nothing except your own understanding.
"""

import jax, jax.numpy as jnp
import numpy as np

SCALE = 1.0
REDUCTION = 'mean'


def setup_inputs(seed: int = 0) -> dict:
    key = jax.random.key(seed)
    k1, k2 = jax.random.split(key)
    template = jax.random.normal(k1, (32, 1024, 3), dtype=jnp.float32)
    source = jax.random.normal(k2, (32, 1024, 3), dtype=jnp.float32)
    return {"template": template, "source": source}


def _pairwise_sq_dist(x, y):
    # x: [B, N, D], y: [B, M, D] -> [B, N, M] squared euclidean distances
    xx = jnp.sum(x * x, axis=-1)  # [B, N]
    yy = jnp.sum(y * y, axis=-1)  # [B, M]
    xy = jnp.einsum('bnd,bmd->bnm', x, y)  # [B, N, M]
    return xx[:, :, None] + yy[:, None, :] - 2.0 * xy


def chamfer_loss(p0, p1, reduce='mean'):
    P = _pairwise_sq_dist(p0, p1)  # [B, N, M]
    min0 = jnp.min(P, axis=2)  # [B, N] nearest source point for each template point
    min1 = jnp.min(P, axis=1)  # [B, M] nearest template point for each source point
    per_batch = jnp.mean(min0, axis=1) + jnp.mean(min1, axis=1)  # [B]
    if reduce == 'mean':
        return jnp.mean(per_batch)
    elif reduce == 'sum':
        return jnp.sum(per_batch)
    else:
        return per_batch


def reference(template, source):
    p0 = template / SCALE
    p1 = source / SCALE
    return chamfer_loss(p0, p1, reduce=REDUCTION)

if __name__ == "__main__":
    import jax
    _d = setup_inputs()
    print(jax.jit(kernel)(*tuple(_d.values())))

</pallas_src>

<mosaic_0001>
#map = affine_map<(d0, d1) -> (0, 0, 0)>
module attributes {stable_mosaic.version = 14 : i64} {
  func.func @_sc_body(%arg0: i32, %arg1: i32, %arg2: memref<2x3x1024xf32, #tpu.memory_space<hbm>>, %arg3: memref<2x3x1024xf32, #tpu.memory_space<hbm>>, %arg4: memref<2x16x16xf32, #tpu.memory_space<hbm>>, %arg5: memref<3x1024xf32, #tpu.memory_space<vmem>>, %arg6: memref<3x1024xf32, #tpu.memory_space<vmem>>, %arg7: memref<1024xf32, #tpu.memory_space<vmem>>, %arg8: memref<1024xf32, #tpu.memory_space<vmem>>, %arg9: memref<16xf32, #tpu.memory_space<vmem>>) attributes {dimension_semantics = [#tpu.dimension_semantics<core_parallel>, #tpu.dimension_semantics<subcore_parallel>], iteration_bounds = array<i64: 2, 16>, scalar_prefetch = 0 : i64, scratch_operands = 5 : i64, tpu.core_type = #tpu.core_type<sc_vector_subcore>, window_params = [{transform_indices = #map}, {transform_indices = #map}, {transform_indices = #map}]} {
    %mul3A = arith.constant 64 : i32
    %mul3A_0 = arith.muli %arg1, %mul3A : i32
    "tpu.region"() ({
      %run_scoped3A = tpu.sem_alloc : memref<!tpu.dma_semaphore, #tpu.memory_space<semaphore_mem>>
      %dma_start3A = arith.constant 0 : i32
      %dma_start3A_280 = arith.constant 0 : i32
      %dma_start3A_281 = tpu.memref_slice %arg2[%arg0, %dma_start3A, %dma_start3A_280] : memref<2x3x1024xf32, #tpu.memory_space<hbm>> -> memref<1x3x1024xf32, #tpu.memory_space<hbm>>
      %dma_start3A_282 = tpu.memref_squeeze %dma_start3A_281 : memref<1x3x1024xf32, #tpu.memory_space<hbm>> -> memref<3x1024xf32, #tpu.memory_space<hbm>>
      %dma_start3A_283 = arith.constant 0 : i32
      %dma_start3A_284 = arith.constant 0 : i32
      %dma_start3A_285 = tpu.memref_slice %arg2[%arg0, %dma_start3A_283, %dma_start3A_284] : memref<2x3x1024xf32, #tpu.memory_space<hbm>> -> memref<1x3x1024xf32, #tpu.memory_space<hbm>>
      %dma_start3A_286 = tpu.memref_squeeze %dma_start3A_285 : memref<1x3x1024xf32, #tpu.memory_space<hbm>> -> memref<3x1024xf32, #tpu.memory_space<hbm>>
      tpu.enqueue_dma source(%dma_start3A_286 : memref<3x1024xf32, #tpu.memory_space<hbm>>) target(%arg5 : memref<3x1024xf32, #tpu.memory_space<vmem>>) target_semaphore(%run_scoped3A : memref<!tpu.dma_semaphore, #tpu.memory_space<semaphore_mem>>)
      %dma_wait3A = arith.constant 0 : i32
      %dma_wait3A_287 = arith.constant 0 : i32
      %dma_wait3A_288 = tpu.memref_slice %arg2[%arg0, %dma_wait3A, %dma_wait3A_287] : memref<2x3x1024xf32, #tpu.memory_space<hbm>> -> memref<1x3x1024xf32, #tpu.memory_space<hbm>>
      %dma_wait3A_289 = tpu.memref_squeeze %dma_wait3A_288 : memref<1x3x1024xf32, #tpu.memory_space<hbm>> -> memref<3x1024xf32, #tpu.memory_space<hbm>>
      %dma_wait3A_290 = arith.constant 0 : i32
      %dma_wait3A_291 = arith.constant 0 : i32
      %dma_wait3A_292 = tpu.memref_slice %arg2[%arg0, %dma_wait3A_290, %dma_wait3A_291] : memref<2x3x1024xf32, #tpu.memory_space<hbm>> -> memref<1x3x1024xf32, #tpu.memory_space<hbm>>
      %dma_wait3A_293 = tpu.memref_squeeze %dma_wait3A_292 : memref<1x3x1024xf32, #tpu.memory_space<hbm>> -> memref<3x1024xf32, #tpu.memory_space<hbm>>
      tpu.wait_dma2 semaphore(%run_scoped3A : memref<!tpu.dma_semaphore, #tpu.memory_space<semaphore_mem>>) src(%dma_wait3A_293 : memref<3x1024xf32, #tpu.memory_space<hbm>>) dst(%arg5 : memref<3x1024xf32, #tpu.memory_space<vmem>>)
      tpu.yield
    }) : () -> ()
    "tpu.region"() ({
      %run_scoped3A = tpu.sem_alloc : memref<!tpu.dma_semaphore, #tpu.memory_space<semaphore_mem>>
      %dma_start3A = arith.constant 0 : i32
      %dma_start3A_280 = arith.constant 0 : i32
      %dma_start3A_281 = tpu.memref_slice %arg3[%arg0, %dma_start3A, %dma_start3A_280] : memref<2x3x1024xf32, #tpu.memory_space<hbm>> -> memref<1x3x1024xf32, #tpu.memory_space<hbm>>
      %dma_start3A_282 = tpu.memref_squeeze %dma_start3A_281 : memref<1x3x1024xf32, #tpu.memory_space<hbm>> -> memref<3x1024xf32, #tpu.memory_space<hbm>>
      %dma_start3A_283 = arith.constant 0 : i32
      %dma_start3A_284 = arith.constant 0 : i32
      %dma_start3A_285 = tpu.memref_slice %arg3[%arg0, %dma_start3A_283, %dma_start3A_284] : memref<2x3x1024xf32, #tpu.memory_space<hbm>> -> memref<1x3x1024xf32, #tpu.memory_space<hbm>>
      %dma_start3A_286 = tpu.memref_squeeze %dma_start3A_285 : memref<1x3x1024xf32, #tpu.memory_space<hbm>> -> memref<3x1024xf32, #tpu.memory_space<hbm>>
      tpu.enqueue_dma source(%dma_start3A_286 : memref<3x1024xf32, #tpu.memory_space<hbm>>) target(%arg6 : memref<3x1024xf32, #tpu.memory_space<vmem>>) target_semaphore(%run_scoped3A : memref<!tpu.dma_semaphore, #tpu.memory_space<semaphore_mem>>)
      %dma_wait3A = arith.constant 0 : i32
      %dma_wait3A_287 = arith.constant 0 : i32
      %dma_wait3A_288 = tpu.memref_slice %arg3[%arg0, %dma_wait3A, %dma_wait3A_287] : memref<2x3x1024xf32, #tpu.memory_space<hbm>> -> memref<1x3x1024xf32, #tpu.memory_space<hbm>>
      %dma_wait3A_289 = tpu.memref_squeeze %dma_wait3A_288 : memref<1x3x1024xf32, #tpu.memory_space<hbm>> -> memref<3x1024xf32, #tpu.memory_space<hbm>>
      %dma_wait3A_290 = arith.constant 0 : i32
      %dma_wait3A_291 = arith.constant 0 : i32
      %dma_wait3A_292 = tpu.memref_slice %arg3[%arg0, %dma_wait3A_290, %dma_wait3A_291] : memref<2x3x1024xf32, #tpu.memory_space<hbm>> -> memref<1x3x1024xf32, #tpu.memory_space<hbm>>
      %dma_wait3A_293 = tpu.memref_squeeze %dma_wait3A_292 : memref<1x3x1024xf32, #tpu.memory_space<hbm>> -> memref<3x1024xf32, #tpu.memory_space<hbm>>
      tpu.wait_dma2 semaphore(%run_scoped3A : memref<!tpu.dma_semaphore, #tpu.memory_space<semaphore_mem>>) src(%dma_wait3A_293 : memref<3x1024xf32, #tpu.memory_space<hbm>>) dst(%arg6 : memref<3x1024xf32, #tpu.memory_space<vmem>>)
      tpu.yield
    }) : () -> ()
    %add3A = arith.constant 0 : i32
    %add3A_1 = arith.addi %mul3A_0, %add3A : i32
    %broadcast_in_dim3A = arith.constant 0x7F800000 : f32
    %broadcast_in_dim3A_2 = vector.broadcast %broadcast_in_dim3A : f32 to vector<16xf32>
    %swap3A = arith.index_cast %add3A_1 : i32 to index
    %swap3A_3 = tpu.vector_load %arg7[%swap3A] {strides = array<i32>} : memref<1024xf32, #tpu.memory_space<vmem>>, vector<16xf32>,
    %swap3A_4 = vector.shape_cast %swap3A_3 : vector<16xf32> to vector<16xf32>
    %swap3A_5 = vector.shape_cast %broadcast_in_dim3A_2 : vector<16xf32> to vector<16xf32>
    tpu.vector_store %arg7[%swap3A], %swap3A_5 {strides = array<i32>} : memref<1024xf32, #tpu.memory_space<vmem>>, vector<16xf32>,
    %broadcast_in_dim3A_6 = arith.constant 0x7F800000 : f32
    %broadcast_in_dim3A_7 = vector.broadcast %broadcast_in_dim3A_6 : f32 to vector<16xf32>
    %swap3A_8 = arith.index_cast %add3A_1 : i32 to index
    %swap3A_9 = tpu.vector_load %arg8[%swap3A_8] {strides = array<i32>} : memref<1024xf32, #tpu.memory_space<vmem>>, vector<16xf32>,
    %swap3A_10 = vector.shape_cast %swap3A_9 : vector<16xf32> to vector<16xf32>
    %swap3A_11 = vector.shape_cast %broadcast_in_dim3A_7 : vector<16xf32> to vector<16xf32>
    tpu.vector_store %arg8[%swap3A_8], %swap3A_11 {strides = array<i32>} : memref<1024xf32, #tpu.memory_space<vmem>>, vector<16xf32>,
    %add3A_12 = arith.constant 16 : i32
    %add3A_13 = arith.addi %mul3A_0, %add3A_12 : i32
    %broadcast_in_dim3A_14 = arith.constant 0x7F800000 : f32
    %broadcast_in_dim3A_15 = vector.broadcast %broadcast_in_dim3A_14 : f32 to vector<16xf32>
    %swap3A_16 = arith.index_cast %add3A_13 : i32 to index
    %swap3A_17 = tpu.vector_load %arg7[%swap3A_16] {strides = array<i32>} : memref<1024xf32, #tpu.memory_space<vmem>>, vector<16xf32>,
    %swap3A_18 = vector.shape_cast %swap3A_17 : vector<16xf32> to vector<16xf32>
    %swap3A_19 = vector.shape_cast %broadcast_in_dim3A_15 : vector<16xf32> to vector<16xf32>
    tpu.vector_store %arg7[%swap3A_16], %swap3A_19 {strides = array<i32>} : memref<1024xf32, #tpu.memory_space<vmem>>, vector<16xf32>,
    %broadcast_in_dim3A_20 = arith.constant 0x7F800000 : f32
    %broadcast_in_dim3A_21 = vector.broadcast %broadcast_in_dim3A_20 : f32 to vector<16xf32>
    %swap3A_22 = arith.index_cast %add3A_13 : i32 to index
    %swap3A_23 = tpu.vector_load %arg8[%swap3A_22] {strides = array<i32>} : memref<1024xf32, #tpu.memory_space<vmem>>, vector<16xf32>,
    %swap3A_24 = vector.shape_cast %swap3A_23 : vector<16xf32> to vector<16xf32>
    %swap3A_25 = vector.shape_cast %broadcast_in_dim3A_21 : vector<16xf32> to vector<16xf32>
    tpu.vector_store %arg8[%swap3A_22], %swap3A_25 {strides = array<i32>} : memref<1024xf32, #tpu.memory_space<vmem>>, vector<16xf32>,
    %add3A_26 = arith.constant 32 : i32
    %add3A_27 = arith.addi %mul3A_0, %add3A_26 : i32
    %broadcast_in_dim3A_28 = arith.constant 0x7F800000 : f32
    %broadcast_in_dim3A_29 = vector.broadcast %broadcast_in_dim3A_28 : f32 to vector<16xf32>
    %swap3A_30 = arith.index_cast %add3A_27 : i32 to index
    %swap3A_31 = tpu.vector_load %arg7[%swap3A_30] {strides = array<i32>} : memref<1024xf32, #tpu.memory_space<vmem>>, vector<16xf32>,
    %swap3A_32 = vector.shape_cast %swap3A_31 : vector<16xf32> to vector<16xf32>
    %swap3A_33 = vector.shape_cast %broadcast_in_dim3A_29 : vector<16xf32> to vector<16xf32>
    tpu.vector_store %arg7[%swap3A_30], %swap3A_33 {strides = array<i32>} : memref<1024xf32, #tpu.memory_space<vmem>>, vector<16xf32>,
    %broadcast_in_dim3A_34 = arith.constant 0x7F800000 : f32
    %broadcast_in_dim3A_35 = vector.broadcast %broadcast_in_dim3A_34 : f32 to vector<16xf32>
    %swap3A_36 = arith.index_cast %add3A_27 : i32 to index
    %swap3A_37 = tpu.vector_load %arg8[%swap3A_36] {strides = array<i32>} : memref<1024xf32, #tpu.memory_space<vmem>>, vector<16xf32>,
    %swap3A_38 = vector.shape_cast %swap3A_37 : vector<16xf32> to vector<16xf32>
    %swap3A_39 = vector.shape_cast %broadcast_in_dim3A_35 : vector<16xf32> to vector<16xf32>
    tpu.vector_store %arg8[%swap3A_36], %swap3A_39 {strides = array<i32>} : memref<1024xf32, #tpu.memory_space<vmem>>, vector<16xf32>,
    %add3A_40 = arith.constant 48 : i32
    %add3A_41 = arith.addi %mul3A_0, %add3A_40 : i32
    %broadcast_in_dim3A_42 = arith.constant 0x7F800000 : f32
    %broadcast_in_dim3A_43 = vector.broadcast %broadcast_in_dim3A_42 : f32 to vector<16xf32>
    %swap3A_44 = arith.index_cast %add3A_41 : i32 to index
    %swap3A_45 = tpu.vector_load %arg7[%swap3A_44] {strides = array<i32>} : memref<1024xf32, #tpu.memory_space<vmem>>, vector<16xf32>,
    %swap3A_46 = vector.shape_cast %swap3A_45 : vector<16xf32> to vector<16xf32>
    %swap3A_47 = vector.shape_cast %broadcast_in_dim3A_43 : vector<16xf32> to vector<16xf32>
    tpu.vector_store %arg7[%swap3A_44], %swap3A_47 {strides = array<i32>} : memref<1024xf32, #tpu.memory_space<vmem>>, vector<16xf32>,
    %broadcast_in_dim3A_48 = arith.constant 0x7F800000 : f32
    %broadcast_in_dim3A_49 = vector.broadcast %broadcast_in_dim3A_48 : f32 to vector<16xf32>
    %swap3A_50 = arith.index_cast %add3A_41 : i32 to index
    %swap3A_51 = tpu.vector_load %arg8[%swap3A_50] {strides = array<i32>} : memref<1024xf32, #tpu.memory_space<vmem>>, vector<16xf32>,
    %swap3A_52 = vector.shape_cast %swap3A_51 : vector<16xf32> to vector<16xf32>
    %swap3A_53 = vector.shape_cast %broadcast_in_dim3A_49 : vector<16xf32> to vector<16xf32>
    tpu.vector_store %arg8[%swap3A_50], %swap3A_53 {strides = array<i32>} : memref<1024xf32, #tpu.memory_space<vmem>>, vector<16xf32>,
    %scan3A = arith.constant 0 : i32
    %scan3A_54 = arith.constant 0 : i32
    %scan3A_55 = arith.constant 64 : i32
    %scan3A_56 = arith.addi %scan3A_54, %scan3A_55 : i32
    %scan3A_57 = arith.constant 1 : i32
    %scan3A_58 = scf.for %scan3A_280 = %scan3A_54 to %scan3A_56 step %scan3A_57 iter_args(%scan3A_281 = %scan3A) -> (i32)  : i32 {
      %mul3A_282 = arith.constant 16 : i32
      %mul3A_283 = arith.muli %scan3A_280, %mul3A_282 : i32
      %get3A_284 = arith.constant 0 : i32
      %get3A_285 = arith.index_cast %get3A_284 : i32 to index
      %get3A_286 = arith.index_cast %mul3A_283 : i32 to index
      %get3A_287 = tpu.vector_load %arg6[%get3A_285, %get3A_286] {strides = array<i32>} : memref<3x1024xf32, #tpu.memory_space<vmem>>, vector<1x16xf32>,
      %get3A_288 = vector.shape_cast %get3A_287 : vector<1x16xf32> to vector<16xf32>
      %get3A_289 = arith.constant 1 : i32
      %get3A_290 = arith.index_cast %get3A_289 : i32 to index
      %get3A_291 = arith.index_cast %mul3A_283 : i32 to index
      %get3A_292 = tpu.vector_load %arg6[%get3A_290, %get3A_291] {strides = array<i32>} : memref<3x1024xf32, #tpu.memory_space<vmem>>, vector<1x16xf32>,
      %get3A_293 = vector.shape_cast %get3A_292 : vector<1x16xf32> to vector<16xf32>
      %get3A_294 = arith.constant 2 : i32
      %get3A_295 = arith.index_cast %get3A_294 : i32 to index
      %get3A_296 = arith.index_cast %mul3A_283 : i32 to index
      %get3A_297 = tpu.vector_load %arg6[%get3A_295, %get3A_296] {strides = array<i32>} : memref<3x1024xf32, #tpu.memory_space<vmem>>, vector<1x16xf32>,
      %get3A_298 = vector.shape_cast %get3A_297 : vector<1x16xf32> to vector<16xf32>
      %mul3A_299 = arith.constant -2.000000e+00 : f32
      %mul3A_300 = vector.broadcast %mul3A_299 : f32 to vector<16xf32>
      %mul3A_301 = arith.mulf %get3A_288, %mul3A_300 : vector<16xf32>
      %mul3A_302 = arith.constant -2.000000e+00 : f32
      %mul3A_303 = vector.broadcast %mul3A_302 : f32 to vector<16xf32>
      %mul3A_304 = arith.mulf %get3A_293, %mul3A_303 : vector<16xf32>
      %mul3A_305 = arith.constant -2.000000e+00 : f32
      %mul3A_306 = vector.broadcast %mul3A_305 : f32 to vector<16xf32>
      %mul3A_307 = arith.mulf %get3A_298, %mul3A_306 : vector<16xf32>
      %mul3A_308 = arith.mulf %get3A_288, %get3A_288 : vector<16xf32>
      %mul3A_309 = arith.mulf %get3A_293, %get3A_293 : vector<16xf32>
      %add3A_310 = arith.addf %mul3A_308, %mul3A_309 : vector<16xf32>
      %mul3A_311 = arith.mulf %get3A_298, %get3A_298 : vector<16xf32>
      %add3A_312 = arith.addf %add3A_310, %mul3A_311 : vector<16xf32>
      %slice3A = vector.extract_strided_slice %mul3A_301 {offsets = [0], sizes = [1], strides = [1]} : vector<16xf32> to vector<1xf32>
      %squeeze3A = vector.extract %slice3A[0] : f32 from vector<1xf32>
      %broadcast_in_dim3A_313 = vector.broadcast %squeeze3A : f32 to vector<16xf32>
      %slice3A_314 = vector.extract_strided_slice %mul3A_301 {offsets = [1], sizes = [1], strides = [1]} : vector<16xf32> to vector<1xf32>
      %squeeze3A_315 = vector.extract %slice3A_314[0] : f32 from vector<1xf32>
      %broadcast_in_dim3A_316 = vector.broadcast %squeeze3A_315 : f32 to vector<16xf32>
      %slice3A_317 = vector.extract_strided_slice %mul3A_301 {offsets = [2], sizes = [1], strides = [1]} : vector<16xf32> to vector<1xf32>
      %squeeze3A_318 = vector.extract %slice3A_317[0] : f32 from vector<1xf32>
      %broadcast_in_dim3A_319 = vector.broadcast %squeeze3A_318 : f32 to vector<16xf32>
      %slice3A_320 = vector.extract_strided_slice %mul3A_301 {offsets = [3], sizes = [1], strides = [1]} : vector<16xf32> to vector<1xf32>
      %squeeze3A_321 = vector.extract %slice3A_320[0] : f32 from vector<1xf32>
      %broadcast_in_dim3A_322 = vector.broadcast %squeeze3A_321 : f32 to vector<16xf32>
      %slice3A_323 = vector.extract_strided_slice %mul3A_304 {offsets = [0], sizes = [1], strides = [1]} : vector<16xf32> to vector<1xf32>
      %squeeze3A_324 = vector.extract %slice3A_323[0] : f32 from vector<1xf32>
      %broadcast_in_dim3A_325 = vector.broadcast %squeeze3A_324 : f32 to vector<16xf32>
      %slice3A_326 = vector.extract_strided_slice %mul3A_304 {offsets = [1], sizes = [1], strides = [1]} : vector<16xf32> to vector<1xf32>
      %squeeze3A_327 = vector.extract %slice3A_326[0] : f32 from vector<1xf32>
      %broadcast_in_dim3A_328 = vector.broadcast %squeeze3A_327 : f32 to vector<16xf32>
      %slice3A_329 = vector.extract_strided_slice %mul3A_304 {offsets = [2], sizes = [1], strides = [1]} : vector<16xf32> to vector<1xf32>
      %squeeze3A_330 = vector.extract %slice3A_329[0] : f32 from vector<1xf32>
      %broadcast_in_dim3A_331 = vector.broadcast %squeeze3A_330 : f32 to vector<16xf32>
      %slice3A_332 = vector.extract_strided_slice %mul3A_304 {offsets = [3], sizes = [1], strides = [1]} : vector<16xf32> to vector<1xf32>
      %squeeze3A_333 = vector.extract %slice3A_332[0] : f32 from vector<1xf32>
      %broadcast_in_dim3A_334 = vector.broadcast %squeeze3A_333 : f32 to vector<16xf32>
      %slice3A_335 = vector.extract_strided_slice %mul3A_307 {offsets = [0], sizes = [1], strides = [1]} : vector<16xf32> to vector<1xf32>
      %squeeze3A_336 = vector.extract %slice3A_335[0] : f32 from vector<1xf32>
      %broadcast_in_dim3A_337 = vector.broadcast %squeeze3A_336 : f32 to vector<16xf32>
      %slice3A_338 = vector.extract_strided_slice %mul3A_307 {offsets = [1], sizes = [1], strides = [1]} : vector<16xf32> to vector<1xf32>
      %squeeze3A_339 = vector.extract %slice3A_338[0] : f32 from vector<1xf32>
      %broadcast_in_dim3A_340 = vector.broadcast %squeeze3A_339 : f32 to vector<16xf32>
      %slice3A_341 = vector.extract_strided_slice %mul3A_307 {offsets = [2], sizes = [1], strides = [1]} : vector<16xf32> to vector<1xf32>
      %squeeze3A_342 = vector.extract %slice3A_341[0] : f32 from vector<1xf32>
      %broadcast_in_dim3A_343 = vector.broadcast %squeeze3A_342 : f32 to vector<16xf32>
      %slice3A_344 = vector.extract_strided_slice %mul3A_307 {offsets = [3], sizes = [1], strides = [1]} : vector<16xf32> to vector<1xf32>
      %squeeze3A_345 = vector.extract %slice3A_344[0] : f32 from vector<1xf32>
      %broadcast_in_dim3A_346 = vector.broadcast %squeeze3A_345 : f32 to vector<16xf32>
      %slice3A_347 = vector.extract_strided_slice %add3A_312 {offsets = [0], sizes = [1], strides = [1]} : vector<16xf32> to vector<1xf32>
      %squeeze3A_348 = vector.extract %slice3A_347[0] : f32 from vector<1xf32>
      %broadcast_in_dim3A_349 = vector.broadcast %squeeze3A_348 : f32 to vector<16xf32>
      %slice3A_350 = vector.extract_strided_slice %add3A_312 {offsets = [1], sizes = [1], strides = [1]} : vector<16xf32> to vector<1xf32>
      %squeeze3A_351 = vector.extract %slice3A_350[0] : f32 from vector<1xf32>
      %broadcast_in_dim3A_352 = vector.broadcast %squeeze3A_351 : f32 to vector<16xf32>
      %slice3A_353 = vector.extract_strided_slice %add3A_312 {offsets = [2], sizes = [1], strides = [1]} : vector<16xf32> to vector<1xf32>
      %squeeze3A_354 = vector.extract %slice3A_353[0] : f32 from vector<1xf32>
      %broadcast_in_dim3A_355 = vector.broadcast %squeeze3A_354 : f32 to vector<16xf32>
      %slice3A_356 = vector.extract_strided_slice %add3A_312 {offsets = [3], sizes = [1], strides = [1]} : vector<16xf32> to vector<1xf32>
      %squeeze3A_357 = vector.extract %slice3A_356[0] : f32 from vector<1xf32>
      %broadcast_in_dim3A_358 = vector.broadcast %squeeze3A_357 : f32 to vector<16xf32>
      %add3A_359 = arith.constant 0 : i32
      %add3A_360 = arith.addi %mul3A_0, %add3A_359 : i32
      %get3A_361 = arith.constant 0 : i32
      %get3A_362 = arith.index_cast %get3A_361 : i32 to index
      %get3A_363 = arith.index_cast %add3A_360 : i32 to index
      %get3A_364 = tpu.vector_load %arg5[%get3A_362, %get3A_363] {strides = array<i32>} : memref<3x1024xf32, #tpu.memory_space<vmem>>, vector<1x16xf32>,
      %get3A_365 = vector.shape_cast %get3A_364 : vector<1x16xf32> to vector<16xf32>
      %get3A_366 = arith.constant 1 : i32
      %get3A_367 = arith.index_cast %get3A_366 : i32 to index
      %get3A_368 = arith.index_cast %add3A_360 : i32 to index
      %get3A_369 = tpu.vector_load %arg5[%get3A_367, %get3A_368] {strides = array<i32>} : memref<3x1024xf32, #tpu.memory_space<vmem>>, vector<1x16xf32>,
      %get3A_370 = vector.shape_cast %get3A_369 : vector<1x16xf32> to vector<16xf32>
      %get3A_371 = arith.constant 2 : i32
      %get3A_372 = arith.index_cast %get3A_371 : i32 to index
      %get3A_373 = arith.index_cast %add3A_360 : i32 to index
      %get3A_374 = tpu.vector_load %arg5[%get3A_372, %get3A_373] {strides = array<i32>} : memref<3x1024xf32, #tpu.memory_space<vmem>>, vector<1x16xf32>,
      %get3A_375 = vector.shape_cast %get3A_374 : vector<1x16xf32> to vector<16xf32>
      %get3A_376 = arith.index_cast %add3A_360 : i32 to index
      %get3A_377 = tpu.vector_load %arg7[%get3A_376] {strides = array<i32>} : memref<1024xf32, #tpu.memory_space<vmem>>, vector<16xf32>,
      %get3A_378 = vector.shape_cast %get3A_377 : vector<16xf32> to vector<16xf32>
      %mul3A_379 = arith.mulf %broadcast_in_dim3A_313, %get3A_365 : vector<16xf32>
      %add3A_380 = arith.addf %broadcast_in_dim3A_349, %mul3A_379 : vector<16xf32>
      %mul3A_381 = arith.mulf %broadcast_in_dim3A_325, %get3A_370 : vector<16xf32>
      %add3A_382 = arith.addf %add3A_380, %mul3A_381 : vector<16xf32>
      %mul3A_383 = arith.mulf %broadcast_in_dim3A_337, %get3A_375 : vector<16xf32>
      %add3A_384 = arith.addf %add3A_382, %mul3A_383 : vector<16xf32>
      %min3A = arith.minimumf %get3A_378, %add3A_384 : vector<16xf32>
      %mul3A_385 = arith.mulf %broadcast_in_dim3A_316, %get3A_365 : vector<16xf32>
      %add3A_386 = arith.addf %broadcast_in_dim3A_352, %mul3A_385 : vector<16xf32>
      %mul3A_387 = arith.mulf %broadcast_in_dim3A_328, %get3A_370 : vector<16xf32>
      %add3A_388 = arith.addf %add3A_386, %mul3A_387 : vector<16xf32>
      %mul3A_389 = arith.mulf %broadcast_in_dim3A_340, %get3A_375 : vector<16xf32>
      %add3A_390 = arith.addf %add3A_388, %mul3A_389 : vector<16xf32>
      %min3A_391 = arith.minimumf %min3A, %add3A_390 : vector<16xf32>
      %mul3A_392 = arith.mulf %broadcast_in_dim3A_319, %get3A_365 : vector<16xf32>
      %add3A_393 = arith.addf %broadcast_in_dim3A_355, %mul3A_392 : vector<16xf32>
      %mul3A_394 = arith.mulf %broadcast_in_dim3A_331, %get3A_370 : vector<16xf32>
      %add3A_395 = arith.addf %add3A_393, %mul3A_394 : vector<16xf32>
      %mul3A_396 = arith.mulf %broadcast_in_dim3A_343, %get3A_375 : vector<16xf32>
      %add3A_397 = arith.addf %add3A_395, %mul3A_396 : vector<16xf32>
      %min3A_398 = arith.minimumf %min3A_391, %add3A_397 : vector<16xf32>
      %mul3A_399 = arith.mulf %broadcast_in_dim3A_322, %get3A_365 : vector<16xf32>
      %add3A_400 = arith.addf %broadcast_in_dim3A_358, %mul3A_399 : vector<16xf32>
      %mul3A_401 = arith.mulf %broadcast_in_dim3A_334, %get3A_370 : vector<16xf32>
      %add3A_402 = arith.addf %add3A_400, %mul3A_401 : vector<16xf32>
      %mul3A_403 = arith.mulf %broadcast_in_dim3A_346, %get3A_375 : vector<16xf32>
      %add3A_404 = arith.addf %add3A_402, %mul3A_403 : vector<16xf32>
      %min3A_405 = arith.minimumf %min3A_398, %add3A_404 : vector<16xf32>
      %swap3A_406 = arith.index_cast %add3A_360 : i32 to index
      %swap3A_407 = tpu.vector_load %arg7[%swap3A_406] {strides = array<i32>} : memref<1024xf32, #tpu.memory_space<vmem>>, vector<16xf32>,
      %swap3A_408 = vector.shape_cast %swap3A_407 : vector<16xf32> to vector<16xf32>
      %swap3A_409 = vector.shape_cast %min3A_405 : vector<16xf32> to vector<16xf32>
      tpu.vector_store %arg7[%swap3A_406], %swap3A_409 {strides = array<i32>} : memref<1024xf32, #tpu.memory_space<vmem>>, vector<16xf32>,
      %add3A_410 = arith.constant 16 : i32
      %add3A_411 = arith.addi %mul3A_0, %add3A_410 : i32
      %get3A_412 = arith.constant 0 : i32
      %get3A_413 = arith.index_cast %get3A_412 : i32 to index
      %get3A_414 = arith.index_cast %add3A_411 : i32 to index
      %get3A_415 = tpu.vector_load %arg5[%get3A_413, %get3A_414] {strides = array<i32>} : memref<3x1024xf32, #tpu.memory_space<vmem>>, vector<1x16xf32>,
      %get3A_416 = vector.shape_cast %get3A_415 : vector<1x16xf32> to vector<16xf32>
      %get3A_417 = arith.constant 1 : i32
      %get3A_418 = arith.index_cast %get3A_417 : i32 to index
      %get3A_419 = arith.index_cast %add3A_411 : i32 to index
      %get3A_420 = tpu.vector_load %arg5[%get3A_418, %get3A_419] {strides = array<i32>} : memref<3x1024xf32, #tpu.memory_space<vmem>>, vector<1x16xf32>,
      %get3A_421 = vector.shape_cast %get3A_420 : vector<1x16xf32> to vector<16xf32>
      %get3A_422 = arith.constant 2 : i32
      %get3A_423 = arith.index_cast %get3A_422 : i32 to index
      %get3A_424 = arith.index_cast %add3A_411 : i32 to index
      %get3A_425 = tpu.vector_load %arg5[%get3A_423, %get3A_424] {strides = array<i32>} : memref<3x1024xf32, #tpu.memory_space<vmem>>, vector<1x16xf32>,
      %get3A_426 = vector.shape_cast %get3A_425 : vector<1x16xf32> to vector<16xf32>
      %get3A_427 = arith.index_cast %add3A_411 : i32 to index
      %get3A_428 = tpu.vector_load %arg7[%get3A_427] {strides = array<i32>} : memref<1024xf32, #tpu.memory_space<vmem>>, vector<16xf32>,
      %get3A_429 = vector.shape_cast %get3A_428 : vector<16xf32> to vector<16xf32>
      %mul3A_430 = arith.mulf %broadcast_in_dim3A_313, %get3A_416 : vector<16xf32>
      %add3A_431 = arith.addf %broadcast_in_dim3A_349, %mul3A_430 : vector<16xf32>
      %mul3A_432 = arith.mulf %broadcast_in_dim3A_325, %get3A_421 : vector<16xf32>
      %add3A_433 = arith.addf %add3A_431, %mul3A_432 : vector<16xf32>
      %mul3A_434 = arith.mulf %broadcast_in_dim3A_337, %get3A_426 : vector<16xf32>
      %add3A_435 = arith.addf %add3A_433, %mul3A_434 : vector<16xf32>
      %min3A_436 = arith.minimumf %get3A_429, %add3A_435 : vector<16xf32>
      %mul3A_437 = arith.mulf %broadcast_in_dim3A_316, %get3A_416 : vector<16xf32>
      %add3A_438 = arith.addf %broadcast_in_dim3A_352, %mul3A_437 : vector<16xf32>
      %mul3A_439 = arith.mulf %broadcast_in_dim3A_328, %get3A_421 : vector<16xf32>
      %add3A_440 = arith.addf %add3A_438, %mul3A_439 : vector<16xf32>
      %mul3A_441 = arith.mulf %broadcast_in_dim3A_340, %get3A_426 : vector<16xf32>
      %add3A_442 = arith.addf %add3A_440, %mul3A_441 : vector<16xf32>
      %min3A_443 = arith.minimumf %min3A_436, %add3A_442 : vector<16xf32>
      %mul3A_444 = arith.mulf %broadcast_in_dim3A_319, %get3A_416 : vector<16xf32>
      %add3A_445 = arith.addf %broadcast_in_dim3A_355, %mul3A_444 : vector<16xf32>
      %mul3A_446 = arith.mulf %broadcast_in_dim3A_331, %get3A_421 : vector<16xf32>
      %add3A_447 = arith.addf %add3A_445, %mul3A_446 : vector<16xf32>
      %mul3A_448 = arith.mulf %broadcast_in_dim3A_343, %get3A_426 : vector<16xf32>
      %add3A_449 = arith.addf %add3A_447, %mul3A_448 : vector<16xf32>
      %min3A_450 = arith.minimumf %min3A_443, %add3A_449 : vector<16xf32>
      %mul3A_451 = arith.mulf %broadcast_in_dim3A_322, %get3A_416 : vector<16xf32>
      %add3A_452 = arith.addf %broadcast_in_dim3A_358, %mul3A_451 : vector<16xf32>
      %mul3A_453 = arith.mulf %broadcast_in_dim3A_334, %get3A_421 : vector<16xf32>
      %add3A_454 = arith.addf %add3A_452, %mul3A_453 : vector<16xf32>
      %mul3A_455 = arith.mulf %broadcast_in_dim3A_346, %get3A_426 : vector<16xf32>
      %add3A_456 = arith.addf %add3A_454, %mul3A_455 : vector<16xf32>
      %min3A_457 = arith.minimumf %min3A_450, %add3A_456 : vector<16xf32>
      %swap3A_458 = arith.index_cast %add3A_411 : i32 to index
      %swap3A_459 = tpu.vector_load %arg7[%swap3A_458] {strides = array<i32>} : memref<1024xf32, #tpu.memory_space<vmem>>, vector<16xf32>,
      %swap3A_460 = vector.shape_cast %swap3A_459 : vector<16xf32> to vector<16xf32>
      %swap3A_461 = vector.shape_cast %min3A_457 : vector<16xf32> to vector<16xf32>
      tpu.vector_store %arg7[%swap3A_458], %swap3A_461 {strides = array<i32>} : memref<1024xf32, #tpu.memory_space<vmem>>, vector<16xf32>,
      %add3A_462 = arith.constant 32 : i32
      %add3A_463 = arith.addi %mul3A_0, %add3A_462 : i32
      %get3A_464 = arith.constant 0 : i32
      %get3A_465 = arith.index_cast %get3A_464 : i32 to index
      %get3A_466 = arith.index_cast %add3A_463 : i32 to index
      %get3A_467 = tpu.vector_load %arg5[%get3A_465, %get3A_466] {strides = array<i32>} : memref<3x1024xf32, #tpu.memory_space<vmem>>, vector<1x16xf32>,
      %get3A_468 = vector.shape_cast %get3A_467 : vector<1x16xf32> to vector<16xf32>
      %get3A_469 = arith.constant 1 : i32
      %get3A_470 = arith.index_cast %get3A_469 : i32 to index
      %get3A_471 = arith.index_cast %add3A_463 : i32 to index
      %get3A_472 = tpu.vector_load %arg5[%get3A_470, %get3A_471] {strides = array<i32>} : memref<3x1024xf32, #tpu.memory_space<vmem>>, vector<1x16xf32>,
      %get3A_473 = vector.shape_cast %get3A_472 : vector<1x16xf32> to vector<16xf32>
      %get3A_474 = arith.constant 2 : i32
      %get3A_475 = arith.index_cast %get3A_474 : i32 to index
      %get3A_476 = arith.index_cast %add3A_463 : i32 to index
      %get3A_477 = tpu.vector_load %arg5[%get3A_475, %get3A_476] {strides = array<i32>} : memref<3x1024xf32, #tpu.memory_space<vmem>>, vector<1x16xf32>,
      %get3A_478 = vector.shape_cast %get3A_477 : vector<1x16xf32> to vector<16xf32>
      %get3A_479 = arith.index_cast %add3A_463 : i32 to index
      %get3A_480 = tpu.vector_load %arg7[%get3A_479] {strides = array<i32>} : memref<1024xf32, #tpu.memory_space<vmem>>, vector<16xf32>,
      %get3A_481 = vector.shape_cast %get3A_480 : vector<16xf32> to vector<16xf32>
      %mul3A_482 = arith.mulf %broadcast_in_dim3A_313, %get3A_468 : vector<16xf32>
      %add3A_483 = arith.addf %broadcast_in_dim3A_349, %mul3A_482 : vector<16xf32>
      %mul3A_484 = arith.mulf %broadcast_in_dim3A_325, %get3A_473 : vector<16xf32>
      %add3A_485 = arith.addf %add3A_483, %mul3A_484 : vector<16xf32>
      %mul3A_486 = arith.mulf %broadcast_in_dim3A_337, %get3A_478 : vector<16xf32>
      %add3A_487 = arith.addf %add3A_485, %mul3A_486 : vector<16xf32>
      %min3A_488 = arith.minimumf %get3A_481, %add3A_487 : vector<16xf32>
      %mul3A_489 = arith.mulf %broadcast_in_dim3A_316, %get3A_468 : vector<16xf32>
      %add3A_490 = arith.addf %broadcast_in_dim3A_352, %mul3A_489 : vector<16xf32>
      %mul3A_491 = arith.mulf %broadcast_in_dim3A_328, %get3A_473 : vector<16xf32>
      %add3A_492 = arith.addf %add3A_490, %mul3A_491 : vector<16xf32>
      %mul3A_493 = arith.mulf %broadcast_in_dim3A_340, %get3A_478 : vector<16xf32>
      %add3A_494 = arith.addf %add3A_492, %mul3A_493 : vector<16xf32>
      %min3A_495 = arith.minimumf %min3A_488, %add3A_494 : vector<16xf32>
      %mul3A_496 = arith.mulf %broadcast_in_dim3A_319, %get3A_468 : vector<16xf32>
      %add3A_497 = arith.addf %broadcast_in_dim3A_355, %mul3A_496 : vector<16xf32>
      %mul3A_498 = arith.mulf %broadcast_in_dim3A_331, %get3A_473 : vector<16xf32>
      %add3A_499 = arith.addf %add3A_497, %mul3A_498 : vector<16xf32>
      %mul3A_500 = arith.mulf %broadcast_in_dim3A_343, %get3A_478 : vector<16xf32>
      %add3A_501 = arith.addf %add3A_499, %mul3A_500 : vector<16xf32>
      %min3A_502 = arith.minimumf %min3A_495, %add3A_501 : vector<16xf32>
      %mul3A_503 = arith.mulf %broadcast_in_dim3A_322, %get3A_468 : vector<16xf32>
      %add3A_504 = arith.addf %broadcast_in_dim3A_358, %mul3A_503 : vector<16xf32>
      %mul3A_505 = arith.mulf %broadcast_in_dim3A_334, %get3A_473 : vector<16xf32>
      %add3A_506 = arith.addf %add3A_504, %mul3A_505 : vector<16xf32>
      %mul3A_507 = arith.mulf %broadcast_in_dim3A_346, %get3A_478 : vector<16xf32>
      %add3A_508 = arith.addf %add3A_506, %mul3A_507 : vector<16xf32>
      %min3A_509 = arith.minimumf %min3A_502, %add3A_508 : vector<16xf32>
      %swap3A_510 = arith.index_cast %add3A_463 : i32 to index
      %swap3A_511 = tpu.vector_load %arg7[%swap3A_510] {strides = array<i32>} : memref<1024xf32, #tpu.memory_space<vmem>>, vector<16xf32>,
      %swap3A_512 = vector.shape_cast %swap3A_511 : vector<16xf32> to vector<16xf32>
      %swap3A_513 = vector.shape_cast %min3A_509 : vector<16xf32> to vector<16xf32>
      tpu.vector_store %arg7[%swap3A_510], %swap3A_513 {strides = array<i32>} : memref<1024xf32, #tpu.memory_space<vmem>>, vector<16xf32>,
      %add3A_514 = arith.constant 48 : i32
      %add3A_515 = arith.addi %mul3A_0, %add3A_514 : i32
      %get3A_516 = arith.constant 0 : i32
      %get3A_517 = arith.index_cast %get3A_516 : i32 to index
      %get3A_518 = arith.index_cast %add3A_515 : i32 to index
      %get3A_519 = tpu.vector_load %arg5[%get3A_517, %get3A_518] {strides = array<i32>} : memref<3x1024xf32, #tpu.memory_space<vmem>>, vector<1x16xf32>,
      %get3A_520 = vector.shape_cast %get3A_519 : vector<1x16xf32> to vector<16xf32>
      %get3A_521 = arith.constant 1 : i32
      %get3A_522 = arith.index_cast %get3A_521 : i32 to index
      %get3A_523 = arith.index_cast %add3A_515 : i32 to index
      %get3A_524 = tpu.vector_load %arg5[%get3A_522, %get3A_523] {strides = array<i32>} : memref<3x1024xf32, #tpu.memory_space<vmem>>, vector<1x16xf32>,
      %get3A_525 = vector.shape_cast %get3A_524 : vector<1x16xf32> to vector<16xf32>
      %get3A_526 = arith.constant 2 : i32
      %get3A_527 = arith.index_cast %get3A_526 : i32 to index
      %get3A_528 = arith.index_cast %add3A_515 : i32 to index
      %get3A_529 = tpu.vector_load %arg5[%get3A_527, %get3A_528] {strides = array<i32>} : memref<3x1024xf32, #tpu.memory_space<vmem>>, vector<1x16xf32>,
      %get3A_530 = vector.shape_cast %get3A_529 : vector<1x16xf32> to vector<16xf32>
      %get3A_531 = arith.index_cast %add3A_515 : i32 to index
      %get3A_532 = tpu.vector_load %arg7[%get3A_531] {strides = array<i32>} : memref<1024xf32, #tpu.memory_space<vmem>>, vector<16xf32>,
      %get3A_533 = vector.shape_cast %get3A_532 : vector<16xf32> to vector<16xf32>
      %mul3A_534 = arith.mulf %broadcast_in_dim3A_313, %get3A_520 : vector<16xf32>
      %add3A_535 = arith.addf %broadcast_in_dim3A_349, %mul3A_534 : vector<16xf32>
      %mul3A_536 = arith.mulf %broadcast_in_dim3A_325, %get3A_525 : vector<16xf32>
      %add3A_537 = arith.addf %add3A_535, %mul3A_536 : vector<16xf32>
      %mul3A_538 = arith.mulf %broadcast_in_dim3A_337, %get3A_530 : vector<16xf32>
      %add3A_539 = arith.addf %add3A_537, %mul3A_538 : vector<16xf32>
      %min3A_540 = arith.minimumf %get3A_533, %add3A_539 : vector<16xf32>
      %mul3A_541 = arith.mulf %broadcast_in_dim3A_316, %get3A_520 : vector<16xf32>
      %add3A_542 = arith.addf %broadcast_in_dim3A_352, %mul3A_541 : vector<16xf32>
      %mul3A_543 = arith.mulf %broadcast_in_dim3A_328, %get3A_525 : vector<16xf32>
      %add3A_544 = arith.addf %add3A_542, %mul3A_543 : vector<16xf32>
      %mul3A_545 = arith.mulf %broadcast_in_dim3A_340, %get3A_530 : vector<16xf32>
      %add3A_546 = arith.addf %add3A_544, %mul3A_545 : vector<16xf32>
      %min3A_547 = arith.minimumf %min3A_540, %add3A_546 : vector<16xf32>
      %mul3A_548 = arith.mulf %broadcast_in_dim3A_319, %get3A_520 : vector<16xf32>
      %add3A_549 = arith.addf %broadcast_in_dim3A_355, %mul3A_548 : vector<16xf32>
      %mul3A_550 = arith.mulf %broadcast_in_dim3A_331, %get3A_525 : vector<16xf32>
      %add3A_551 = arith.addf %add3A_549, %mul3A_550 : vector<16xf32>
      %mul3A_552 = arith.mulf %broadcast_in_dim3A_343, %get3A_530 : vector<16xf32>
      %add3A_553 = arith.addf %add3A_551, %mul3A_552 : vector<16xf32>
      %min3A_554 = arith.minimumf %min3A_547, %add3A_553 : vector<16xf32>
      %mul3A_555 = arith.mulf %broadcast_in_dim3A_322, %get3A_520 : vector<16xf32>
      %add3A_556 = arith.addf %broadcast_in_dim3A_358, %mul3A_555 : vector<16xf32>
      %mul3A_557 = arith.mulf %broadcast_in_dim3A_334, %get3A_525 : vector<16xf32>
      %add3A_558 = arith.addf %add3A_556, %mul3A_557 : vector<16xf32>
      %mul3A_559 = arith.mulf %broadcast_in_dim3A_346, %get3A_530 : vector<16xf32>
      %add3A_560 = arith.addf %add3A_558, %mul3A_559 : vector<16xf32>
      %min3A_561 = arith.minimumf %min3A_554, %add3A_560 : vector<16xf32>
      %swap3A_562 = arith.index_cast %add3A_515 : i32 to index
      %swap3A_563 = tpu.vector_load %arg7[%swap3A_562] {strides = array<i32>} : memref<1024xf32, #tpu.memory_space<vmem>>, vector<16xf32>,
      %swap3A_564 = vector.shape_cast %swap3A_563 : vector<16xf32> to vector<16xf32>
      %swap3A_565 = vector.shape_cast %min3A_561 : vector<16xf32> to vector<16xf32>
      tpu.vector_store %arg7[%swap3A_562], %swap3A_565 {strides = array<i32>} : memref<1024xf32, #tpu.memory_space<vmem>>, vector<16xf32>,
      %slice3A_566 = vector.extract_strided_slice %mul3A_301 {offsets = [4], sizes = [1], strides = [1]} : vector<16xf32> to vector<1xf32>
      %squeeze3A_567 = vector.extract %slice3A_566[0] : f32 from vector<1xf32>
      %broadcast_in_dim3A_568 = vector.broadcast %squeeze3A_567 : f32 to vector<16xf32>
      %slice3A_569 = vector.extract_strided_slice %mul3A_301 {offsets = [5], sizes = [1], strides = [1]} : vector<16xf32> to vector<1xf32>
      %squeeze3A_570 = vector.extract %slice3A_569[0] : f32 from vector<1xf32>
      %broadcast_in_dim3A_571 = vector.broadcast %squeeze3A_570 : f32 to vector<16xf32>
      %slice3A_572 = vector.extract_strided_slice %mul3A_301 {offsets = [6], sizes = [1], strides = [1]} : vector<16xf32> to vector<1xf32>
      %squeeze3A_573 = vector.extract %slice3A_572[0] : f32 from vector<1xf32>
      %broadcast_in_dim3A_574 = vector.broadcast %squeeze3A_573 : f32 to vector<16xf32>
      %slice3A_575 = vector.extract_strided_slice %mul3A_301 {offsets = [7], sizes = [1], strides = [1]} : vector<16xf32> to vector<1xf32>
      %squeeze3A_576 = vector.extract %slice3A_575[0] : f32 from vector<1xf32>
      %broadcast_in_dim3A_577 = vector.broadcast %squeeze3A_576 : f32 to vector<16xf32>
      %slice3A_578 = vector.extract_strided_slice %mul3A_304 {offsets = [4], sizes = [1], strides = [1]} : vector<16xf32> to vector<1xf32>
      %squeeze3A_579 = vector.extract %slice3A_578[0] : f32 from vector<1xf32>
      %broadcast_in_dim3A_580 = vector.broadcast %squeeze3A_579 : f32 to vector<16xf32>
      %slice3A_581 = vector.extract_strided_slice %mul3A_304 {offsets = [5], sizes = [1], strides = [1]} : vector<16xf32> to vector<1xf32>
      %squeeze3A_582 = vector.extract %slice3A_581[0] : f32 from vector<1xf32>
      %broadcast_in_dim3A_583 = vector.broadcast %squeeze3A_582 : f32 to vector<16xf32>
      %slice3A_584 = vector.extract_strided_slice %mul3A_304 {offsets = [6], sizes = [1], strides = [1]} : vector<16xf32> to vector<1xf32>
      %squeeze3A_585 = vector.extract %slice3A_584[0] : f32 from vector<1xf32>
      %broadcast_in_dim3A_586 = vector.broadcast %squeeze3A_585 : f32 to vector<16xf32>
      %slice3A_587 = vector.extract_strided_slice %mul3A_304 {offsets = [7], sizes = [1], strides = [1]} : vector<16xf32> to vector<1xf32>
      %squeeze3A_588 = vector.extract %slice3A_587[0] : f32 from vector<1xf32>
      %broadcast_in_dim3A_589 = vector.broadcast %squeeze3A_588 : f32 to vector<16xf32>
      %slice3A_590 = vector.extract_strided_slice %mul3A_307 {offsets = [4], sizes = [1], strides = [1]} : vector<16xf32> to vector<1xf32>
      %squeeze3A_591 = vector.extract %slice3A_590[0] : f32 from vector<1xf32>
      %broadcast_in_dim3A_592 = vector.broadcast %squeeze3A_591 : f32 to vector<16xf32>
      %slice3A_593 = vector.extract_strided_slice %mul3A_307 {offsets = [5], sizes = [1], strides = [1]} : vector<16xf32> to vector<1xf32>
      %squeeze3A_594 = vector.extract %slice3A_593[0] : f32 from vector<1xf32>
      %broadcast_in_dim3A_595 = vector.broadcast %squeeze3A_594 : f32 to vector<16xf32>
      %slice3A_596 = vector.extract_strided_slice %mul3A_307 {offsets = [6], sizes = [1], strides = [1]} : vector<16xf32> to vector<1xf32>
      %squeeze3A_597 = vector.extract %slice3A_596[0] : f32 from vector<1xf32>
      %broadcast_in_dim3A_598 = vector.broadcast %squeeze3A_597 : f32 to vector<16xf32>
      %slice3A_599 = vector.extract_strided_slice %mul3A_307 {offsets = [7], sizes = [1], strides = [1]} : vector<16xf32> to vector<1xf32>
      %squeeze3A_600 = vector.extract %slice3A_599[0] : f32 from vector<1xf32>
      %broadcast_in_dim3A_601 = vector.broadcast %squeeze3A_600 : f32 to vector<16xf32>
      %slice3A_602 = vector.extract_strided_slice %add3A_312 {offsets = [4], sizes = [1], strides = [1]} : vector<16xf32> to vector<1xf32>
      %squeeze3A_603 = vector.extract %slice3A_602[0] : f32 from vector<1xf32>
      %broadcast_in_dim3A_604 = vector.broadcast %squeeze3A_603 : f32 to vector<16xf32>
      %slice3A_605 = vector.extract_strided_slice %add3A_312 {offsets = [5], sizes = [1], strides = [1]} : vector<16xf32> to vector<1xf32>
      %squeeze3A_606 = vector.extract %slice3A_605[0] : f32 from vector<1xf32>
      %broadcast_in_dim3A_607 = vector.broadcast %squeeze3A_606 : f32 to vector<16xf32>
      %slice3A_608 = vector.extract_strided_slice %add3A_312 {offsets = [6], sizes = [1], strides = [1]} : vector<16xf32> to vector<1xf32>
      %squeeze3A_609 = vector.extract %slice3A_608[0] : f32 from vector<1xf32>
      %broadcast_in_dim3A_610 = vector.broadcast %squeeze3A_609 : f32 to vector<16xf32>
      %slice3A_611 = vector.extract_strided_slice %add3A_312 {offsets = [7], sizes = [1], strides = [1]} : vector<16xf32> to vector<1xf32>
      %squeeze3A_612 = vector.extract %slice3A_611[0] : f32 from vector<1xf32>
      %broadcast_in_dim3A_613 = vector.broadcast %squeeze3A_612 : f32 to vector<16xf32>
      %add3A_614 = arith.constant 0 : i32
      %add3A_615 = arith.addi %mul3A_0, %add3A_614 : i32
      %get3A_616 = arith.constant 0 : i32
      %get3A_617 = arith.index_cast %get3A_616 : i32 to index
      %get3A_618 = arith.index_cast %add3A_615 : i32 to index
      %get3A_619 = tpu.vector_load %arg5[%get3A_617, %get3A_618] {strides = array<i32>} : memref<3x1024xf32, #tpu.memory_space<vmem>>, vector<1x16xf32>,
      %get3A_620 = vector.shape_cast %get3A_619 : vector<1x16xf32> to vector<16xf32>
      %get3A_621 = arith.constant 1 : i32
      %get3A_622 = arith.index_cast %get3A_621 : i32 to index
      %get3A_623 = arith.index_cast %add3A_615 : i32 to index
      %get3A_624 = tpu.vector_load %arg5[%get3A_622, %get3A_623] {strides = array<i32>} : memref<3x1024xf32, #tpu.memory_space<vmem>>, vector<1x16xf32>,
      %get3A_625 = vector.shape_cast %get3A_624 : vector<1x16xf32> to vector<16xf32>
      %get3A_626 = arith.constant 2 : i32
      %get3A_627 = arith.index_cast %get3A_626 : i32 to index
      %get3A_628 = arith.index_cast %add3A_615 : i32 to index
      %get3A_629 = tpu.vector_load %arg5[%get3A_627, %get3A_628] {strides = array<i32>} : memref<3x1024xf32, #tpu.memory_space<vmem>>, vector<1x16xf32>,
      %get3A_630 = vector.shape_cast %get3A_629 : vector<1x16xf32> to vector<16xf32>
      %get3A_631 = arith.index_cast %add3A_615 : i32 to index
      %get3A_632 = tpu.vector_load %arg7[%get3A_631] {strides = array<i32>} : memref<1024xf32, #tpu.memory_space<vmem>>, vector<16xf32>,
      %get3A_633 = vector.shape_cast %get3A_632 : vector<16xf32> to vector<16xf32>
      %mul3A_634 = arith.mulf %broadcast_in_dim3A_568, %get3A_620 : vector<16xf32>
      %add3A_635 = arith.addf %broadcast_in_dim3A_604, %mul3A_634 : vector<16xf32>
      %mul3A_636 = arith.mulf %broadcast_in_dim3A_580, %get3A_625 : vector<16xf32>
      %add3A_637 = arith.addf %add3A_635, %mul3A_636 : vector<16xf32>
      %mul3A_638 = arith.mulf %broadcast_in_dim3A_592, %get3A_630 : vector<16xf32>
      %add3A_639 = arith.addf %add3A_637, %mul3A_638 : vector<16xf32>
      %min3A_640 = arith.minimumf %get3A_633, %add3A_639 : vector<16xf32>
      %mul3A_641 = arith.mulf %broadcast_in_dim3A_571, %get3A_620 : vector<16xf32>
      %add3A_642 = arith.addf %broadcast_in_dim3A_607, %mul3A_641 : vector<16xf32>
      %mul3A_643 = arith.mulf %broadcast_in_dim3A_583, %get3A_625 : vector<16xf32>
      %add3A_644 = arith.addf %add3A_642, %mul3A_643 : vector<16xf32>
      %mul3A_645 = arith.mulf %broadcast_in_dim3A_595, %get3A_630 : vector<16xf32>
      %add3A_646 = arith.addf %add3A_644, %mul3A_645 : vector<16xf32>
      %min3A_647 = arith.minimumf %min3A_640, %add3A_646 : vector<16xf32>
      %mul3A_648 = arith.mulf %broadcast_in_dim3A_574, %get3A_620 : vector<16xf32>
      %add3A_649 = arith.addf %broadcast_in_dim3A_610, %mul3A_648 : vector<16xf32>
      %mul3A_650 = arith.mulf %broadcast_in_dim3A_586, %get3A_625 : vector<16xf32>
      %add3A_651 = arith.addf %add3A_649, %mul3A_650 : vector<16xf32>
      %mul3A_652 = arith.mulf %broadcast_in_dim3A_598, %get3A_630 : vector<16xf32>
      %add3A_653 = arith.addf %add3A_651, %mul3A_652 : vector<16xf32>
      %min3A_654 = arith.minimumf %min3A_647, %add3A_653 : vector<16xf32>
      %mul3A_655 = arith.mulf %broadcast_in_dim3A_577, %get3A_620 : vector<16xf32>
      %add3A_656 = arith.addf %broadcast_in_dim3A_613, %mul3A_655 : vector<16xf32>
      %mul3A_657 = arith.mulf %broadcast_in_dim3A_589, %get3A_625 : vector<16xf32>
      %add3A_658 = arith.addf %add3A_656, %mul3A_657 : vector<16xf32>
      %mul3A_659 = arith.mulf %broadcast_in_dim3A_601, %get3A_630 : vector<16xf32>
      %add3A_660 = arith.addf %add3A_658, %mul3A_659 : vector<16xf32>
      %min3A_661 = arith.minimumf %min3A_654, %add3A_660 : vector<16xf32>
      %swap3A_662 = arith.index_cast %add3A_615 : i32 to index
      %swap3A_663 = tpu.vector_load %arg7[%swap3A_662] {strides = array<i32>} : memref<1024xf32, #tpu.memory_space<vmem>>, vector<16xf32>,
      %swap3A_664 = vector.shape_cast %swap3A_663 : vector<16xf32> to vector<16xf32>
      %swap3A_665 = vector.shape_cast %min3A_661 : vector<16xf32> to vector<16xf32>
      tpu.vector_store %arg7[%swap3A_662], %swap3A_665 {strides = array<i32>} : memref<1024xf32, #tpu.memory_space<vmem>>, vector<16xf32>,
      %add3A_666 = arith.constant 16 : i32
      %add3A_667 = arith.addi %mul3A_0, %add3A_666 : i32
      %get3A_668 = arith.constant 0 : i32
      %get3A_669 = arith.index_cast %get3A_668 : i32 to index
      %get3A_670 = arith.index_cast %add3A_667 : i32 to index
      %get3A_671 = tpu.vector_load %arg5[%get3A_669, %get3A_670] {strides = array<i32>} : memref<3x1024xf32, #tpu.memory_space<vmem>>, vector<1x16xf32>,
      %get3A_672 = vector.shape_cast %get3A_671 : vector<1x16xf32> to vector<16xf32>
      %get3A_673 = arith.constant 1 : i32
      %get3A_674 = arith.index_cast %get3A_673 : i32 to index
      %get3A_675 = arith.index_cast %add3A_667 : i32 to index
      %get3A_676 = tpu.vector_load %arg5[%get3A_674, %get3A_675] {strides = array<i32>} : memref<3x1024xf32, #tpu.memory_space<vmem>>, vector<1x16xf32>,
      %get3A_677 = vector.shape_cast %get3A_676 : vector<1x16xf32> to vector<16xf32>
      %get3A_678 = arith.constant 2 : i32
      %get3A_679 = arith.index_cast %get3A_678 : i32 to index
      %get3A_680 = arith.index_cast %add3A_667 : i32 to index
      %get3A_681 = tpu.vector_load %arg5[%get3A_679, %get3A_680] {strides = array<i32>} : memref<3x1024xf32, #tpu.memory_space<vmem>>, vector<1x16xf32>,
      %get3A_682 = vector.shape_cast %get3A_681 : vector<1x16xf32> to vector<16xf32>
      %get3A_683 = arith.index_cast %add3A_667 : i32 to index
      %get3A_684 = tpu.vector_load %arg7[%get3A_683] {strides = array<i32>} : memref<1024xf32, #tpu.memory_space<vmem>>, vector<16xf32>,
      %get3A_685 = vector.shape_cast %get3A_684 : vector<16xf32> to vector<16xf32>
      %mul3A_686 = arith.mulf %broadcast_in_dim3A_568, %get3A_672 : vector<16xf32>
      %add3A_687 = arith.addf %broadcast_in_dim3A_604, %mul3A_686 : vector<16xf32>
      %mul3A_688 = arith.mulf %broadcast_in_dim3A_580, %get3A_677 : vector<16xf32>
      %add3A_689 = arith.addf %add3A_687, %mul3A_688 : vector<16xf32>
      %mul3A_690 = arith.mulf %broadcast_in_dim3A_592, %get3A_682 : vector<16xf32>
      %add3A_691 = arith.addf %add3A_689, %mul3A_690 : vector<16xf32>
      %min3A_692 = arith.minimumf %get3A_685, %add3A_691 : vector<16xf32>
      %mul3A_693 = arith.mulf %broadcast_in_dim3A_571, %get3A_672 : vector<16xf32>
      %add3A_694 = arith.addf %broadcast_in_dim3A_607, %mul3A_693 : vector<16xf32>
      %mul3A_695 = arith.mulf %broadcast_in_dim3A_583, %get3A_677 : vector<16xf32>
      %add3A_696 = arith.addf %add3A_694, %mul3A_695 : vector<16xf32>
      %mul3A_697 = arith.mulf %broadcast_in_dim3A_595, %get3A_682 : vector<16xf32>
      %add3A_698 = arith.addf %add3A_696, %mul3A_697 : vector<16xf32>
      %min3A_699 = arith.minimumf %min3A_692, %add3A_698 : vector<16xf32>
      %mul3A_700 = arith.mulf %broadcast_in_dim3A_574, %get3A_672 : vector<16xf32>
      %add3A_701 = arith.addf %broadcast_in_dim3A_610, %mul3A_700 : vector<16xf32>
      %mul3A_702 = arith.mulf %broadcast_in_dim3A_586, %get3A_677 : vector<16xf32>
      %add3A_703 = arith.addf %add3A_701, %mul3A_702 : vector<16xf32>
      %mul3A_704 = arith.mulf %broadcast_in_dim3A_598, %get3A_682 : vector<16xf32>
      %add3A_705 = arith.addf %add3A_703, %mul3A_704 : vector<16xf32>
      %min3A_706 = arith.minimumf %min3A_699, %add3A_705 : vector<16xf32>
      %mul3A_707 = arith.mulf %broadcast_in_dim3A_577, %get3A_672 : vector<16xf32>
      %add3A_708 = arith.addf %broadcast_in_dim3A_613, %mul3A_707 : vector<16xf32>
      %mul3A_709 = arith.mulf %broadcast_in_dim3A_589, %get3A_677 : vector<16xf32>
      %add3A_710 = arith.addf %add3A_708, %mul3A_709 : vector<16xf32>
      %mul3A_711 = arith.mulf %broadcast_in_dim3A_601, %get3A_682 : vector<16xf32>
      %add3A_712 = arith.addf %add3A_710, %mul3A_711 : vector<16xf32>
      %min3A_713 = arith.minimumf %min3A_706, %add3A_712 : vector<16xf32>
      %swap3A_714 = arith.index_cast %add3A_667 : i32 to index
      %swap3A_715 = tpu.vector_load %arg7[%swap3A_714] {strides = array<i32>} : memref<1024xf32, #tpu.memory_space<vmem>>, vector<16xf32>,
      %swap3A_716 = vector.shape_cast %swap3A_715 : vector<16xf32> to vector<16xf32>
      %swap3A_717 = vector.shape_cast %min3A_713 : vector<16xf32> to vector<16xf32>
      tpu.vector_store %arg7[%swap3A_714], %swap3A_717 {strides = array<i32>} : memref<1024xf32, #tpu.memory_space<vmem>>, vector<16xf32>,
      %add3A_718 = arith.constant 32 : i32
      %add3A_719 = arith.addi %mul3A_0, %add3A_718 : i32
      %get3A_720 = arith.constant 0 : i32
      %get3A_721 = arith.index_cast %get3A_720 : i32 to index
      %get3A_722 = arith.index_cast %add3A_719 : i32 to index
      %get3A_723 = tpu.vector_load %arg5[%get3A_721, %get3A_722] {strides = array<i32>} : memref<3x1024xf32, #tpu.memory_space<vmem>>, vector<1x16xf32>,
      %get3A_724 = vector.shape_cast %get3A_723 : vector<1x16xf32> to vector<16xf32>
      %get3A_725 = arith.constant 1 : i32
      %get3A_726 = arith.index_cast %get3A_725 : i32 to index
      %get3A_727 = arith.index_cast %add3A_719 : i32 to index
      %get3A_728 = tpu.vector_load %arg5[%get3A_726, %get3A_727] {strides = array<i32>} : memref<3x1024xf32, #tpu.memory_space<vmem>>, vector<1x16xf32>,
      %get3A_729 = vector.shape_cast %get3A_728 : vector<1x16xf32> to vector<16xf32>
      %get3A_730 = arith.constant 2 : i32
      %get3A_731 = arith.index_cast %get3A_730 : i32 to index
      %get3A_732 = arith.index_cast %add3A_719 : i32 to index
      %get3A_733 = tpu.vector_load %arg5[%get3A_731, %get3A_732] {strides = array<i32>} : memref<3x1024xf32, #tpu.memory_space<vmem>>, vector<1x16xf32>,
      %get3A_734 = vector.shape_cast %get3A_733 : vector<1x16xf32> to vector<16xf32>
      %get3A_735 = arith.index_cast %add3A_719 : i32 to index
      %get3A_736 = tpu.vector_load %arg7[%get3A_735] {strides = array<i32>} : memref<1024xf32, #tpu.memory_space<vmem>>, vector<16xf32>,
      %get3A_737 = vector.shape_cast %get3A_736 : vector<16xf32> to vector<16xf32>
      %mul3A_738 = arith.mulf %broadcast_in_dim3A_568, %get3A_724 : vector<16xf32>
      %add3A_739 = arith.addf %broadcast_in_dim3A_604, %mul3A_738 : vector<16xf32>
      %mul3A_740 = arith.mulf %broadcast_in_dim3A_580, %get3A_729 : vector<16xf32>
      %add3A_741 = arith.addf %add3A_739, %mul3A_740 : vector<16xf32>
      %mul3A_742 = arith.mulf %broadcast_in_dim3A_592, %get3A_734 : vector<16xf32>
      %add3A_743 = arith.addf %add3A_741, %mul3A_742 : vector<16xf32>
      %min3A_744 = arith.minimumf %get3A_737, %add3A_743 : vector<16xf32>
      %mul3A_745 = arith.mulf %broadcast_in_dim3A_571, %get3A_724 : vector<16xf32>
      %add3A_746 = arith.addf %broadcast_in_dim3A_607, %mul3A_745 : vector<16xf32>
      %mul3A_747 = arith.mulf %broadcast_in_dim3A_583, %get3A_729 : vector<16xf32>
      %add3A_748 = arith.addf %add3A_746, %mul3A_747 : vector<16xf32>
      %mul3A_749 = arith.mulf %broadcast_in_dim3A_595, %get3A_734 : vector<16xf32>
      %add3A_750 = arith.addf %add3A_748, %mul3A_749 : vector<16xf32>
      %min3A_751 = arith.minimumf %min3A_744, %add3A_750 : vector<16xf32>
      %mul3A_752 = arith.mulf %broadcast_in_dim3A_574, %get3A_724 : vector<16xf32>
      %add3A_753 = arith.addf %broadcast_in_dim3A_610, %mul3A_752 : vector<16xf32>
      %mul3A_754 = arith.mulf %broadcast_in_dim3A_586, %get3A_729 : vector<16xf32>
      %add3A_755 = arith.addf %add3A_753, %mul3A_754 : vector<16xf32>
      %mul3A_756 = arith.mulf %broadcast_in_dim3A_598, %get3A_734 : vector<16xf32>
      %add3A_757 = arith.addf %add3A_755, %mul3A_756 : vector<16xf32>
      %min3A_758 = arith.minimumf %min3A_751, %add3A_757 : vector<16xf32>
      %mul3A_759 = arith.mulf %broadcast_in_dim3A_577, %get3A_724 : vector<16xf32>
      %add3A_760 = arith.addf %broadcast_in_dim3A_613, %mul3A_759 : vector<16xf32>
      %mul3A_761 = arith.mulf %broadcast_in_dim3A_589, %get3A_729 : vector<16xf32>
      %add3A_762 = arith.addf %add3A_760, %mul3A_761 : vector<16xf32>
      %mul3A_763 = arith.mulf %broadcast_in_dim3A_601, %get3A_734 : vector<16xf32>
      %add3A_764 = arith.addf %add3A_762, %mul3A_763 : vector<16xf32>
      %min3A_765 = arith.minimumf %min3A_758, %add3A_764 : vector<16xf32>
      %swap3A_766 = arith.index_cast %add3A_719 : i32 to index
      %swap3A_767 = tpu.vector_load %arg7[%swap3A_766] {strides = array<i32>} : memref<1024xf32, #tpu.memory_space<vmem>>, vector<16xf32>,
      %swap3A_768 = vector.shape_cast %swap3A_767 : vector<16xf32> to vector<16xf32>
      %swap3A_769 = vector.shape_cast %min3A_765 : vector<16xf32> to vector<16xf32>
      tpu.vector_store %arg7[%swap3A_766], %swap3A_769 {strides = array<i32>} : memref<1024xf32, #tpu.memory_space<vmem>>, vector<16xf32>,
      %add3A_770 = arith.constant 48 : i32
      %add3A_771 = arith.addi %mul3A_0, %add3A_770 : i32
      %get3A_772 = arith.constant 0 : i32
      %get3A_773 = arith.index_cast %get3A_772 : i32 to index
      %get3A_774 = arith.index_cast %add3A_771 : i32 to index
      %get3A_775 = tpu.vector_load %arg5[%get3A_773, %get3A_774] {strides = array<i32>} : memref<3x1024xf32, #tpu.memory_space<vmem>>, vector<1x16xf32>,
      %get3A_776 = vector.shape_cast %get3A_775 : vector<1x16xf32> to vector<16xf32>
      %get3A_777 = arith.constant 1 : i32
      %get3A_778 = arith.index_cast %get3A_777 : i32 to index
      %get3A_779 = arith.index_cast %add3A_771 : i32 to index
      %get3A_780 = tpu.vector_load %arg5[%get3A_778, %get3A_779] {strides = array<i32>} : memref<3x1024xf32, #tpu.memory_space<vmem>>, vector<1x16xf32>,
      %get3A_781 = vector.shape_cast %get3A_780 : vector<1x16xf32> to vector<16xf32>
      %get3A_782 = arith.constant 2 : i32
      %get3A_783 = arith.index_cast %get3A_782 : i32 to index
      %get3A_784 = arith.index_cast %add3A_771 : i32 to index
      %get3A_785 = tpu.vector_load %arg5[%get3A_783, %get3A_784] {strides = array<i32>} : memref<3x1024xf32, #tpu.memory_space<vmem>>, vector<1x16xf32>,
      %get3A_786 = vector.shape_cast %get3A_785 : vector<1x16xf32> to vector<16xf32>
      %get3A_787 = arith.index_cast %add3A_771 : i32 to index
      %get3A_788 = tpu.vector_load %arg7[%get3A_787] {strides = array<i32>} : memref<1024xf32, #tpu.memory_space<vmem>>, vector<16xf32>,
      %get3A_789 = vector.shape_cast %get3A_788 : vector<16xf32> to vector<16xf32>
      %mul3A_790 = arith.mulf %broadcast_in_dim3A_568, %get3A_776 : vector<16xf32>
      %add3A_791 = arith.addf %broadcast_in_dim3A_604, %mul3A_790 : vector<16xf32>
      %mul3A_792 = arith.mulf %broadcast_in_dim3A_580, %get3A_781 : vector<16xf32>
      %add3A_793 = arith.addf %add3A_791, %mul3A_792 : vector<16xf32>
      %mul3A_794 = arith.mulf %broadcast_in_dim3A_592, %get3A_786 : vector<16xf32>
      %add3A_795 = arith.addf %add3A_793, %mul3A_794 : vector<16xf32>
      %min3A_796 = arith.minimumf %get3A_789, %add3A_795 : vector<16xf32>
      %mul3A_797 = arith.mulf %broadcast_in_dim3A_571, %get3A_776 : vector<16xf32>
      %add3A_798 = arith.addf %broadcast_in_dim3A_607, %mul3A_797 : vector<16xf32>
      %mul3A_799 = arith.mulf %broadcast_in_dim3A_583, %get3A_781 : vector<16xf32>
      %add3A_800 = arith.addf %add3A_798, %mul3A_799 : vector<16xf32>
      %mul3A_801 = arith.mulf %broadcast_in_dim3A_595, %get3A_786 : vector<16xf32>
      %add3A_802 = arith.addf %add3A_800, %mul3A_801 : vector<16xf32>
      %min3A_803 = arith.minimumf %min3A_796, %add3A_802 : vector<16xf32>
      %mul3A_804 = arith.mulf %broadcast_in_dim3A_574, %get3A_776 : vector<16xf32>
      %add3A_805 = arith.addf %broadcast_in_dim3A_610, %mul3A_804 : vector<16xf32>
      %mul3A_806 = arith.mulf %broadcast_in_dim3A_586, %get3A_781 : vector<16xf32>
      %add3A_807 = arith.addf %add3A_805, %mul3A_806 : vector<16xf32>
      %mul3A_808 = arith.mulf %broadcast_in_dim3A_598, %get3A_786 : vector<16xf32>
      %add3A_809 = arith.addf %add3A_807, %mul3A_808 : vector<16xf32>
      %min3A_810 = arith.minimumf %min3A_803, %add3A_809 : vector<16xf32>
      %mul3A_811 = arith.mulf %broadcast_in_dim3A_577, %get3A_776 : vector<16xf32>
      %add3A_812 = arith.addf %broadcast_in_dim3A_613, %mul3A_811 : vector<16xf32>
      %mul3A_813 = arith.mulf %broadcast_in_dim3A_589, %get3A_781 : vector<16xf32>
      %add3A_814 = arith.addf %add3A_812, %mul3A_813 : vector<16xf32>
      %mul3A_815 = arith.mulf %broadcast_in_dim3A_601, %get3A_786 : vector<16xf32>
      %add3A_816 = arith.addf %add3A_814, %mul3A_815 : vector<16xf32>
      %min3A_817 = arith.minimumf %min3A_810, %add3A_816 : vector<16xf32>
      %swap3A_818 = arith.index_cast %add3A_771 : i32 to index
      %swap3A_819 = tpu.vector_load %arg7[%swap3A_818] {strides = array<i32>} : memref<1024xf32, #tpu.memory_space<vmem>>, vector<16xf32>,
      %swap3A_820 = vector.shape_cast %swap3A_819 : vector<16xf32> to vector<16xf32>
      %swap3A_821 = vector.shape_cast %min3A_817 : vector<16xf32> to vector<16xf32>
      tpu.vector_store %arg7[%swap3A_818], %swap3A_821 {strides = array<i32>} : memref<1024xf32, #tpu.memory_space<vmem>>, vector<16xf32>,
      %slice3A_822 = vector.extract_strided_slice %mul3A_301 {offsets = [8], sizes = [1], strides = [1]} : vector<16xf32> to vector<1xf32>
      %squeeze3A_823 = vector.extract %slice3A_822[0] : f32 from vector<1xf32>
      %broadcast_in_dim3A_824 = vector.broadcast %squeeze3A_823 : f32 to vector<16xf32>
      %slice3A_825 = vector.extract_strided_slice %mul3A_301 {offsets = [9], sizes = [1], strides = [1]} : vector<16xf32> to vector<1xf32>
      %squeeze3A_826 = vector.extract %slice3A_825[0] : f32 from vector<1xf32>
      %broadcast_in_dim3A_827 = vector.broadcast %squeeze3A_826 : f32 to vector<16xf32>
      %slice3A_828 = vector.extract_strided_slice %mul3A_301 {offsets = [10], sizes = [1], strides = [1]} : vector<16xf32> to vector<1xf32>
      %squeeze3A_829 = vector.extract %slice3A_828[0] : f32 from vector<1xf32>
      %broadcast_in_dim3A_830 = vector.broadcast %squeeze3A_829 : f32 to vector<16xf32>
      %slice3A_831 = vector.extract_strided_slice %mul3A_301 {offsets = [11], sizes = [1], strides = [1]} : vector<16xf32> to vector<1xf32>
      %squeeze3A_832 = vector.extract %slice3A_831[0] : f32 from vector<1xf32>
      %broadcast_in_dim3A_833 = vector.broadcast %squeeze3A_832 : f32 to vector<16xf32>
      %slice3A_834 = vector.extract_strided_slice %mul3A_304 {offsets = [8], sizes = [1], strides = [1]} : vector<16xf32> to vector<1xf32>
      %squeeze3A_835 = vector.extract %slice3A_834[0] : f32 from vector<1xf32>
      %broadcast_in_dim3A_836 = vector.broadcast %squeeze3A_835 : f32 to vector<16xf32>
      %slice3A_837 = vector.extract_strided_slice %mul3A_304 {offsets = [9], sizes = [1], strides = [1]} : vector<16xf32> to vector<1xf32>
      %squeeze3A_838 = vector.extract %slice3A_837[0] : f32 from vector<1xf32>
      %broadcast_in_dim3A_839 = vector.broadcast %squeeze3A_838 : f32 to vector<16xf32>
      %slice3A_840 = vector.extract_strided_slice %mul3A_304 {offsets = [10], sizes = [1], strides = [1]} : vector<16xf32> to vector<1xf32>
      %squeeze3A_841 = vector.extract %slice3A_840[0] : f32 from vector<1xf32>
      %broadcast_in_dim3A_842 = vector.broadcast %squeeze3A_841 : f32 to vector<16xf32>
      %slice3A_843 = vector.extract_strided_slice %mul3A_304 {offsets = [11], sizes = [1], strides = [1]} : vector<16xf32> to vector<1xf32>
      %squeeze3A_844 = vector.extract %slice3A_843[0] : f32 from vector<1xf32>
      %broadcast_in_dim3A_845 = vector.broadcast %squeeze3A_844 : f32 to vector<16xf32>
      %slice3A_846 = vector.extract_strided_slice %mul3A_307 {offsets = [8], sizes = [1], strides = [1]} : vector<16xf32> to vector<1xf32>
      %squeeze3A_847 = vector.extract %slice3A_846[0] : f32 from vector<1xf32>
      %broadcast_in_dim3A_848 = vector.broadcast %squeeze3A_847 : f32 to vector<16xf32>
      %slice3A_849 = vector.extract_strided_slice %mul3A_307 {offsets = [9], sizes = [1], strides = [1]} : vector<16xf32> to vector<1xf32>
      %squeeze3A_850 = vector.extract %slice3A_849[0] : f32 from vector<1xf32>
      %broadcast_in_dim3A_851 = vector.broadcast %squeeze3A_850 : f32 to vector<16xf32>
      %slice3A_852 = vector.extract_strided_slice %mul3A_307 {offsets = [10], sizes = [1], strides = [1]} : vector<16xf32> to vector<1xf32>
      %squeeze3A_853 = vector.extract %slice3A_852[0] : f32 from vector<1xf32>
      %broadcast_in_dim3A_854 = vector.broadcast %squeeze3A_853 : f32 to vector<16xf32>
      %slice3A_855 = vector.extract_strided_slice %mul3A_307 {offsets = [11], sizes = [1], strides = [1]} : vector<16xf32> to vector<1xf32>
      %squeeze3A_856 = vector.extract %slice3A_855[0] : f32 from vector<1xf32>
      %broadcast_in_dim3A_857 = vector.broadcast %squeeze3A_856 : f32 to vector<16xf32>
      %slice3A_858 = vector.extract_strided_slice %add3A_312 {offsets = [8], sizes = [1], strides = [1]} : vector<16xf32> to vector<1xf32>
      %squeeze3A_859 = vector.extract %slice3A_858[0] : f32 from vector<1xf32>
      %broadcast_in_dim3A_860 = vector.broadcast %squeeze3A_859 : f32 to vector<16xf32>
      %slice3A_861 = vector.extract_strided_slice %add3A_312 {offsets = [9], sizes = [1], strides = [1]} : vector<16xf32> to vector<1xf32>
      %squeeze3A_862 = vector.extract %slice3A_861[0] : f32 from vector<1xf32>
      %broadcast_in_dim3A_863 = vector.broadcast %squeeze3A_862 : f32 to vector<16xf32>
      %slice3A_864 = vector.extract_strided_slice %add3A_312 {offsets = [10], sizes = [1], strides = [1]} : vector<16xf32> to vector<1xf32>
      %squeeze3A_865 = vector.extract %slice3A_864[0] : f32 from vector<1xf32>
      %broadcast_in_dim3A_866 = vector.broadcast %squeeze3A_865 : f32 to vector<16xf32>
      %slice3A_867 = vector.extract_strided_slice %add3A_312 {offsets = [11], sizes = [1], strides = [1]} : vector<16xf32> to vector<1xf32>
      %squeeze3A_868 = vector.extract %slice3A_867[0] : f32 from vector<1xf32>
      %broadcast_in_dim3A_869 = vector.broadcast %squeeze3A_868 : f32 to vector<16xf32>
      %add3A_870 = arith.constant 0 : i32
      %add3A_871 = arith.addi %mul3A_0, %add3A_870 : i32
      %get3A_872 = arith.constant 0 : i32
      %get3A_873 = arith.index_cast %get3A_872 : i32 to index
      %get3A_874 = arith.index_cast %add3A_871 : i32 to index
      %get3A_875 = tpu.vector_load %arg5[%get3A_873, %get3A_874] {strides = array<i32>} : memref<3x1024xf32, #tpu.memory_space<vmem>>, vector<1x16xf32>,
      %get3A_876 = vector.shape_cast %get3A_875 : vector<1x16xf32> to vector<16xf32>
      %get3A_877 = arith.constant 1 : i32
      %get3A_878 = arith.index_cast %get3A_877 : i32 to index
      %get3A_879 = arith.index_cast %add3A_871 : i32 to index
      %get3A_880 = tpu.vector_load %arg5[%get3A_878, %get3A_879] {strides = array<i32>} : memref<3x1024xf32, #tpu.memory_space<vmem>>, vector<1x16xf32>,
      %get3A_881 = vector.shape_cast %get3A_880 : vector<1x16xf32> to vector<16xf32>
      %get3A_882 = arith.constant 2 : i32
      %get3A_883 = arith.index_cast %get3A_882 : i32 to index
      %get3A_884 = arith.index_cast %add3A_871 : i32 to index
      %get3A_885 = tpu.vector_load %arg5[%get3A_883, %get3A_884] {strides = array<i32>} : memref<3x1024xf32, #tpu.memory_space<vmem>>, vector<1x16xf32>,
      %get3A_886 = vector.shape_cast %get3A_885 : vector<1x16xf32> to vector<16xf32>
      %get3A_887 = arith.index_cast %add3A_871 : i32 to index
      %get3A_888 = tpu.vector_load %arg7[%get3A_887] {strides = array<i32>} : memref<1024xf32, #tpu.memory_space<vmem>>, vector<16xf32>,
      %get3A_889 = vector.shape_cast %get3A_888 : vector<16xf32> to vector<16xf32>
      %mul3A_890 = arith.mulf %broadcast_in_dim3A_824, %get3A_876 : vector<16xf32>
      %add3A_891 = arith.addf %broadcast_in_dim3A_860, %mul3A_890 : vector<16xf32>
      %mul3A_892 = arith.mulf %broadcast_in_dim3A_836, %get3A_881 : vector<16xf32>
      %add3A_893 = arith.addf %add3A_891, %mul3A_892 : vector<16xf32>
      %mul3A_894 = arith.mulf %broadcast_in_dim3A_848, %get3A_886 : vector<16xf32>
      %add3A_895 = arith.addf %add3A_893, %mul3A_894 : vector<16xf32>
      %min3A_896 = arith.minimumf %get3A_889, %add3A_895 : vector<16xf32>
      %mul3A_897 = arith.mulf %broadcast_in_dim3A_827, %get3A_876 : vector<16xf32>
      %add3A_898 = arith.addf %broadcast_in_dim3A_863, %mul3A_897 : vector<16xf32>
      %mul3A_899 = arith.mulf %broadcast_in_dim3A_839, %get3A_881 : vector<16xf32>
      %add3A_900 = arith.addf %add3A_898, %mul3A_899 : vector<16xf32>
      %mul3A_901 = arith.mulf %broadcast_in_dim3A_851, %get3A_886 : vector<16xf32>
      %add3A_902 = arith.addf %add3A_900, %mul3A_901 : vector<16xf32>
      %min3A_903 = arith.minimumf %min3A_896, %add3A_902 : vector<16xf32>
      %mul3A_904 = arith.mulf %broadcast_in_dim3A_830, %get3A_876 : vector<16xf32>
      %add3A_905 = arith.addf %broadcast_in_dim3A_866, %mul3A_904 : vector<16xf32>
      %mul3A_906 = arith.mulf %broadcast_in_dim3A_842, %get3A_881 : vector<16xf32>
      %add3A_907 = arith.addf %add3A_905, %mul3A_906 : vector<16xf32>
      %mul3A_908 = arith.mulf %broadcast_in_dim3A_854, %get3A_886 : vector<16xf32>
      %add3A_909 = arith.addf %add3A_907, %mul3A_908 : vector<16xf32>
      %min3A_910 = arith.minimumf %min3A_903, %add3A_909 : vector<16xf32>
      %mul3A_911 = arith.mulf %broadcast_in_dim3A_833, %get3A_876 : vector<16xf32>
      %add3A_912 = arith.addf %broadcast_in_dim3A_869, %mul3A_911 : vector<16xf32>
      %mul3A_913 = arith.mulf %broadcast_in_dim3A_845, %get3A_881 : vector<16xf32>
      %add3A_914 = arith.addf %add3A_912, %mul3A_913 : vector<16xf32>
      %mul3A_915 = arith.mulf %broadcast_in_dim3A_857, %get3A_886 : vector<16xf32>
      %add3A_916 = arith.addf %add3A_914, %mul3A_915 : vector<16xf32>
      %min3A_917 = arith.minimumf %min3A_910, %add3A_916 : vector<16xf32>
      %swap3A_918 = arith.index_cast %add3A_871 : i32 to index
      %swap3A_919 = tpu.vector_load %arg7[%swap3A_918] {strides = array<i32>} : memref<1024xf32, #tpu.memory_space<vmem>>, vector<16xf32>,
      %swap3A_920 = vector.shape_cast %swap3A_919 : vector<16xf32> to vector<16xf32>
      %swap3A_921 = vector.shape_cast %min3A_917 : vector<16xf32> to vector<16xf32>
      tpu.vector_store %arg7[%swap3A_918], %swap3A_921 {strides = array<i32>} : memref<1024xf32, #tpu.memory_space<vmem>>, vector<16xf32>,
      %add3A_922 = arith.constant 16 : i32
      %add3A_923 = arith.addi %mul3A_0, %add3A_922 : i32
      %get3A_924 = arith.constant 0 : i32
      %get3A_925 = arith.index_cast %get3A_924 : i32 to index
      %get3A_926 = arith.index_cast %add3A_923 : i32 to index
      %get3A_927 = tpu.vector_load %arg5[%get3A_925, %get3A_926] {strides = array<i32>} : memref<3x1024xf32, #tpu.memory_space<vmem>>, vector<1x16xf32>,
      %get3A_928 = vector.shape_cast %get3A_927 : vector<1x16xf32> to vector<16xf32>
      %get3A_929 = arith.constant 1 : i32
      %get3A_930 = arith.index_cast %get3A_929 : i32 to index
      %get3A_931 = arith.index_cast %add3A_923 : i32 to index
      %get3A_932 = tpu.vector_load %arg5[%get3A_930, %get3A_931] {strides = array<i32>} : memref<3x1024xf32, #tpu.memory_space<vmem>>, vector<1x16xf32>,
      %get3A_933 = vector.shape_cast %get3A_932 : vector<1x16xf32> to vector<16xf32>
      %get3A_934 = arith.constant 2 : i32
      %get3A_935 = arith.index_cast %get3A_934 : i32 to index
      %get3A_936 = arith.index_cast %add3A_923 : i32 to index
      %get3A_937 = tpu.vector_load %arg5[%get3A_935, %get3A_936] {strides = array<i32>} : memref<3x1024xf32, #tpu.memory_space<vmem>>, vector<1x16xf32>,
      %get3A_938 = vector.shape_cast %get3A_937 : vector<1x16xf32> to vector<16xf32>
      %get3A_939 = arith.index_cast %add3A_923 : i32 to index
      %get3A_940 = tpu.vector_load %arg7[%get3A_939] {strides = array<i32>} : memref<1024xf32, #tpu.memory_space<vmem>>, vector<16xf32>,
      %get3A_941 = vector.shape_cast %get3A_940 : vector<16xf32> to vector<16xf32>
      %mul3A_942 = arith.mulf %broadcast_in_dim3A_824, %get3A_928 : vector<16xf32>
      %add3A_943 = arith.addf %broadcast_in_dim3A_860, %mul3A_942 : vector<16xf32>
      %mul3A_944 = arith.mulf %broadcast_in_dim3A_836, %get3A_933 : vector<16xf32>
      %add3A_945 = arith.addf %add3A_943, %mul3A_944 : vector<16xf32>
      %mul3A_946 = arith.mulf %broadcast_in_dim3A_848, %get3A_938 : vector<16xf32>
      %add3A_947 = arith.addf %add3A_945, %mul3A_946 : vector<16xf32>
      %min3A_948 = arith.minimumf %get3A_941, %add3A_947 : vector<16xf32>
      %mul3A_949 = arith.mulf %broadcast_in_dim3A_827, %get3A_928 : vector<16xf32>
      %add3A_950 = arith.addf %broadcast_in_dim3A_863, %mul3A_949 : vector<16xf32>
      %mul3A_951 = arith.mulf %broadcast_in_dim3A_839, %get3A_933 : vector<16xf32>
      %add3A_952 = arith.addf %add3A_950, %mul3A_951 : vector<16xf32>
      %mul3A_953 = arith.mulf %broadcast_in_dim3A_851, %get3A_938 : vector<16xf32>
      %add3A_954 = arith.addf %add3A_952, %mul3A_953 : vector<16xf32>
      %min3A_955 = arith.minimumf %min3A_948, %add3A_954 : vector<16xf32>
      %mul3A_956 = arith.mulf %broadcast_in_dim3A_830, %get3A_928 : vector<16xf32>
      %add3A_957 = arith.addf %broadcast_in_dim3A_866, %mul3A_956 : vector<16xf32>
      %mul3A_958 = arith.mulf %broadcast_in_dim3A_842, %get3A_933 : vector<16xf32>
      %add3A_959 = arith.addf %add3A_957, %mul3A_958 : vector<16xf32>
      %mul3A_960 = arith.mulf %broadcast_in_dim3A_854, %get3A_938 : vector<16xf32>
      %add3A_961 = arith.addf %add3A_959, %mul3A_960 : vector<16xf32>
      %min3A_962 = arith.minimumf %min3A_955, %add3A_961 : vector<16xf32>
      %mul3A_963 = arith.mulf %broadcast_in_dim3A_833, %get3A_928 : vector<16xf32>
      %add3A_964 = arith.addf %broadcast_in_dim3A_869, %mul3A_963 : vector<16xf32>
      %mul3A_965 = arith.mulf %broadcast_in_dim3A_845, %get3A_933 : vector<16xf32>
      %add3A_966 = arith.addf %add3A_964, %mul3A_965 : vector<16xf32>
      %mul3A_967 = arith.mulf %broadcast_in_dim3A_857, %get3A_938 : vector<16xf32>
      %add3A_968 = arith.addf %add3A_966, %mul3A_967 : vector<16xf32>
      %min3A_969 = arith.minimumf %min3A_962, %add3A_968 : vector<16xf32>
      %swap3A_970 = arith.index_cast %add3A_923 : i32 to index
      %swap3A_971 = tpu.vector_load %arg7[%swap3A_970] {strides = array<i32>} : memref<1024xf32, #tpu.memory_space<vmem>>, vector<16xf32>,
      %swap3A_972 = vector.shape_cast %swap3A_971 : vector<16xf32> to vector<16xf32>
      %swap3A_973 = vector.shape_cast %min3A_969 : vector<16xf32> to vector<16xf32>
      tpu.vector_store %arg7[%swap3A_970], %swap3A_973 {strides = array<i32>} : memref<1024xf32, #tpu.memory_space<vmem>>, vector<16xf32>,
      %add3A_974 = arith.constant 32 : i32
      %add3A_975 = arith.addi %mul3A_0, %add3A_974 : i32
      %get3A_976 = arith.constant 0 : i32
      %get3A_977 = arith.index_cast %get3A_976 : i32 to index
      %get3A_978 = arith.index_cast %add3A_975 : i32 to index
      %get3A_979 = tpu.vector_load %arg5[%get3A_977, %get3A_978] {strides = array<i32>} : memref<3x1024xf32, #tpu.memory_space<vmem>>, vector<1x16xf32>,
      %get3A_980 = vector.shape_cast %get3A_979 : vector<1x16xf32> to vector<16xf32>
      %get3A_981 = arith.constant 1 : i32
      %get3A_982 = arith.index_cast %get3A_981 : i32 to index
      %get3A_983 = arith.index_cast %add3A_975 : i32 to index
      %get3A_984 = tpu.vector_load %arg5[%get3A_982, %get3A_983] {strides = array<i32>} : memref<3x1024xf32, #tpu.memory_space<vmem>>, vector<1x16xf32>,
      %get3A_985 = vector.shape_cast %get3A_984 : vector<1x16xf32> to vector<16xf32>
      %get3A_986 = arith.constant 2 : i32
      %get3A_987 = arith.index_cast %get3A_986 : i32 to index
      %get3A_988 = arith.index_cast %add3A_975 : i32 to index
      %get3A_989 = tpu.vector_load %arg5[%get3A_987, %get3A_988] {strides = array<i32>} : memref<3x1024xf32, #tpu.memory_space<vmem>>, vector<1x16xf32>,
      %get3A_990 = vector.shape_cast %get3A_989 : vector<1x16xf32> to vector<16xf32>
      %get3A_991 = arith.index_cast %add3A_975 : i32 to index
      %get3A_992 = tpu.vector_load %arg7[%get3A_991] {strides = array<i32>} : memref<1024xf32, #tpu.memory_space<vmem>>, vector<16xf32>,
      %get3A_993 = vector.shape_cast %get3A_992 : vector<16xf32> to vector<16xf32>
      %mul3A_994 = arith.mulf %broadcast_in_dim3A_824, %get3A_980 : vector<16xf32>
      %add3A_995 = arith.addf %broadcast_in_dim3A_860, %mul3A_994 : vector<16xf32>
      %mul3A_996 = arith.mulf %broadcast_in_dim3A_836, %get3A_985 : vector<16xf32>
      %add3A_997 = arith.addf %add3A_995, %mul3A_996 : vector<16xf32>
      %mul3A_998 = arith.mulf %broadcast_in_dim3A_848, %get3A_990 : vector<16xf32>
      %add3A_999 = arith.addf %add3A_997, %mul3A_998 : vector<16xf32>
      %min3A_1000 = arith.minimumf %get3A_993, %add3A_999 : vector<16xf32>
      %mul3A_1001 = arith.mulf %broadcast_in_dim3A_827, %get3A_980 : vector<16xf32>
      %add3A_1002 = arith.addf %broadcast_in_dim3A_863, %mul3A_1001 : vector<16xf32>
      %mul3A_1003 = arith.mulf %broadcast_in_dim3A_839, %get3A_985 : vector<16xf32>
      %add3A_1004 = arith.addf %add3A_1002, %mul3A_1003 : vector<16xf32>
      %mul3A_1005 = arith.mulf %broadcast_in_dim3A_851, %get3A_990 : vector<16xf32>
      %add3A_1006 = arith.addf %add3A_1004, %mul3A_1005 : vector<16xf32>
      %min3A_1007 = arith.minimumf %min3A_1000, %add3A_1006 : vector<16xf32>
      %mul3A_1008 = arith.mulf %broadcast_in_dim3A_830, %get3A_980 : vector<16xf32>
      %add3A_1009 = arith.addf %broadcast_in_dim3A_866, %mul3A_1008 : vector<16xf32>
      %mul3A_1010 = arith.mulf %broadcast_in_dim3A_842, %get3A_985 : vector<16xf32>
      %add3A_1011 = arith.addf %add3A_1009, %mul3A_1010 : vector<16xf32>
      %mul3A_1012 = arith.mulf %broadcast_in_dim3A_854, %get3A_990 : vector<16xf32>
      %add3A_1013 = arith.addf %add3A_1011, %mul3A_1012 : vector<16xf32>
      %min3A_1014 = arith.minimumf %min3A_1007, %add3A_1013 : vector<16xf32>
      %mul3A_1015 = arith.mulf %broadcast_in_dim3A_833, %get3A_980 : vector<16xf32>
      %add3A_1016 = arith.addf %broadcast_in_dim3A_869, %mul3A_1015 : vector<16xf32>
      %mul3A_1017 = arith.mulf %broadcast_in_dim3A_845, %get3A_985 : vector<16xf32>
      %add3A_1018 = arith.addf %add3A_1016, %mul3A_1017 : vector<16xf32>
      %mul3A_1019 = arith.mulf %broadcast_in_dim3A_857, %get3A_990 : vector<16xf32>
      %add3A_1020 = arith.addf %add3A_1018, %mul3A_1019 : vector<16xf32>
      %min3A_1021 = arith.minimumf %min3A_1014, %add3A_1020 : vector<16xf32>
      %swap3A_1022 = arith.index_cast %add3A_975 : i32 to index
      %swap3A_1023 = tpu.vector_load %arg7[%swap3A_1022] {strides = array<i32>} : memref<1024xf32, #tpu.memory_space<vmem>>, vector<16xf32>,
      %swap3A_1024 = vector.shape_cast %swap3A_1023 : vector<16xf32> to vector<16xf32>
      %swap3A_1025 = vector.shape_cast %min3A_1021 : vector<16xf32> to vector<16xf32>
      tpu.vector_store %arg7[%swap3A_1022], %swap3A_1025 {strides = array<i32>} : memref<1024xf32, #tpu.memory_space<vmem>>, vector<16xf32>,
      %add3A_1026 = arith.constant 48 : i32
      %add3A_1027 = arith.addi %mul3A_0, %add3A_1026 : i32
      %get3A_1028 = arith.constant 0 : i32
      %get3A_1029 = arith.index_cast %get3A_1028 : i32 to index
      %get3A_1030 = arith.index_cast %add3A_1027 : i32 to index
      %get3A_1031 = tpu.vector_load %arg5[%get3A_1029, %get3A_1030] {strides = array<i32>} : memref<3x1024xf32, #tpu.memory_space<vmem>>, vector<1x16xf32>,
      %get3A_1032 = vector.shape_cast %get3A_1031 : vector<1x16xf32> to vector<16xf32>
      %get3A_1033 = arith.constant 1 : i32
      %get3A_1034 = arith.index_cast %get3A_1033 : i32 to index
      %get3A_1035 = arith.index_cast %add3A_1027 : i32 to index
      %get3A_1036 = tpu.vector_load %arg5[%get3A_1034, %get3A_1035] {strides = array<i32>} : memref<3x1024xf32, #tpu.memory_space<vmem>>, vector<1x16xf32>,
      %get3A_1037 = vector.shape_cast %get3A_1036 : vector<1x16xf32> to vector<16xf32>
      %get3A_1038 = arith.constant 2 : i32
      %get3A_1039 = arith.index_cast %get3A_1038 : i32 to index
      %get3A_1040 = arith.index_cast %add3A_1027 : i32 to index
      %get3A_1041 = tpu.vector_load %arg5[%get3A_1039, %get3A_1040] {strides = array<i32>} : memref<3x1024xf32, #tpu.memory_space<vmem>>, vector<1x16xf32>,
      %get3A_1042 = vector.shape_cast %get3A_1041 : vector<1x16xf32> to vector<16xf32>
      %get3A_1043 = arith.index_cast %add3A_1027 : i32 to index
      %get3A_1044 = tpu.vector_load %arg7[%get3A_1043] {strides = array<i32>} : memref<1024xf32, #tpu.memory_space<vmem>>, vector<16xf32>,
      %get3A_1045 = vector.shape_cast %get3A_1044 : vector<16xf32> to vector<16xf32>
      %mul3A_1046 = arith.mulf %broadcast_in_dim3A_824, %get3A_1032 : vector<16xf32>
      %add3A_1047 = arith.addf %broadcast_in_dim3A_860, %mul3A_1046 : vector<16xf32>
      %mul3A_1048 = arith.mulf %broadcast_in_dim3A_836, %get3A_1037 : vector<16xf32>
      %add3A_1049 = arith.addf %add3A_1047, %mul3A_1048 : vector<16xf32>
      %mul3A_1050 = arith.mulf %broadcast_in_dim3A_848, %get3A_1042 : vector<16xf32>
      %add3A_1051 = arith.addf %add3A_1049, %mul3A_1050 : vector<16xf32>
      %min3A_1052 = arith.minimumf %get3A_1045, %add3A_1051 : vector<16xf32>
      %mul3A_1053 = arith.mulf %broadcast_in_dim3A_827, %get3A_1032 : vector<16xf32>
      %add3A_1054 = arith.addf %broadcast_in_dim3A_863, %mul3A_1053 : vector<16xf32>
      %mul3A_1055 = arith.mulf %broadcast_in_dim3A_839, %get3A_1037 : vector<16xf32>
      %add3A_1056 = arith.addf %add3A_1054, %mul3A_1055 : vector<16xf32>
      %mul3A_1057 = arith.mulf %broadcast_in_dim3A_851, %get3A_1042 : vector<16xf32>
      %add3A_1058 = arith.addf %add3A_1056, %mul3A_1057 : vector<16xf32>
      %min3A_1059 = arith.minimumf %min3A_1052, %add3A_1058 : vector<16xf32>
      %mul3A_1060 = arith.mulf %broadcast_in_dim3A_830, %get3A_1032 : vector<16xf32>
      %add3A_1061 = arith.addf %broadcast_in_dim3A_866, %mul3A_1060 : vector<16xf32>
      %mul3A_1062 = arith.mulf %broadcast_in_dim3A_842, %get3A_1037 : vector<16xf32>
      %add3A_1063 = arith.addf %add3A_1061, %mul3A_1062 : vector<16xf32>
      %mul3A_1064 = arith.mulf %broadcast_in_dim3A_854, %get3A_1042 : vector<16xf32>
      %add3A_1065 = arith.addf %add3A_1063, %mul3A_1064 : vector<16xf32>
      %min3A_1066 = arith.minimumf %min3A_1059, %add3A_1065 : vector<16xf32>
      %mul3A_1067 = arith.mulf %broadcast_in_dim3A_833, %get3A_1032 : vector<16xf32>
      %add3A_1068 = arith.addf %broadcast_in_dim3A_869, %mul3A_1067 : vector<16xf32>
      %mul3A_1069 = arith.mulf %broadcast_in_dim3A_845, %get3A_1037 : vector<16xf32>
      %add3A_1070 = arith.addf %add3A_1068, %mul3A_1069 : vector<16xf32>
      %mul3A_1071 = arith.mulf %broadcast_in_dim3A_857, %get3A_1042 : vector<16xf32>
      %add3A_1072 = arith.addf %add3A_1070, %mul3A_1071 : vector<16xf32>
      %min3A_1073 = arith.minimumf %min3A_1066, %add3A_1072 : vector<16xf32>
      %swap3A_1074 = arith.index_cast %add3A_1027 : i32 to index
      %swap3A_1075 = tpu.vector_load %arg7[%swap3A_1074] {strides = array<i32>} : memref<1024xf32, #tpu.memory_space<vmem>>, vector<16xf32>,
      %swap3A_1076 = vector.shape_cast %swap3A_1075 : vector<16xf32> to vector<16xf32>
      %swap3A_1077 = vector.shape_cast %min3A_1073 : vector<16xf32> to vector<16xf32>
      tpu.vector_store %arg7[%swap3A_1074], %swap3A_1077 {strides = array<i32>} : memref<1024xf32, #tpu.memory_space<vmem>>, vector<16xf32>,
      %slice3A_1078 = vector.extract_strided_slice %mul3A_301 {offsets = [12], sizes = [1], strides = [1]} : vector<16xf32> to vector<1xf32>
      %squeeze3A_1079 = vector.extract %slice3A_1078[0] : f32 from vector<1xf32>
      %broadcast_in_dim3A_1080 = vector.broadcast %squeeze3A_1079 : f32 to vector<16xf32>
      %slice3A_1081 = vector.extract_strided_slice %mul3A_301 {offsets = [13], sizes = [1], strides = [1]} : vector<16xf32> to vector<1xf32>
      %squeeze3A_1082 = vector.extract %slice3A_1081[0] : f32 from vector<1xf32>
      %broadcast_in_dim3A_1083 = vector.broadcast %squeeze3A_1082 : f32 to vector<16xf32>
      %slice3A_1084 = vector.extract_strided_slice %mul3A_301 {offsets = [14], sizes = [1], strides = [1]} : vector<16xf32> to vector<1xf32>
      %squeeze3A_1085 = vector.extract %slice3A_1084[0] : f32 from vector<1xf32>
      %broadcast_in_dim3A_1086 = vector.broadcast %squeeze3A_1085 : f32 to vector<16xf32>
      %slice3A_1087 = vector.extract_strided_slice %mul3A_301 {offsets = [15], sizes = [1], strides = [1]} : vector<16xf32> to vector<1xf32>
      %squeeze3A_1088 = vector.extract %slice3A_1087[0] : f32 from vector<1xf32>
      %broadcast_in_dim3A_1089 = vector.broadcast %squeeze3A_1088 : f32 to vector<16xf32>
      %slice3A_1090 = vector.extract_strided_slice %mul3A_304 {offsets = [12], sizes = [1], strides = [1]} : vector<16xf32> to vector<1xf32>
      %squeeze3A_1091 = vector.extract %slice3A_1090[0] : f32 from vector<1xf32>
      %broadcast_in_dim3A_1092 = vector.broadcast %squeeze3A_1091 : f32 to vector<16xf32>
      %slice3A_1093 = vector.extract_strided_slice %mul3A_304 {offsets = [13], sizes = [1], strides = [1]} : vector<16xf32> to vector<1xf32>
      %squeeze3A_1094 = vector.extract %slice3A_1093[0] : f32 from vector<1xf32>
      %broadcast_in_dim3A_1095 = vector.broadcast %squeeze3A_1094 : f32 to vector<16xf32>
      %slice3A_1096 = vector.extract_strided_slice %mul3A_304 {offsets = [14], sizes = [1], strides = [1]} : vector<16xf32> to vector<1xf32>
      %squeeze3A_1097 = vector.extract %slice3A_1096[0] : f32 from vector<1xf32>
      %broadcast_in_dim3A_1098 = vector.broadcast %squeeze3A_1097 : f32 to vector<16xf32>
      %slice3A_1099 = vector.extract_strided_slice %mul3A_304 {offsets = [15], sizes = [1], strides = [1]} : vector<16xf32> to vector<1xf32>
      %squeeze3A_1100 = vector.extract %slice3A_1099[0] : f32 from vector<1xf32>
      %broadcast_in_dim3A_1101 = vector.broadcast %squeeze3A_1100 : f32 to vector<16xf32>
      %slice3A_1102 = vector.extract_strided_slice %mul3A_307 {offsets = [12], sizes = [1], strides = [1]} : vector<16xf32> to vector<1xf32>
      %squeeze3A_1103 = vector.extract %slice3A_1102[0] : f32 from vector<1xf32>
      %broadcast_in_dim3A_1104 = vector.broadcast %squeeze3A_1103 : f32 to vector<16xf32>
      %slice3A_1105 = vector.extract_strided_slice %mul3A_307 {offsets = [13], sizes = [1], strides = [1]} : vector<16xf32> to vector<1xf32>
      %squeeze3A_1106 = vector.extract %slice3A_1105[0] : f32 from vector<1xf32>
      %broadcast_in_dim3A_1107 = vector.broadcast %squeeze3A_1106 : f32 to vector<16xf32>
      %slice3A_1108 = vector.extract_strided_slice %mul3A_307 {offsets = [14], sizes = [1], strides = [1]} : vector<16xf32> to vector<1xf32>
      %squeeze3A_1109 = vector.extract %slice3A_1108[0] : f32 from vector<1xf32>
      %broadcast_in_dim3A_1110 = vector.broadcast %squeeze3A_1109 : f32 to vector<16xf32>
      %slice3A_1111 = vector.extract_strided_slice %mul3A_307 {offsets = [15], sizes = [1], strides = [1]} : vector<16xf32> to vector<1xf32>
      %squeeze3A_1112 = vector.extract %slice3A_1111[0] : f32 from vector<1xf32>
      %broadcast_in_dim3A_1113 = vector.broadcast %squeeze3A_1112 : f32 to vector<16xf32>
      %slice3A_1114 = vector.extract_strided_slice %add3A_312 {offsets = [12], sizes = [1], strides = [1]} : vector<16xf32> to vector<1xf32>
      %squeeze3A_1115 = vector.extract %slice3A_1114[0] : f32 from vector<1xf32>
      %broadcast_in_dim3A_1116 = vector.broadcast %squeeze3A_1115 : f32 to vector<16xf32>
      %slice3A_1117 = vector.extract_strided_slice %add3A_312 {offsets = [13], sizes = [1], strides = [1]} : vector<16xf32> to vector<1xf32>
      %squeeze3A_1118 = vector.extract %slice3A_1117[0] : f32 from vector<1xf32>
      %broadcast_in_dim3A_1119 = vector.broadcast %squeeze3A_1118 : f32 to vector<16xf32>
      %slice3A_1120 = vector.extract_strided_slice %add3A_312 {offsets = [14], sizes = [1], strides = [1]} : vector<16xf32> to vector<1xf32>
      %squeeze3A_1121 = vector.extract %slice3A_1120[0] : f32 from vector<1xf32>
      %broadcast_in_dim3A_1122 = vector.broadcast %squeeze3A_1121 : f32 to vector<16xf32>
      %slice3A_1123 = vector.extract_strided_slice %add3A_312 {offsets = [15], sizes = [1], strides = [1]} : vector<16xf32> to vector<1xf32>
      %squeeze3A_1124 = vector.extract %slice3A_1123[0] : f32 from vector<1xf32>
      %broadcast_in_dim3A_1125 = vector.broadcast %squeeze3A_1124 : f32 to vector<16xf32>
      %add3A_1126 = arith.constant 0 : i32
      %add3A_1127 = arith.addi %mul3A_0, %add3A_1126 : i32
      %get3A_1128 = arith.constant 0 : i32
      %get3A_1129 = arith.index_cast %get3A_1128 : i32 to index
      %get3A_1130 = arith.index_cast %add3A_1127 : i32 to index
      %get3A_1131 = tpu.vector_load %arg5[%get3A_1129, %get3A_1130] {strides = array<i32>} : memref<3x1024xf32, #tpu.memory_space<vmem>>, vector<1x16xf32>,
      %get3A_1132 = vector.shape_cast %get3A_1131 : vector<1x16xf32> to vector<16xf32>
      %get3A_1133 = arith.constant 1 : i32
      %get3A_1134 = arith.index_cast %get3A_1133 : i32 to index
      %get3A_1135 = arith.index_cast %add3A_1127 : i32 to index
      %get3A_1136 = tpu.vector_load %arg5[%get3A_1134, %get3A_1135] {strides = array<i32>} : memref<3x1024xf32, #tpu.memory_space<vmem>>, vector<1x16xf32>,
      %get3A_1137 = vector.shape_cast %get3A_1136 : vector<1x16xf32> to vector<16xf32>
      %get3A_1138 = arith.constant 2 : i32
      %get3A_1139 = arith.index_cast %get3A_1138 : i32 to index
      %get3A_1140 = arith.index_cast %add3A_1127 : i32 to index
      %get3A_1141 = tpu.vector_load %arg5[%get3A_1139, %get3A_1140] {strides = array<i32>} : memref<3x1024xf32, #tpu.memory_space<vmem>>, vector<1x16xf32>,
      %get3A_1142 = vector.shape_cast %get3A_1141 : vector<1x16xf32> to vector<16xf32>
      %get3A_1143 = arith.index_cast %add3A_1127 : i32 to index
      %get3A_1144 = tpu.vector_load %arg7[%get3A_1143] {strides = array<i32>} : memref<1024xf32, #tpu.memory_space<vmem>>, vector<16xf32>,
      %get3A_1145 = vector.shape_cast %get3A_1144 : vector<16xf32> to vector<16xf32>
      %mul3A_1146 = arith.mulf %broadcast_in_dim3A_1080, %get3A_1132 : vector<16xf32>
      %add3A_1147 = arith.addf %broadcast_in_dim3A_1116, %mul3A_1146 : vector<16xf32>
      %mul3A_1148 = arith.mulf %broadcast_in_dim3A_1092, %get3A_1137 : vector<16xf32>
      %add3A_1149 = arith.addf %add3A_1147, %mul3A_1148 : vector<16xf32>
      %mul3A_1150 = arith.mulf %broadcast_in_dim3A_1104, %get3A_1142 : vector<16xf32>
      %add3A_1151 = arith.addf %add3A_1149, %mul3A_1150 : vector<16xf32>
      %min3A_1152 = arith.minimumf %get3A_1145, %add3A_1151 : vector<16xf32>
      %mul3A_1153 = arith.mulf %broadcast_in_dim3A_1083, %get3A_1132 : vector<16xf32>
      %add3A_1154 = arith.addf %broadcast_in_dim3A_1119, %mul3A_1153 : vector<16xf32>
      %mul3A_1155 = arith.mulf %broadcast_in_dim3A_1095, %get3A_1137 : vector<16xf32>
      %add3A_1156 = arith.addf %add3A_1154, %mul3A_1155 : vector<16xf32>
      %mul3A_1157 = arith.mulf %broadcast_in_dim3A_1107, %get3A_1142 : vector<16xf32>
      %add3A_1158 = arith.addf %add3A_1156, %mul3A_1157 : vector<16xf32>
      %min3A_1159 = arith.minimumf %min3A_1152, %add3A_1158 : vector<16xf32>
      %mul3A_1160 = arith.mulf %broadcast_in_dim3A_1086, %get3A_1132 : vector<16xf32>
      %add3A_1161 = arith.addf %broadcast_in_dim3A_1122, %mul3A_1160 : vector<16xf32>
      %mul3A_1162 = arith.mulf %broadcast_in_dim3A_1098, %get3A_1137 : vector<16xf32>
      %add3A_1163 = arith.addf %add3A_1161, %mul3A_1162 : vector<16xf32>
      %mul3A_1164 = arith.mulf %broadcast_in_dim3A_1110, %get3A_1142 : vector<16xf32>
      %add3A_1165 = arith.addf %add3A_1163, %mul3A_1164 : vector<16xf32>
      %min3A_1166 = arith.minimumf %min3A_1159, %add3A_1165 : vector<16xf32>
      %mul3A_1167 = arith.mulf %broadcast_in_dim3A_1089, %get3A_1132 : vector<16xf32>
      %add3A_1168 = arith.addf %broadcast_in_dim3A_1125, %mul3A_1167 : vector<16xf32>
      %mul3A_1169 = arith.mulf %broadcast_in_dim3A_1101, %get3A_1137 : vector<16xf32>
      %add3A_1170 = arith.addf %add3A_1168, %mul3A_1169 : vector<16xf32>
      %mul3A_1171 = arith.mulf %broadcast_in_dim3A_1113, %get3A_1142 : vector<16xf32>
      %add3A_1172 = arith.addf %add3A_1170, %mul3A_1171 : vector<16xf32>
      %min3A_1173 = arith.minimumf %min3A_1166, %add3A_1172 : vector<16xf32>
      %swap3A_1174 = arith.index_cast %add3A_1127 : i32 to index
      %swap3A_1175 = tpu.vector_load %arg7[%swap3A_1174] {strides = array<i32>} : memref<1024xf32, #tpu.memory_space<vmem>>, vector<16xf32>,
      %swap3A_1176 = vector.shape_cast %swap3A_1175 : vector<16xf32> to vector<16xf32>
      %swap3A_1177 = vector.shape_cast %min3A_1173 : vector<16xf32> to vector<16xf32>
      tpu.vector_store %arg7[%swap3A_1174], %swap3A_1177 {strides = array<i32>} : memref<1024xf32, #tpu.memory_space<vmem>>, vector<16xf32>,
      %add3A_1178 = arith.constant 16 : i32
      %add3A_1179 = arith.addi %mul3A_0, %add3A_1178 : i32
      %get3A_1180 = arith.constant 0 : i32
      %get3A_1181 = arith.index_cast %get3A_1180 : i32 to index
      %get3A_1182 = arith.index_cast %add3A_1179 : i32 to index
      %get3A_1183 = tpu.vector_load %arg5[%get3A_1181, %get3A_1182] {strides = array<i32>} : memref<3x1024xf32, #tpu.memory_space<vmem>>, vector<1x16xf32>,
      %get3A_1184 = vector.shape_cast %get3A_1183 : vector<1x16xf32> to vector<16xf32>
      %get3A_1185 = arith.constant 1 : i32
      %get3A_1186 = arith.index_cast %get3A_1185 : i32 to index
      %get3A_1187 = arith.index_cast %add3A_1179 : i32 to index
      %get3A_1188 = tpu.vector_load %arg5[%get3A_1186, %get3A_1187] {strides = array<i32>} : memref<3x1024xf32, #tpu.memory_space<vmem>>, vector<1x16xf32>,
      %get3A_1189 = vector.shape_cast %get3A_1188 : vector<1x16xf32> to vector<16xf32>
      %get3A_1190 = arith.constant 2 : i32
      %get3A_1191 = arith.index_cast %get3A_1190 : i32 to index
      %get3A_1192 = arith.index_cast %add3A_1179 : i32 to index
      %get3A_1193 = tpu.vector_load %arg5[%get3A_1191, %get3A_1192] {strides = array<i32>} : memref<3x1024xf32, #tpu.memory_space<vmem>>, vector<1x16xf32>,
      %get3A_1194 = vector.shape_cast %get3A_1193 : vector<1x16xf32> to vector<16xf32>
      %get3A_1195 = arith.index_cast %add3A_1179 : i32 to index
      %get3A_1196 = tpu.vector_load %arg7[%get3A_1195] {strides = array<i32>} : memref<1024xf32, #tpu.memory_space<vmem>>, vector<16xf32>,
      %get3A_1197 = vector.shape_cast %get3A_1196 : vector<16xf32> to vector<16xf32>
      %mul3A_1198 = arith.mulf %broadcast_in_dim3A_1080, %get3A_1184 : vector<16xf32>
      %add3A_1199 = arith.addf %broadcast_in_dim3A_1116, %mul3A_1198 : vector<16xf32>
      %mul3A_1200 = arith.mulf %broadcast_in_dim3A_1092, %get3A_1189 : vector<16xf32>
      %add3A_1201 = arith.addf %add3A_1199, %mul3A_1200 : vector<16xf32>
      %mul3A_1202 = arith.mulf %broadcast_in_dim3A_1104, %get3A_1194 : vector<16xf32>
      %add3A_1203 = arith.addf %add3A_1201, %mul3A_1202 : vector<16xf32>
      %min3A_1204 = arith.minimumf %get3A_1197, %add3A_1203 : vector<16xf32>
      %mul3A_1205 = arith.mulf %broadcast_in_dim3A_1083, %get3A_1184 : vector<16xf32>
      %add3A_1206 = arith.addf %broadcast_in_dim3A_1119, %mul3A_1205 : vector<16xf32>
      %mul3A_1207 = arith.mulf %broadcast_in_dim3A_1095, %get3A_1189 : vector<16xf32>
      %add3A_1208 = arith.addf %add3A_1206, %mul3A_1207 : vector<16xf32>
      %mul3A_1209 = arith.mulf %broadcast_in_dim3A_1107, %get3A_1194 : vector<16xf32>
      %add3A_1210 = arith.addf %add3A_1208, %mul3A_1209 : vector<16xf32>
      %min3A_1211 = arith.minimumf %min3A_1204, %add3A_1210 : vector<16xf32>
      %mul3A_1212 = arith.mulf %broadcast_in_dim3A_1086, %get3A_1184 : vector<16xf32>
      %add3A_1213 = arith.addf %broadcast_in_dim3A_1122, %mul3A_1212 : vector<16xf32>
      %mul3A_1214 = arith.mulf %broadcast_in_dim3A_1098, %get3A_1189 : vector<16xf32>
      %add3A_1215 = arith.addf %add3A_1213, %mul3A_1214 : vector<16xf32>
      %mul3A_1216 = arith.mulf %broadcast_in_dim3A_1110, %get3A_1194 : vector<16xf32>
      %add3A_1217 = arith.addf %add3A_1215, %mul3A_1216 : vector<16xf32>
      %min3A_1218 = arith.minimumf %min3A_1211, %add3A_1217 : vector<16xf32>
      %mul3A_1219 = arith.mulf %broadcast_in_dim3A_1089, %get3A_1184 : vector<16xf32>
      %add3A_1220 = arith.addf %broadcast_in_dim3A_1125, %mul3A_1219 : vector<16xf32>
      %mul3A_1221 = arith.mulf %broadcast_in_dim3A_1101, %get3A_1189 : vector<16xf32>
      %add3A_1222 = arith.addf %add3A_1220, %mul3A_1221 : vector<16xf32>
      %mul3A_1223 = arith.mulf %broadcast_in_dim3A_1113, %get3A_1194 : vector<16xf32>
      %add3A_1224 = arith.addf %add3A_1222, %mul3A_1223 : vector<16xf32>
      %min3A_1225 = arith.minimumf %min3A_1218, %add3A_1224 : vector<16xf32>
      %swap3A_1226 = arith.index_cast %add3A_1179 : i32 to index
      %swap3A_1227 = tpu.vector_load %arg7[%swap3A_1226] {strides = array<i32>} : memref<1024xf32, #tpu.memory_space<vmem>>, vector<16xf32>,
      %swap3A_1228 = vector.shape_cast %swap3A_1227 : vector<16xf32> to vector<16xf32>
      %swap3A_1229 = vector.shape_cast %min3A_1225 : vector<16xf32> to vector<16xf32>
      tpu.vector_store %arg7[%swap3A_1226], %swap3A_1229 {strides = array<i32>} : memref<1024xf32, #tpu.memory_space<vmem>>, vector<16xf32>,
      %add3A_1230 = arith.constant 32 : i32
      %add3A_1231 = arith.addi %mul3A_0, %add3A_1230 : i32
      %get3A_1232 = arith.constant 0 : i32
      %get3A_1233 = arith.index_cast %get3A_1232 : i32 to index
      %get3A_1234 = arith.index_cast %add3A_1231 : i32 to index
      %get3A_1235 = tpu.vector_load %arg5[%get3A_1233, %get3A_1234] {strides = array<i32>} : memref<3x1024xf32, #tpu.memory_space<vmem>>, vector<1x16xf32>,
      %get3A_1236 = vector.shape_cast %get3A_1235 : vector<1x16xf32> to vector<16xf32>
      %get3A_1237 = arith.constant 1 : i32
      %get3A_1238 = arith.index_cast %get3A_1237 : i32 to index
      %get3A_1239 = arith.index_cast %add3A_1231 : i32 to index
      %get3A_1240 = tpu.vector_load %arg5[%get3A_1238, %get3A_1239] {strides = array<i32>} : memref<3x1024xf32, #tpu.memory_space<vmem>>, vector<1x16xf32>,
      %get3A_1241 = vector.shape_cast %get3A_1240 : vector<1x16xf32> to vector<16xf32>
      %get3A_1242 = arith.constant 2 : i32
      %get3A_1243 = arith.index_cast %get3A_1242 : i32 to index
      %get3A_1244 = arith.index_cast %add3A_1231 : i32 to index
      %get3A_1245 = tpu.vector_load %arg5[%get3A_1243, %get3A_1244] {strides = array<i32>} : memref<3x1024xf32, #tpu.memory_space<vmem>>, vector<1x16xf32>,
      %get3A_1246 = vector.shape_cast %get3A_1245 : vector<1x16xf32> to vector<16xf32>
      %get3A_1247 = arith.index_cast %add3A_1231 : i32 to index
      %get3A_1248 = tpu.vector_load %arg7[%get3A_1247] {strides = array<i32>} : memref<1024xf32, #tpu.memory_space<vmem>>, vector<16xf32>,
      %get3A_1249 = vector.shape_cast %get3A_1248 : vector<16xf32> to vector<16xf32>
      %mul3A_1250 = arith.mulf %broadcast_in_dim3A_1080, %get3A_1236 : vector<16xf32>
      %add3A_1251 = arith.addf %broadcast_in_dim3A_1116, %mul3A_1250 : vector<16xf32>
      %mul3A_1252 = arith.mulf %broadcast_in_dim3A_1092, %get3A_1241 : vector<16xf32>
      %add3A_1253 = arith.addf %add3A_1251, %mul3A_1252 : vector<16xf32>
      %mul3A_1254 = arith.mulf %broadcast_in_dim3A_1104, %get3A_1246 : vector<16xf32>
      %add3A_1255 = arith.addf %add3A_1253, %mul3A_1254 : vector<16xf32>
      %min3A_1256 = arith.minimumf %get3A_1249, %add3A_1255 : vector<16xf32>
      %mul3A_1257 = arith.mulf %broadcast_in_dim3A_1083, %get3A_1236 : vector<16xf32>
      %add3A_1258 = arith.addf %broadcast_in_dim3A_1119, %mul3A_1257 : vector<16xf32>
      %mul3A_1259 = arith.mulf %broadcast_in_dim3A_1095, %get3A_1241 : vector<16xf32>
      %add3A_1260 = arith.addf %add3A_1258, %mul3A_1259 : vector<16xf32>
      %mul3A_1261 = arith.mulf %broadcast_in_dim3A_1107, %get3A_1246 : vector<16xf32>
      %add3A_1262 = arith.addf %add3A_1260, %mul3A_1261 : vector<16xf32>
      %min3A_1263 = arith.minimumf %min3A_1256, %add3A_1262 : vector<16xf32>
      %mul3A_1264 = arith.mulf %broadcast_in_dim3A_1086, %get3A_1236 : vector<16xf32>
      %add3A_1265 = arith.addf %broadcast_in_dim3A_1122, %mul3A_1264 : vector<16xf32>
      %mul3A_1266 = arith.mulf %broadcast_in_dim3A_1098, %get3A_1241 : vector<16xf32>
      %add3A_1267 = arith.addf %add3A_1265, %mul3A_1266 : vector<16xf32>
      %mul3A_1268 = arith.mulf %broadcast_in_dim3A_1110, %get3A_1246 : vector<16xf32>
      %add3A_1269 = arith.addf %add3A_1267, %mul3A_1268 : vector<16xf32>
      %min3A_1270 = arith.minimumf %min3A_1263, %add3A_1269 : vector<16xf32>
      %mul3A_1271 = arith.mulf %broadcast_in_dim3A_1089, %get3A_1236 : vector<16xf32>
      %add3A_1272 = arith.addf %broadcast_in_dim3A_1125, %mul3A_1271 : vector<16xf32>
      %mul3A_1273 = arith.mulf %broadcast_in_dim3A_1101, %get3A_1241 : vector<16xf32>
      %add3A_1274 = arith.addf %add3A_1272, %mul3A_1273 : vector<16xf32>
      %mul3A_1275 = arith.mulf %broadcast_in_dim3A_1113, %get3A_1246 : vector<16xf32>
      %add3A_1276 = arith.addf %add3A_1274, %mul3A_1275 : vector<16xf32>
      %min3A_1277 = arith.minimumf %min3A_1270, %add3A_1276 : vector<16xf32>
      %swap3A_1278 = arith.index_cast %add3A_1231 : i32 to index
      %swap3A_1279 = tpu.vector_load %arg7[%swap3A_1278] {strides = array<i32>} : memref<1024xf32, #tpu.memory_space<vmem>>, vector<16xf32>,
      %swap3A_1280 = vector.shape_cast %swap3A_1279 : vector<16xf32> to vector<16xf32>
      %swap3A_1281 = vector.shape_cast %min3A_1277 : vector<16xf32> to vector<16xf32>
      tpu.vector_store %arg7[%swap3A_1278], %swap3A_1281 {strides = array<i32>} : memref<1024xf32, #tpu.memory_space<vmem>>, vector<16xf32>,
      %add3A_1282 = arith.constant 48 : i32
      %add3A_1283 = arith.addi %mul3A_0, %add3A_1282 : i32
      %get3A_1284 = arith.constant 0 : i32
      %get3A_1285 = arith.index_cast %get3A_1284 : i32 to index
      %get3A_1286 = arith.index_cast %add3A_1283 : i32 to index
      %get3A_1287 = tpu.vector_load %arg5[%get3A_1285, %get3A_1286] {strides = array<i32>} : memref<3x1024xf32, #tpu.memory_space<vmem>>, vector<1x16xf32>,
      %get3A_1288 = vector.shape_cast %get3A_1287 : vector<1x16xf32> to vector<16xf32>
      %get3A_1289 = arith.constant 1 : i32
      %get3A_1290 = arith.index_cast %get3A_1289 : i32 to index
      %get3A_1291 = arith.index_cast %add3A_1283 : i32 to index
      %get3A_1292 = tpu.vector_load %arg5[%get3A_1290, %get3A_1291] {strides = array<i32>} : memref<3x1024xf32, #tpu.memory_space<vmem>>, vector<1x16xf32>,
      %get3A_1293 = vector.shape_cast %get3A_1292 : vector<1x16xf32> to vector<16xf32>
      %get3A_1294 = arith.constant 2 : i32
      %get3A_1295 = arith.index_cast %get3A_1294 : i32 to index
      %get3A_1296 = arith.index_cast %add3A_1283 : i32 to index
      %get3A_1297 = tpu.vector_load %arg5[%get3A_1295, %get3A_1296] {strides = array<i32>} : memref<3x1024xf32, #tpu.memory_space<vmem>>, vector<1x16xf32>,
      %get3A_1298 = vector.shape_cast %get3A_1297 : vector<1x16xf32> to vector<16xf32>
      %get3A_1299 = arith.index_cast %add3A_1283 : i32 to index
      %get3A_1300 = tpu.vector_load %arg7[%get3A_1299] {strides = array<i32>} : memref<1024xf32, #tpu.memory_space<vmem>>, vector<16xf32>,
      %get3A_1301 = vector.shape_cast %get3A_1300 : vector<16xf32> to vector<16xf32>
      %mul3A_1302 = arith.mulf %broadcast_in_dim3A_1080, %get3A_1288 : vector<16xf32>
      %add3A_1303 = arith.addf %broadcast_in_dim3A_1116, %mul3A_1302 : vector<16xf32>
      %mul3A_1304 = arith.mulf %broadcast_in_dim3A_1092, %get3A_1293 : vector<16xf32>
      %add3A_1305 = arith.addf %add3A_1303, %mul3A_1304 : vector<16xf32>
      %mul3A_1306 = arith.mulf %broadcast_in_dim3A_1104, %get3A_1298 : vector<16xf32>
      %add3A_1307 = arith.addf %add3A_1305, %mul3A_1306 : vector<16xf32>
      %min3A_1308 = arith.minimumf %get3A_1301, %add3A_1307 : vector<16xf32>
      %mul3A_1309 = arith.mulf %broadcast_in_dim3A_1083, %get3A_1288 : vector<16xf32>
      %add3A_1310 = arith.addf %broadcast_in_dim3A_1119, %mul3A_1309 : vector<16xf32>
      %mul3A_1311 = arith.mulf %broadcast_in_dim3A_1095, %get3A_1293 : vector<16xf32>
      %add3A_1312 = arith.addf %add3A_1310, %mul3A_1311 : vector<16xf32>
      %mul3A_1313 = arith.mulf %broadcast_in_dim3A_1107, %get3A_1298 : vector<16xf32>
      %add3A_1314 = arith.addf %add3A_1312, %mul3A_1313 : vector<16xf32>
      %min3A_1315 = arith.minimumf %min3A_1308, %add3A_1314 : vector<16xf32>
      %mul3A_1316 = arith.mulf %broadcast_in_dim3A_1086, %get3A_1288 : vector<16xf32>
      %add3A_1317 = arith.addf %broadcast_in_dim3A_1122, %mul3A_1316 : vector<16xf32>
      %mul3A_1318 = arith.mulf %broadcast_in_dim3A_1098, %get3A_1293 : vector<16xf32>
      %add3A_1319 = arith.addf %add3A_1317, %mul3A_1318 : vector<16xf32>
      %mul3A_1320 = arith.mulf %broadcast_in_dim3A_1110, %get3A_1298 : vector<16xf32>
      %add3A_1321 = arith.addf %add3A_1319, %mul3A_1320 : vector<16xf32>
      %min3A_1322 = arith.minimumf %min3A_1315, %add3A_1321 : vector<16xf32>
      %mul3A_1323 = arith.mulf %broadcast_in_dim3A_1089, %get3A_1288 : vector<16xf32>
      %add3A_1324 = arith.addf %broadcast_in_dim3A_1125, %mul3A_1323 : vector<16xf32>
      %mul3A_1325 = arith.mulf %broadcast_in_dim3A_1101, %get3A_1293 : vector<16xf32>
      %add3A_1326 = arith.addf %add3A_1324, %mul3A_1325 : vector<16xf32>
      %mul3A_1327 = arith.mulf %broadcast_in_dim3A_1113, %get3A_1298 : vector<16xf32>
      %add3A_1328 = arith.addf %add3A_1326, %mul3A_1327 : vector<16xf32>
      %min3A_1329 = arith.minimumf %min3A_1322, %add3A_1328 : vector<16xf32>
      %swap3A_1330 = arith.index_cast %add3A_1283 : i32 to index
      %swap3A_1331 = tpu.vector_load %arg7[%swap3A_1330] {strides = array<i32>} : memref<1024xf32, #tpu.memory_space<vmem>>, vector<16xf32>,
      %swap3A_1332 = vector.shape_cast %swap3A_1331 : vector<16xf32> to vector<16xf32>
      %swap3A_1333 = vector.shape_cast %min3A_1329 : vector<16xf32> to vector<16xf32>
      tpu.vector_store %arg7[%swap3A_1330], %swap3A_1333 {strides = array<i32>} : memref<1024xf32, #tpu.memory_space<vmem>>, vector<16xf32>,
      %scan3A_1334 = arith.constant 0 : i32
      scf.yield %scan3A_1334 : i32
    }
    %scan3A_59 = arith.constant 64 : i32
    %scan3A_60 = arith.constant 0 : i32
    %scan3A_61 = arith.constant 0 : i32
    %scan3A_62 = arith.constant 64 : i32
    %scan3A_63 = arith.addi %scan3A_61, %scan3A_62 : i32
    %scan3A_64 = arith.constant 1 : i32
    %scan3A_65 = scf.for %scan3A_280 = %scan3A_61 to %scan3A_63 step %scan3A_64 iter_args(%scan3A_281 = %scan3A_60) -> (i32)  : i32 {
      %mul3A_282 = arith.constant 16 : i32
      %mul3A_283 = arith.muli %scan3A_280, %mul3A_282 : i32
      %get3A_284 = arith.constant 0 : i32
      %get3A_285 = arith.index_cast %get3A_284 : i32 to index
      %get3A_286 = arith.index_cast %mul3A_283 : i32 to index
      %get3A_287 = tpu.vector_load %arg5[%get3A_285, %get3A_286] {strides = array<i32>} : memref<3x1024xf32, #tpu.memory_space<vmem>>, vector<1x16xf32>,
      %get3A_288 = vector.shape_cast %get3A_287 : vector<1x16xf32> to vector<16xf32>
      %get3A_289 = arith.constant 1 : i32
      %get3A_290 = arith.index_cast %get3A_289 : i32 to index
      %get3A_291 = arith.index_cast %mul3A_283 : i32 to index
      %get3A_292 = tpu.vector_load %arg5[%get3A_290, %get3A_291] {strides = array<i32>} : memref<3x1024xf32, #tpu.memory_space<vmem>>, vector<1x16xf32>,
      %get3A_293 = vector.shape_cast %get3A_292 : vector<1x16xf32> to vector<16xf32>
      %get3A_294 = arith.constant 2 : i32
      %get3A_295 = arith.index_cast %get3A_294 : i32 to index
      %get3A_296 = arith.index_cast %mul3A_283 : i32 to index
      %get3A_297 = tpu.vector_load %arg5[%get3A_295, %get3A_296] {strides = array<i32>} : memref<3x1024xf32, #tpu.memory_space<vmem>>, vector<1x16xf32>,
      %get3A_298 = vector.shape_cast %get3A_297 : vector<1x16xf32> to vector<16xf32>
      %mul3A_299 = arith.constant -2.000000e+00 : f32
      %mul3A_300 = vector.broadcast %mul3A_299 : f32 to vector<16xf32>
      %mul3A_301 = arith.mulf %get3A_288, %mul3A_300 : vector<16xf32>
      %mul3A_302 = arith.constant -2.000000e+00 : f32
      %mul3A_303 = vector.broadcast %mul3A_302 : f32 to vector<16xf32>
      %mul3A_304 = arith.mulf %get3A_293, %mul3A_303 : vector<16xf32>
      %mul3A_305 = arith.constant -2.000000e+00 : f32
      %mul3A_306 = vector.broadcast %mul3A_305 : f32 to vector<16xf32>
      %mul3A_307 = arith.mulf %get3A_298, %mul3A_306 : vector<16xf32>
      %mul3A_308 = arith.mulf %get3A_288, %get3A_288 : vector<16xf32>
      %mul3A_309 = arith.mulf %get3A_293, %get3A_293 : vector<16xf32>
      %add3A_310 = arith.addf %mul3A_308, %mul3A_309 : vector<16xf32>
      %mul3A_311 = arith.mulf %get3A_298, %get3A_298 : vector<16xf32>
      %add3A_312 = arith.addf %add3A_310, %mul3A_311 : vector<16xf32>
      %slice3A = vector.extract_strided_slice %mul3A_301 {offsets = [0], sizes = [1], strides = [1]} : vector<16xf32> to vector<1xf32>
      %squeeze3A = vector.extract %slice3A[0] : f32 from vector<1xf32>
      %broadcast_in_dim3A_313 = vector.broadcast %squeeze3A : f32 to vector<16xf32>
      %slice3A_314 = vector.extract_strided_slice %mul3A_301 {offsets = [1], sizes = [1], strides = [1]} : vector<16xf32> to vector<1xf32>
      %squeeze3A_315 = vector.extract %slice3A_314[0] : f32 from vector<1xf32>
      %broadcast_in_dim3A_316 = vector.broadcast %squeeze3A_315 : f32 to vector<16xf32>
      %slice3A_317 = vector.extract_strided_slice %mul3A_301 {offsets = [2], sizes = [1], strides = [1]} : vector<16xf32> to vector<1xf32>
      %squeeze3A_318 = vector.extract %slice3A_317[0] : f32 from vector<1xf32>
      %broadcast_in_dim3A_319 = vector.broadcast %squeeze3A_318 : f32 to vector<16xf32>
      %slice3A_320 = vector.extract_strided_slice %mul3A_301 {offsets = [3], sizes = [1], strides = [1]} : vector<16xf32> to vector<1xf32>
      %squeeze3A_321 = vector.extract %slice3A_320[0] : f32 from vector<1xf32>
      %broadcast_in_dim3A_322 = vector.broadcast %squeeze3A_321 : f32 to vector<16xf32>
      %slice3A_323 = vector.extract_strided_slice %mul3A_304 {offsets = [0], sizes = [1], strides = [1]} : vector<16xf32> to vector<1xf32>
      %squeeze3A_324 = vector.extract %slice3A_323[0] : f32 from vector<1xf32>
      %broadcast_in_dim3A_325 = vector.broadcast %squeeze3A_324 : f32 to vector<16xf32>
      %slice3A_326 = vector.extract_strided_slice %mul3A_304 {offsets = [1], sizes = [1], strides = [1]} : vector<16xf32> to vector<1xf32>
      %squeeze3A_327 = vector.extract %slice3A_326[0] : f32 from vector<1xf32>
      %broadcast_in_dim3A_328 = vector.broadcast %squeeze3A_327 : f32 to vector<16xf32>
      %slice3A_329 = vector.extract_strided_slice %mul3A_304 {offsets = [2], sizes = [1], strides = [1]} : vector<16xf32> to vector<1xf32>
      %squeeze3A_330 = vector.extract %slice3A_329[0] : f32 from vector<1xf32>
      %broadcast_in_dim3A_331 = vector.broadcast %squeeze3A_330 : f32 to vector<16xf32>
      %slice3A_332 = vector.extract_strided_slice %mul3A_304 {offsets = [3], sizes = [1], strides = [1]} : vector<16xf32> to vector<1xf32>
      %squeeze3A_333 = vector.extract %slice3A_332[0] : f32 from vector<1xf32>
      %broadcast_in_dim3A_334 = vector.broadcast %squeeze3A_333 : f32 to vector<16xf32>
      %slice3A_335 = vector.extract_strided_slice %mul3A_307 {offsets = [0], sizes = [1], strides = [1]} : vector<16xf32> to vector<1xf32>
      %squeeze3A_336 = vector.extract %slice3A_335[0] : f32 from vector<1xf32>
      %broadcast_in_dim3A_337 = vector.broadcast %squeeze3A_336 : f32 to vector<16xf32>
      %slice3A_338 = vector.extract_strided_slice %mul3A_307 {offsets = [1], sizes = [1], strides = [1]} : vector<16xf32> to vector<1xf32>
      %squeeze3A_339 = vector.extract %slice3A_338[0] : f32 from vector<1xf32>
      %broadcast_in_dim3A_340 = vector.broadcast %squeeze3A_339 : f32 to vector<16xf32>
      %slice3A_341 = vector.extract_strided_slice %mul3A_307 {offsets = [2], sizes = [1], strides = [1]} : vector<16xf32> to vector<1xf32>
      %squeeze3A_342 = vector.extract %slice3A_341[0] : f32 from vector<1xf32>
      %broadcast_in_dim3A_343 = vector.broadcast %squeeze3A_342 : f32 to vector<16xf32>
      %slice3A_344 = vector.extract_strided_slice %mul3A_307 {offsets = [3], sizes = [1], strides = [1]} : vector<16xf32> to vector<1xf32>
      %squeeze3A_345 = vector.extract %slice3A_344[0] : f32 from vector<1xf32>
      %broadcast_in_dim3A_346 = vector.broadcast %squeeze3A_345 : f32 to vector<16xf32>
      %slice3A_347 = vector.extract_strided_slice %add3A_312 {offsets = [0], sizes = [1], strides = [1]} : vector<16xf32> to vector<1xf32>
      %squeeze3A_348 = vector.extract %slice3A_347[0] : f32 from vector<1xf32>
      %broadcast_in_dim3A_349 = vector.broadcast %squeeze3A_348 : f32 to vector<16xf32>
      %slice3A_350 = vector.extract_strided_slice %add3A_312 {offsets = [1], sizes = [1], strides = [1]} : vector<16xf32> to vector<1xf32>
      %squeeze3A_351 = vector.extract %slice3A_350[0] : f32 from vector<1xf32>
      %broadcast_in_dim3A_352 = vector.broadcast %squeeze3A_351 : f32 to vector<16xf32>
      %slice3A_353 = vector.extract_strided_slice %add3A_312 {offsets = [2], sizes = [1], strides = [1]} : vector<16xf32> to vector<1xf32>
      %squeeze3A_354 = vector.extract %slice3A_353[0] : f32 from vector<1xf32>
      %broadcast_in_dim3A_355 = vector.broadcast %squeeze3A_354 : f32 to vector<16xf32>
      %slice3A_356 = vector.extract_strided_slice %add3A_312 {offsets = [3], sizes = [1], strides = [1]} : vector<16xf32> to vector<1xf32>
      %squeeze3A_357 = vector.extract %slice3A_356[0] : f32 from vector<1xf32>
      %broadcast_in_dim3A_358 = vector.broadcast %squeeze3A_357 : f32 to vector<16xf32>
      %add3A_359 = arith.constant 0 : i32
      %add3A_360 = arith.addi %mul3A_0, %add3A_359 : i32
      %get3A_361 = arith.constant 0 : i32
      %get3A_362 = arith.index_cast %get3A_361 : i32 to index
      %get3A_363 = arith.index_cast %add3A_360 : i32 to index
      %get3A_364 = tpu.vector_load %arg6[%get3A_362, %get3A_363] {strides = array<i32>} : memref<3x1024xf32, #tpu.memory_space<vmem>>, vector<1x16xf32>,
      %get3A_365 = vector.shape_cast %get3A_364 : vector<1x16xf32> to vector<16xf32>
      %get3A_366 = arith.constant 1 : i32
      %get3A_367 = arith.index_cast %get3A_366 : i32 to index
      %get3A_368 = arith.index_cast %add3A_360 : i32 to index
      %get3A_369 = tpu.vector_load %arg6[%get3A_367, %get3A_368] {strides = array<i32>} : memref<3x1024xf32, #tpu.memory_space<vmem>>, vector<1x16xf32>,
      %get3A_370 = vector.shape_cast %get3A_369 : vector<1x16xf32> to vector<16xf32>
      %get3A_371 = arith.constant 2 : i32
      %get3A_372 = arith.index_cast %get3A_371 : i32 to index
      %get3A_373 = arith.index_cast %add3A_360 : i32 to index
      %get3A_374 = tpu.vector_load %arg6[%get3A_372, %get3A_373] {strides = array<i32>} : memref<3x1024xf32, #tpu.memory_space<vmem>>, vector<1x16xf32>,
      %get3A_375 = vector.shape_cast %get3A_374 : vector<1x16xf32> to vector<16xf32>
      %get3A_376 = arith.index_cast %add3A_360 : i32 to index
      %get3A_377 = tpu.vector_load %arg8[%get3A_376] {strides = array<i32>} : memref<1024xf32, #tpu.memory_space<vmem>>, vector<16xf32>,
      %get3A_378 = vector.shape_cast %get3A_377 : vector<16xf32> to vector<16xf32>
      %mul3A_379 = arith.mulf %broadcast_in_dim3A_313, %get3A_365 : vector<16xf32>
      %add3A_380 = arith.addf %broadcast_in_dim3A_349, %mul3A_379 : vector<16xf32>
      %mul3A_381 = arith.mulf %broadcast_in_dim3A_325, %get3A_370 : vector<16xf32>
      %add3A_382 = arith.addf %add3A_380, %mul3A_381 : vector<16xf32>
      %mul3A_383 = arith.mulf %broadcast_in_dim3A_337, %get3A_375 : vector<16xf32>
      %add3A_384 = arith.addf %add3A_382, %mul3A_383 : vector<16xf32>
      %min3A = arith.minimumf %get3A_378, %add3A_384 : vector<16xf32>
      %mul3A_385 = arith.mulf %broadcast_in_dim3A_316, %get3A_365 : vector<16xf32>
      %add3A_386 = arith.addf %broadcast_in_dim3A_352, %mul3A_385 : vector<16xf32>
      %mul3A_387 = arith.mulf %broadcast_in_dim3A_328, %get3A_370 : vector<16xf32>
      %add3A_388 = arith.addf %add3A_386, %mul3A_387 : vector<16xf32>
      %mul3A_389 = arith.mulf %broadcast_in_dim3A_340, %get3A_375 : vector<16xf32>
      %add3A_390 = arith.addf %add3A_388, %mul3A_389 : vector<16xf32>
      %min3A_391 = arith.minimumf %min3A, %add3A_390 : vector<16xf32>
      %mul3A_392 = arith.mulf %broadcast_in_dim3A_319, %get3A_365 : vector<16xf32>
      %add3A_393 = arith.addf %broadcast_in_dim3A_355, %mul3A_392 : vector<16xf32>
      %mul3A_394 = arith.mulf %broadcast_in_dim3A_331, %get3A_370 : vector<16xf32>
      %add3A_395 = arith.addf %add3A_393, %mul3A_394 : vector<16xf32>
      %mul3A_396 = arith.mulf %broadcast_in_dim3A_343, %get3A_375 : vector<16xf32>
      %add3A_397 = arith.addf %add3A_395, %mul3A_396 : vector<16xf32>
      %min3A_398 = arith.minimumf %min3A_391, %add3A_397 : vector<16xf32>
      %mul3A_399 = arith.mulf %broadcast_in_dim3A_322, %get3A_365 : vector<16xf32>
      %add3A_400 = arith.addf %broadcast_in_dim3A_358, %mul3A_399 : vector<16xf32>
      %mul3A_401 = arith.mulf %broadcast_in_dim3A_334, %get3A_370 : vector<16xf32>
      %add3A_402 = arith.addf %add3A_400, %mul3A_401 : vector<16xf32>
      %mul3A_403 = arith.mulf %broadcast_in_dim3A_346, %get3A_375 : vector<16xf32>
      %add3A_404 = arith.addf %add3A_402, %mul3A_403 : vector<16xf32>
      %min3A_405 = arith.minimumf %min3A_398, %add3A_404 : vector<16xf32>
      %swap3A_406 = arith.index_cast %add3A_360 : i32 to index
      %swap3A_407 = tpu.vector_load %arg8[%swap3A_406] {strides = array<i32>} : memref<1024xf32, #tpu.memory_space<vmem>>, vector<16xf32>,
      %swap3A_408 = vector.shape_cast %swap3A_407 : vector<16xf32> to vector<16xf32>
      %swap3A_409 = vector.shape_cast %min3A_405 : vector<16xf32> to vector<16xf32>
      tpu.vector_store %arg8[%swap3A_406], %swap3A_409 {strides = array<i32>} : memref<1024xf32, #tpu.memory_space<vmem>>, vector<16xf32>,
      %add3A_410 = arith.constant 16 : i32
      %add3A_411 = arith.addi %mul3A_0, %add3A_410 : i32
      %get3A_412 = arith.constant 0 : i32
      %get3A_413 = arith.index_cast %get3A_412 : i32 to index
      %get3A_414 = arith.index_cast %add3A_411 : i32 to index
      %get3A_415 = tpu.vector_load %arg6[%get3A_413, %get3A_414] {strides = array<i32>} : memref<3x1024xf32, #tpu.memory_space<vmem>>, vector<1x16xf32>,
      %get3A_416 = vector.shape_cast %get3A_415 : vector<1x16xf32> to vector<16xf32>
      %get3A_417 = arith.constant 1 : i32
      %get3A_418 = arith.index_cast %get3A_417 : i32 to index
      %get3A_419 = arith.index_cast %add3A_411 : i32 to index
      %get3A_420 = tpu.vector_load %arg6[%get3A_418, %get3A_419] {strides = array<i32>} : memref<3x1024xf32, #tpu.memory_space<vmem>>, vector<1x16xf32>,
      %get3A_421 = vector.shape_cast %get3A_420 : vector<1x16xf32> to vector<16xf32>
      %get3A_422 = arith.constant 2 : i32
      %get3A_423 = arith.index_cast %get3A_422 : i32 to index
      %get3A_424 = arith.index_cast %add3A_411 : i32 to index
      %get3A_425 = tpu.vector_load %arg6[%get3A_423, %get3A_424] {strides = array<i32>} : memref<3x1024xf32, #tpu.memory_space<vmem>>, vector<1x16xf32>,
      %get3A_426 = vector.shape_cast %get3A_425 : vector<1x16xf32> to vector<16xf32>
      %get3A_427 = arith.index_cast %add3A_411 : i32 to index
      %get3A_428 = tpu.vector_load %arg8[%get3A_427] {strides = array<i32>} : memref<1024xf32, #tpu.memory_space<vmem>>, vector<16xf32>,
      %get3A_429 = vector.shape_cast %get3A_428 : vector<16xf32> to vector<16xf32>
      %mul3A_430 = arith.mulf %broadcast_in_dim3A_313, %get3A_416 : vector<16xf32>
      %add3A_431 = arith.addf %broadcast_in_dim3A_349, %mul3A_430 : vector<16xf32>
      %mul3A_432 = arith.mulf %broadcast_in_dim3A_325, %get3A_421 : vector<16xf32>
      %add3A_433 = arith.addf %add3A_431, %mul3A_432 : vector<16xf32>
      %mul3A_434 = arith.mulf %broadcast_in_dim3A_337, %get3A_426 : vector<16xf32>
      %add3A_435 = arith.addf %add3A_433, %mul3A_434 : vector<16xf32>
      %min3A_436 = arith.minimumf %get3A_429, %add3A_435 : vector<16xf32>
      %mul3A_437 = arith.mulf %broadcast_in_dim3A_316, %get3A_416 : vector<16xf32>
      %add3A_438 = arith.addf %broadcast_in_dim3A_352, %mul3A_437 : vector<16xf32>
      %mul3A_439 = arith.mulf %broadcast_in_dim3A_328, %get3A_421 : vector<16xf32>
      %add3A_440 = arith.addf %add3A_438, %mul3A_439 : vector<16xf32>
      %mul3A_441 = arith.mulf %broadcast_in_dim3A_340, %get3A_426 : vector<16xf32>
      %add3A_442 = arith.addf %add3A_440, %mul3A_441 : vector<16xf32>
      %min3A_443 = arith.minimumf %min3A_436, %add3A_442 : vector<16xf32>
      %mul3A_444 = arith.mulf %broadcast_in_dim3A_319, %get3A_416 : vector<16xf32>
      %add3A_445 = arith.addf %broadcast_in_dim3A_355, %mul3A_444 : vector<16xf32>
      %mul3A_446 = arith.mulf %broadcast_in_dim3A_331, %get3A_421 : vector<16xf32>
      %add3A_447 = arith.addf %add3A_445, %mul3A_446 : vector<16xf32>
      %mul3A_448 = arith.mulf %broadcast_in_dim3A_343, %get3A_426 : vector<16xf32>
      %add3A_449 = arith.addf %add3A_447, %mul3A_448 : vector<16xf32>
      %min3A_450 = arith.minimumf %min3A_443, %add3A_449 : vector<16xf32>
      %mul3A_451 = arith.mulf %broadcast_in_dim3A_322, %get3A_416 : vector<16xf32>
      %add3A_452 = arith.addf %broadcast_in_dim3A_358, %mul3A_451 : vector<16xf32>
      %mul3A_453 = arith.mulf %broadcast_in_dim3A_334, %get3A_421 : vector<16xf32>
      %add3A_454 = arith.addf %add3A_452, %mul3A_453 : vector<16xf32>
      %mul3A_455 = arith.mulf %broadcast_in_dim3A_346, %get3A_426 : vector<16xf32>
      %add3A_456 = arith.addf %add3A_454, %mul3A_455 : vector<16xf32>
      %min3A_457 = arith.minimumf %min3A_450, %add3A_456 : vector<16xf32>
      %swap3A_458 = arith.index_cast %add3A_411 : i32 to index
      %swap3A_459 = tpu.vector_load %arg8[%swap3A_458] {strides = array<i32>} : memref<1024xf32, #tpu.memory_space<vmem>>, vector<16xf32>,
      %swap3A_460 = vector.shape_cast %swap3A_459 : vector<16xf32> to vector<16xf32>
      %swap3A_461 = vector.shape_cast %min3A_457 : vector<16xf32> to vector<16xf32>
      tpu.vector_store %arg8[%swap3A_458], %swap3A_461 {strides = array<i32>} : memref<1024xf32, #tpu.memory_space<vmem>>, vector<16xf32>,
      %add3A_462 = arith.constant 32 : i32
      %add3A_463 = arith.addi %mul3A_0, %add3A_462 : i32
      %get3A_464 = arith.constant 0 : i32
      %get3A_465 = arith.index_cast %get3A_464 : i32 to index
      %get3A_466 = arith.index_cast %add3A_463 : i32 to index
      %get3A_467 = tpu.vector_load %arg6[%get3A_465, %get3A_466] {strides = array<i32>} : memref<3x1024xf32, #tpu.memory_space<vmem>>, vector<1x16xf32>,
      %get3A_468 = vector.shape_cast %get3A_467 : vector<1x16xf32> to vector<16xf32>
      %get3A_469 = arith.constant 1 : i32
      %get3A_470 = arith.index_cast %get3A_469 : i32 to index
      %get3A_471 = arith.index_cast %add3A_463 : i32 to index
      %get3A_472 = tpu.vector_load %arg6[%get3A_470, %get3A_471] {strides = array<i32>} : memref<3x1024xf32, #tpu.memory_space<vmem>>, vector<1x16xf32>,
      %get3A_473 = vector.shape_cast %get3A_472 : vector<1x16xf32> to vector<16xf32>
      %get3A_474 = arith.constant 2 : i32
      %get3A_475 = arith.index_cast %get3A_474 : i32 to index
      %get3A_476 = arith.index_cast %add3A_463 : i32 to index
      %get3A_477 = tpu.vector_load %arg6[%get3A_475, %get3A_476] {strides = array<i32>} : memref<3x1024xf32, #tpu.memory_space<vmem>>, vector<1x16xf32>,
      %get3A_478 = vector.shape_cast %get3A_477 : vector<1x16xf32> to vector<16xf32>
      %get3A_479 = arith.index_cast %add3A_463 : i32 to index
      %get3A_480 = tpu.vector_load %arg8[%get3A_479] {strides = array<i32>} : memref<1024xf32, #tpu.memory_space<vmem>>, vector<16xf32>,
      %get3A_481 = vector.shape_cast %get3A_480 : vector<16xf32> to vector<16xf32>
      %mul3A_482 = arith.mulf %broadcast_in_dim3A_313, %get3A_468 : vector<16xf32>
      %add3A_483 = arith.addf %broadcast_in_dim3A_349, %mul3A_482 : vector<16xf32>
      %mul3A_484 = arith.mulf %broadcast_in_dim3A_325, %get3A_473 : vector<16xf32>
      %add3A_485 = arith.addf %add3A_483, %mul3A_484 : vector<16xf32>
      %mul3A_486 = arith.mulf %broadcast_in_dim3A_337, %get3A_478 : vector<16xf32>
      %add3A_487 = arith.addf %add3A_485, %mul3A_486 : vector<16xf32>
      %min3A_488 = arith.minimumf %get3A_481, %add3A_487 : vector<16xf32>
      %mul3A_489 = arith.mulf %broadcast_in_dim3A_316, %get3A_468 : vector<16xf32>
      %add3A_490 = arith.addf %broadcast_in_dim3A_352, %mul3A_489 : vector<16xf32>
      %mul3A_491 = arith.mulf %broadcast_in_dim3A_328, %get3A_473 : vector<16xf32>
      %add3A_492 = arith.addf %add3A_490, %mul3A_491 : vector<16xf32>
      %mul3A_493 = arith.mulf %broadcast_in_dim3A_340, %get3A_478 : vector<16xf32>
      %add3A_494 = arith.addf %add3A_492, %mul3A_493 : vector<16xf32>
      %min3A_495 = arith.minimumf %min3A_488, %add3A_494 : vector<16xf32>
      %mul3A_496 = arith.mulf %broadcast_in_dim3A_319, %get3A_468 : vector<16xf32>
      %add3A_497 = arith.addf %broadcast_in_dim3A_355, %mul3A_496 : vector<16xf32>
      %mul3A_498 = arith.mulf %broadcast_in_dim3A_331, %get3A_473 : vector<16xf32>
      %add3A_499 = arith.addf %add3A_497, %mul3A_498 : vector<16xf32>
      %mul3A_500 = arith.mulf %broadcast_in_dim3A_343, %get3A_478 : vector<16xf32>
      %add3A_501 = arith.addf %add3A_499, %mul3A_500 : vector<16xf32>
      %min3A_502 = arith.minimumf %min3A_495, %add3A_501 : vector<16xf32>
      %mul3A_503 = arith.mulf %broadcast_in_dim3A_322, %get3A_468 : vector<16xf32>
      %add3A_504 = arith.addf %broadcast_in_dim3A_358, %mul3A_503 : vector<16xf32>
      %mul3A_505 = arith.mulf %broadcast_in_dim3A_334, %get3A_473 : vector<16xf32>
      %add3A_506 = arith.addf %add3A_504, %mul3A_505 : vector<16xf32>
      %mul3A_507 = arith.mulf %broadcast_in_dim3A_346, %get3A_478 : vector<16xf32>
      %add3A_508 = arith.addf %add3A_506, %mul3A_507 : vector<16xf32>
      %min3A_509 = arith.minimumf %min3A_502, %add3A_508 : vector<16xf32>
      %swap3A_510 = arith.index_cast %add3A_463 : i32 to index
      %swap3A_511 = tpu.vector_load %arg8[%swap3A_510] {strides = array<i32>} : memref<1024xf32, #tpu.memory_space<vmem>>, vector<16xf32>,
      %swap3A_512 = vector.shape_cast %swap3A_511 : vector<16xf32> to vector<16xf32>
      %swap3A_513 = vector.shape_cast %min3A_509 : vector<16xf32> to vector<16xf32>
      tpu.vector_store %arg8[%swap3A_510], %swap3A_513 {strides = array<i32>} : memref<1024xf32, #tpu.memory_space<vmem>>, vector<16xf32>,
      %add3A_514 = arith.constant 48 : i32
      %add3A_515 = arith.addi %mul3A_0, %add3A_514 : i32
      %get3A_516 = arith.constant 0 : i32
      %get3A_517 = arith.index_cast %get3A_516 : i32 to index
      %get3A_518 = arith.index_cast %add3A_515 : i32 to index
      %get3A_519 = tpu.vector_load %arg6[%get3A_517, %get3A_518] {strides = array<i32>} : memref<3x1024xf32, #tpu.memory_space<vmem>>, vector<1x16xf32>,
      %get3A_520 = vector.shape_cast %get3A_519 : vector<1x16xf32> to vector<16xf32>
      %get3A_521 = arith.constant 1 : i32
      %get3A_522 = arith.index_cast %get3A_521 : i32 to index
      %get3A_523 = arith.index_cast %add3A_515 : i32 to index
      %get3A_524 = tpu.vector_load %arg6[%get3A_522, %get3A_523] {strides = array<i32>} : memref<3x1024xf32, #tpu.memory_space<vmem>>, vector<1x16xf32>,
      %get3A_525 = vector.shape_cast %get3A_524 : vector<1x16xf32> to vector<16xf32>
      %get3A_526 = arith.constant 2 : i32
      %get3A_527 = arith.index_cast %get3A_526 : i32 to index
      %get3A_528 = arith.index_cast %add3A_515 : i32 to index
      %get3A_529 = tpu.vector_load %arg6[%get3A_527, %get3A_528] {strides = array<i32>} : memref<3x1024xf32, #tpu.memory_space<vmem>>, vector<1x16xf32>,
      %get3A_530 = vector.shape_cast %get3A_529 : vector<1x16xf32> to vector<16xf32>
      %get3A_531 = arith.index_cast %add3A_515 : i32 to index
      %get3A_532 = tpu.vector_load %arg8[%get3A_531] {strides = array<i32>} : memref<1024xf32, #tpu.memory_space<vmem>>, vector<16xf32>,
      %get3A_533 = vector.shape_cast %get3A_532 : vector<16xf32> to vector<16xf32>
      %mul3A_534 = arith.mulf %broadcast_in_dim3A_313, %get3A_520 : vector<16xf32>
      %add3A_535 = arith.addf %broadcast_in_dim3A_349, %mul3A_534 : vector<16xf32>
      %mul3A_536 = arith.mulf %broadcast_in_dim3A_325, %get3A_525 : vector<16xf32>
      %add3A_537 = arith.addf %add3A_535, %mul3A_536 : vector<16xf32>
      %mul3A_538 = arith.mulf %broadcast_in_dim3A_337, %get3A_530 : vector<16xf32>
      %add3A_539 = arith.addf %add3A_537, %mul3A_538 : vector<16xf32>
      %min3A_540 = arith.minimumf %get3A_533, %add3A_539 : vector<16xf32>
      %mul3A_541 = arith.mulf %broadcast_in_dim3A_316, %get3A_520 : vector<16xf32>
      %add3A_542 = arith.addf %broadcast_in_dim3A_352, %mul3A_541 : vector<16xf32>
      %mul3A_543 = arith.mulf %broadcast_in_dim3A_328, %get3A_525 : vector<16xf32>
      %add3A_544 = arith.addf %add3A_542, %mul3A_543 : vector<16xf32>
      %mul3A_545 = arith.mulf %broadcast_in_dim3A_340, %get3A_530 : vector<16xf32>
      %add3A_546 = arith.addf %add3A_544, %mul3A_545 : vector<16xf32>
      %min3A_547 = arith.minimumf %min3A_540, %add3A_546 : vector<16xf32>
      %mul3A_548 = arith.mulf %broadcast_in_dim3A_319, %get3A_520 : vector<16xf32>
      %add3A_549 = arith.addf %broadcast_in_dim3A_355, %mul3A_548 : vector<16xf32>
      %mul3A_550 = arith.mulf %broadcast_in_dim3A_331, %get3A_525 : vector<16xf32>
      %add3A_551 = arith.addf %add3A_549, %mul3A_550 : vector<16xf32>
      %mul3A_552 = arith.mulf %broadcast_in_dim3A_343, %get3A_530 : vector<16xf32>
      %add3A_553 = arith.addf %add3A_551, %mul3A_552 : vector<16xf32>
      %min3A_554 = arith.minimumf %min3A_547, %add3A_553 : vector<16xf32>
      %mul3A_555 = arith.mulf %broadcast_in_dim3A_322, %get3A_520 : vector<16xf32>
      %add3A_556 = arith.addf %broadcast_in_dim3A_358, %mul3A_555 : vector<16xf32>
      %mul3A_557 = arith.mulf %broadcast_in_dim3A_334, %get3A_525 : vector<16xf32>
      %add3A_558 = arith.addf %add3A_556, %mul3A_557 : vector<16xf32>
      %mul3A_559 = arith.mulf %broadcast_in_dim3A_346, %get3A_530 : vector<16xf32>
      %add3A_560 = arith.addf %add3A_558, %mul3A_559 : vector<16xf32>
      %min3A_561 = arith.minimumf %min3A_554, %add3A_560 : vector<16xf32>
      %swap3A_562 = arith.index_cast %add3A_515 : i32 to index
      %swap3A_563 = tpu.vector_load %arg8[%swap3A_562] {strides = array<i32>} : memref<1024xf32, #tpu.memory_space<vmem>>, vector<16xf32>,
      %swap3A_564 = vector.shape_cast %swap3A_563 : vector<16xf32> to vector<16xf32>
      %swap3A_565 = vector.shape_cast %min3A_561 : vector<16xf32> to vector<16xf32>
      tpu.vector_store %arg8[%swap3A_562], %swap3A_565 {strides = array<i32>} : memref<1024xf32, #tpu.memory_space<vmem>>, vector<16xf32>,
      %slice3A_566 = vector.extract_strided_slice %mul3A_301 {offsets = [4], sizes = [1], strides = [1]} : vector<16xf32> to vector<1xf32>
      %squeeze3A_567 = vector.extract %slice3A_566[0] : f32 from vector<1xf32>
      %broadcast_in_dim3A_568 = vector.broadcast %squeeze3A_567 : f32 to vector<16xf32>
      %slice3A_569 = vector.extract_strided_slice %mul3A_301 {offsets = [5], sizes = [1], strides = [1]} : vector<16xf32> to vector<1xf32>
      %squeeze3A_570 = vector.extract %slice3A_569[0] : f32 from vector<1xf32>
      %broadcast_in_dim3A_571 = vector.broadcast %squeeze3A_570 : f32 to vector<16xf32>
      %slice3A_572 = vector.extract_strided_slice %mul3A_301 {offsets = [6], sizes = [1], strides = [1]} : vector<16xf32> to vector<1xf32>
      %squeeze3A_573 = vector.extract %slice3A_572[0] : f32 from vector<1xf32>
      %broadcast_in_dim3A_574 = vector.broadcast %squeeze3A_573 : f32 to vector<16xf32>
      %slice3A_575 = vector.extract_strided_slice %mul3A_301 {offsets = [7], sizes = [1], strides = [1]} : vector<16xf32> to vector<1xf32>
      %squeeze3A_576 = vector.extract %slice3A_575[0] : f32 from vector<1xf32>
      %broadcast_in_dim3A_577 = vector.broadcast %squeeze3A_576 : f32 to vector<16xf32>
      %slice3A_578 = vector.extract_strided_slice %mul3A_304 {offsets = [4], sizes = [1], strides = [1]} : vector<16xf32> to vector<1xf32>
      %squeeze3A_579 = vector.extract %slice3A_578[0] : f32 from vector<1xf32>
      %broadcast_in_dim3A_580 = vector.broadcast %squeeze3A_579 : f32 to vector<16xf32>
      %slice3A_581 = vector.extract_strided_slice %mul3A_304 {offsets = [5], sizes = [1], strides = [1]} : vector<16xf32> to vector<1xf32>
      %squeeze3A_582 = vector.extract %slice3A_581[0] : f32 from vector<1xf32>
      %broadcast_in_dim3A_583 = vector.broadcast %squeeze3A_582 : f32 to vector<16xf32>
      %slice3A_584 = vector.extract_strided_slice %mul3A_304 {offsets = [6], sizes = [1], strides = [1]} : vector<16xf32> to vector<1xf32>
      %squeeze3A_585 = vector.extract %slice3A_584[0] : f32 from vector<1xf32>
      %broadcast_in_dim3A_586 = vector.broadcast %squeeze3A_585 : f32 to vector<16xf32>
      %slice3A_587 = vector.extract_strided_slice %mul3A_304 {offsets = [7], sizes = [1], strides = [1]} : vector<16xf32> to vector<1xf32>
      %squeeze3A_588 = vector.extract %slice3A_587[0] : f32 from vector<1xf32>
      %broadcast_in_dim3A_589 = vector.broadcast %squeeze3A_588 : f32 to vector<16xf32>
      %slice3A_590 = vector.extract_strided_slice %mul3A_307 {offsets = [4], sizes = [1], strides = [1]} : vector<16xf32> to vector<1xf32>
      %squeeze3A_591 = vector.extract %slice3A_590[0] : f32 from vector<1xf32>
      %broadcast_in_dim3A_592 = vector.broadcast %squeeze3A_591 : f32 to vector<16xf32>
      %slice3A_593 = vector.extract_strided_slice %mul3A_307 {offsets = [5], sizes = [1], strides = [1]} : vector<16xf32> to vector<1xf32>
      %squeeze3A_594 = vector.extract %slice3A_593[0] : f32 from vector<1xf32>
      %broadcast_in_dim3A_595 = vector.broadcast %squeeze3A_594 : f32 to vector<16xf32>
      %slice3A_596 = vector.extract_strided_slice %mul3A_307 {offsets = [6], sizes = [1], strides = [1]} : vector<16xf32> to vector<1xf32>
      %squeeze3A_597 = vector.extract %slice3A_596[0] : f32 from vector<1xf32>
      %broadcast_in_dim3A_598 = vector.broadcast %squeeze3A_597 : f32 to vector<16xf32>
      %slice3A_599 = vector.extract_strided_slice %mul3A_307 {offsets = [7], sizes = [1], strides = [1]} : vector<16xf32> to vector<1xf32>
      %squeeze3A_600 = vector.extract %slice3A_599[0] : f32 from vector<1xf32>
      %broadcast_in_dim3A_601 = vector.broadcast %squeeze3A_600 : f32 to vector<16xf32>
      %slice3A_602 = vector.extract_strided_slice %add3A_312 {offsets = [4], sizes = [1], strides = [1]} : vector<16xf32> to vector<1xf32>
      %squeeze3A_603 = vector.extract %slice3A_602[0] : f32 from vector<1xf32>
      %broadcast_in_dim3A_604 = vector.broadcast %squeeze3A_603 : f32 to vector<16xf32>
      %slice3A_605 = vector.extract_strided_slice %add3A_312 {offsets = [5], sizes = [1], strides = [1]} : vector<16xf32> to vector<1xf32>
      %squeeze3A_606 = vector.extract %slice3A_605[0] : f32 from vector<1xf32>
      %broadcast_in_dim3A_607 = vector.broadcast %squeeze3A_606 : f32 to vector<16xf32>
      %slice3A_608 = vector.extract_strided_slice %add3A_312 {offsets = [6], sizes = [1], strides = [1]} : vector<16xf32> to vector<1xf32>
      %squeeze3A_609 = vector.extract %slice3A_608[0] : f32 from vector<1xf32>
      %broadcast_in_dim3A_610 = vector.broadcast %squeeze3A_609 : f32 to vector<16xf32>
      %slice3A_611 = vector.extract_strided_slice %add3A_312 {offsets = [7], sizes = [1], strides = [1]} : vector<16xf32> to vector<1xf32>
      %squeeze3A_612 = vector.extract %slice3A_611[0] : f32 from vector<1xf32>
      %broadcast_in_dim3A_613 = vector.broadcast %squeeze3A_612 : f32 to vector<16xf32>
      %add3A_614 = arith.constant 0 : i32
      %add3A_615 = arith.addi %mul3A_0, %add3A_614 : i32
      %get3A_616 = arith.constant 0 : i32
      %get3A_617 = arith.index_cast %get3A_616 : i32 to index
      %get3A_618 = arith.index_cast %add3A_615 : i32 to index
      %get3A_619 = tpu.vector_load %arg6[%get3A_617, %get3A_618] {strides = array<i32>} : memref<3x1024xf32, #tpu.memory_space<vmem>>, vector<1x16xf32>,
      %get3A_620 = vector.shape_cast %get3A_619 : vector<1x16xf32> to vector<16xf32>
      %get3A_621 = arith.constant 1 : i32
      %get3A_622 = arith.index_cast %get3A_621 : i32 to index
      %get3A_623 = arith.index_cast %add3A_615 : i32 to index
      %get3A_624 = tpu.vector_load %arg6[%get3A_622, %get3A_623] {strides = array<i32>} : memref<3x1024xf32, #tpu.memory_space<vmem>>, vector<1x16xf32>,
      %get3A_625 = vector.shape_cast %get3A_624 : vector<1x16xf32> to vector<16xf32>
      %get3A_626 = arith.constant 2 : i32
      %get3A_627 = arith.index_cast %get3A_626 : i32 to index
      %get3A_628 = arith.index_cast %add3A_615 : i32 to index
      %get3A_629 = tpu.vector_load %arg6[%get3A_627, %get3A_628] {strides = array<i32>} : memref<3x1024xf32, #tpu.memory_space<vmem>>, vector<1x16xf32>,
      %get3A_630 = vector.shape_cast %get3A_629 : vector<1x16xf32> to vector<16xf32>
      %get3A_631 = arith.index_cast %add3A_615 : i32 to index
      %get3A_632 = tpu.vector_load %arg8[%get3A_631] {strides = array<i32>} : memref<1024xf32, #tpu.memory_space<vmem>>, vector<16xf32>,
      %get3A_633 = vector.shape_cast %get3A_632 : vector<16xf32> to vector<16xf32>
      %mul3A_634 = arith.mulf %broadcast_in_dim3A_568, %get3A_620 : vector<16xf32>
      %add3A_635 = arith.addf %broadcast_in_dim3A_604, %mul3A_634 : vector<16xf32>
      %mul3A_636 = arith.mulf %broadcast_in_dim3A_580, %get3A_625 : vector<16xf32>
      %add3A_637 = arith.addf %add3A_635, %mul3A_636 : vector<16xf32>
      %mul3A_638 = arith.mulf %broadcast_in_dim3A_592, %get3A_630 : vector<16xf32>
      %add3A_639 = arith.addf %add3A_637, %mul3A_638 : vector<16xf32>
      %min3A_640 = arith.minimumf %get3A_633, %add3A_639 : vector<16xf32>
      %mul3A_641 = arith.mulf %broadcast_in_dim3A_571, %get3A_620 : vector<16xf32>
      %add3A_642 = arith.addf %broadcast_in_dim3A_607, %mul3A_641 : vector<16xf32>
      %mul3A_643 = arith.mulf %broadcast_in_dim3A_583, %get3A_625 : vector<16xf32>
      %add3A_644 = arith.addf %add3A_642, %mul3A_643 : vector<16xf32>
      %mul3A_645 = arith.mulf %broadcast_in_dim3A_595, %get3A_630 : vector<16xf32>
      %add3A_646 = arith.addf %add3A_644, %mul3A_645 : vector<16xf32>
      %min3A_647 = arith.minimumf %min3A_640, %add3A_646 : vector<16xf32>
      %mul3A_648 = arith.mulf %broadcast_in_dim3A_574, %get3A_620 : vector<16xf32>
      %add3A_649 = arith.addf %broadcast_in_dim3A_610, %mul3A_648 : vector<16xf32>
      %mul3A_650 = arith.mulf %broadcast_in_dim3A_586, %get3A_625 : vector<16xf32>
      %add3A_651 = arith.addf %add3A_649, %mul3A_650 : vector<16xf32>
      %mul3A_652 = arith.mulf %broadcast_in_dim3A_598, %get3A_630 : vector<16xf32>
      %add3A_653 = arith.addf %add3A_651, %mul3A_652 : vector<16xf32>
      %min3A_654 = arith.minimumf %min3A_647, %add3A_653 : vector<16xf32>
      %mul3A_655 = arith.mulf %broadcast_in_dim3A_577, %get3A_620 : vector<16xf32>
      %add3A_656 = arith.addf %broadcast_in_dim3A_613, %mul3A_655 : vector<16xf32>
      %mul3A_657 = arith.mulf %broadcast_in_dim3A_589, %get3A_625 : vector<16xf32>
      %add3A_658 = arith.addf %add3A_656, %mul3A_657 : vector<16xf32>
      %mul3A_659 = arith.mulf %broadcast_in_dim3A_601, %get3A_630 : vector<16xf32>
      %add3A_660 = arith.addf %add3A_658, %mul3A_659 : vector<16xf32>
      %min3A_661 = arith.minimumf %min3A_654, %add3A_660 : vector<16xf32>
      %swap3A_662 = arith.index_cast %add3A_615 : i32 to index
      %swap3A_663 = tpu.vector_load %arg8[%swap3A_662] {strides = array<i32>} : memref<1024xf32, #tpu.memory_space<vmem>>, vector<16xf32>,
      %swap3A_664 = vector.shape_cast %swap3A_663 : vector<16xf32> to vector<16xf32>
      %swap3A_665 = vector.shape_cast %min3A_661 : vector<16xf32> to vector<16xf32>
      tpu.vector_store %arg8[%swap3A_662], %swap3A_665 {strides = array<i32>} : memref<1024xf32, #tpu.memory_space<vmem>>, vector<16xf32>,
      %add3A_666 = arith.constant 16 : i32
      %add3A_667 = arith.addi %mul3A_0, %add3A_666 : i32
      %get3A_668 = arith.constant 0 : i32
      %get3A_669 = arith.index_cast %get3A_668 : i32 to index
      %get3A_670 = arith.index_cast %add3A_667 : i32 to index
      %get3A_671 = tpu.vector_load %arg6[%get3A_669, %get3A_670] {strides = array<i32>} : memref<3x1024xf32, #tpu.memory_space<vmem>>, vector<1x16xf32>,
      %get3A_672 = vector.shape_cast %get3A_671 : vector<1x16xf32> to vector<16xf32>
      %get3A_673 = arith.constant 1 : i32
      %get3A_674 = arith.index_cast %get3A_673 : i32 to index
      %get3A_675 = arith.index_cast %add3A_667 : i32 to index
      %get3A_676 = tpu.vector_load %arg6[%get3A_674, %get3A_675] {strides = array<i32>} : memref<3x1024xf32, #tpu.memory_space<vmem>>, vector<1x16xf32>,
      %get3A_677 = vector.shape_cast %get3A_676 : vector<1x16xf32> to vector<16xf32>
      %get3A_678 = arith.constant 2 : i32
      %get3A_679 = arith.index_cast %get3A_678 : i32 to index
      %get3A_680 = arith.index_cast %add3A_667 : i32 to index
      %get3A_681 = tpu.vector_load %arg6[%get3A_679, %get3A_680] {strides = array<i32>} : memref<3x1024xf32, #tpu.memory_space<vmem>>, vector<1x16xf32>,
      %get3A_682 = vector.shape_cast %get3A_681 : vector<1x16xf32> to vector<16xf32>
      %get3A_683 = arith.index_cast %add3A_667 : i32 to index
      %get3A_684 = tpu.vector_load %arg8[%get3A_683] {strides = array<i32>} : memref<1024xf32, #tpu.memory_space<vmem>>, vector<16xf32>,
      %get3A_685 = vector.shape_cast %get3A_684 : vector<16xf32> to vector<16xf32>
      %mul3A_686 = arith.mulf %broadcast_in_dim3A_568, %get3A_672 : vector<16xf32>
      %add3A_687 = arith.addf %broadcast_in_dim3A_604, %mul3A_686 : vector<16xf32>
      %mul3A_688 = arith.mulf %broadcast_in_dim3A_580, %get3A_677 : vector<16xf32>
      %add3A_689 = arith.addf %add3A_687, %mul3A_688 : vector<16xf32>
      %mul3A_690 = arith.mulf %broadcast_in_dim3A_592, %get3A_682 : vector<16xf32>
      %add3A_691 = arith.addf %add3A_689, %mul3A_690 : vector<16xf32>
      %min3A_692 = arith.minimumf %get3A_685, %add3A_691 : vector<16xf32>
      %mul3A_693 = arith.mulf %broadcast_in_dim3A_571, %get3A_672 : vector<16xf32>
      %add3A_694 = arith.addf %broadcast_in_dim3A_607, %mul3A_693 : vector<16xf32>
      %mul3A_695 = arith.mulf %broadcast_in_dim3A_583, %get3A_677 : vector<16xf32>
      %add3A_696 = arith.addf %add3A_694, %mul3A_695 : vector<16xf32>
      %mul3A_697 = arith.mulf %broadcast_in_dim3A_595, %get3A_682 : vector<16xf32>
      %add3A_698 = arith.addf %add3A_696, %mul3A_697 : vector<16xf32>
      %min3A_699 = arith.minimumf %min3A_692, %add3A_698 : vector<16xf32>
      %mul3A_700 = arith.mulf %broadcast_in_dim3A_574, %get3A_672 : vector<16xf32>
      %add3A_701 = arith.addf %broadcast_in_dim3A_610, %mul3A_700 : vector<16xf32>
      %mul3A_702 = arith.mulf %broadcast_in_dim3A_586, %get3A_677 : vector<16xf32>
      %add3A_703 = arith.addf %add3A_701, %mul3A_702 : vector<16xf32>
      %mul3A_704 = arith.mulf %broadcast_in_dim3A_598, %get3A_682 : vector<16xf32>
      %add3A_705 = arith.addf %add3A_703, %mul3A_704 : vector<16xf32>
      %min3A_706 = arith.minimumf %min3A_699, %add3A_705 : vector<16xf32>
      %mul3A_707 = arith.mulf %broadcast_in_dim3A_577, %get3A_672 : vector<16xf32>
      %add3A_708 = arith.addf %broadcast_in_dim3A_613, %mul3A_707 : vector<16xf32>
      %mul3A_709 = arith.mulf %broadcast_in_dim3A_589, %get3A_677 : vector<16xf32>
      %add3A_710 = arith.addf %add3A_708, %mul3A_709 : vector<16xf32>
      %mul3A_711 = arith.mulf %broadcast_in_dim3A_601, %get3A_682 : vector<16xf32>
      %add3A_712 = arith.addf %add3A_710, %mul3A_711 : vector<16xf32>
      %min3A_713 = arith.minimumf %min3A_706, %add3A_712 : vector<16xf32>
      %swap3A_714 = arith.index_cast %add3A_667 : i32 to index
      %swap3A_715 = tpu.vector_load %arg8[%swap3A_714] {strides = array<i32>} : memref<1024xf32, #tpu.memory_space<vmem>>, vector<16xf32>,
      %swap3A_716 = vector.shape_cast %swap3A_715 : vector<16xf32> to vector<16xf32>
      %swap3A_717 = vector.shape_cast %min3A_713 : vector<16xf32> to vector<16xf32>
      tpu.vector_store %arg8[%swap3A_714], %swap3A_717 {strides = array<i32>} : memref<1024xf32, #tpu.memory_space<vmem>>, vector<16xf32>,
      %add3A_718 = arith.constant 32 : i32
      %add3A_719 = arith.addi %mul3A_0, %add3A_718 : i32
      %get3A_720 = arith.constant 0 : i32
      %get3A_721 = arith.index_cast %get3A_720 : i32 to index
      %get3A_722 = arith.index_cast %add3A_719 : i32 to index
      %get3A_723 = tpu.vector_load %arg6[%get3A_721, %get3A_722] {strides = array<i32>} : memref<3x1024xf32, #tpu.memory_space<vmem>>, vector<1x16xf32>,
      %get3A_724 = vector.shape_cast %get3A_723 : vector<1x16xf32> to vector<16xf32>
      %get3A_725 = arith.constant 1 : i32
      %get3A_726 = arith.index_cast %get3A_725 : i32 to index
      %get3A_727 = arith.index_cast %add3A_719 : i32 to index
      %get3A_728 = tpu.vector_load %arg6[%get3A_726, %get3A_727] {strides = array<i32>} : memref<3x1024xf32, #tpu.memory_space<vmem>>, vector<1x16xf32>,
      %get3A_729 = vector.shape_cast %get3A_728 : vector<1x16xf32> to vector<16xf32>
      %get3A_730 = arith.constant 2 : i32
      %get3A_731 = arith.index_cast %get3A_730 : i32 to index
      %get3A_732 = arith.index_cast %add3A_719 : i32 to index
      %get3A_733 = tpu.vector_load %arg6[%get3A_731, %get3A_732] {strides = array<i32>} : memref<3x1024xf32, #tpu.memory_space<vmem>>, vector<1x16xf32>,
      %get3A_734 = vector.shape_cast %get3A_733 : vector<1x16xf32> to vector<16xf32>
      %get3A_735 = arith.index_cast %add3A_719 : i32 to index
      %get3A_736 = tpu.vector_load %arg8[%get3A_735] {strides = array<i32>} : memref<1024xf32, #tpu.memory_space<vmem>>, vector<16xf32>,
      %get3A_737 = vector.shape_cast %get3A_736 : vector<16xf32> to vector<16xf32>
      %mul3A_738 = arith.mulf %broadcast_in_dim3A_568, %get3A_724 : vector<16xf32>
      %add3A_739 = arith.addf %broadcast_in_dim3A_604, %mul3A_738 : vector<16xf32>
      %mul3A_740 = arith.mulf %broadcast_in_dim3A_580, %get3A_729 : vector<16xf32>
      %add3A_741 = arith.addf %add3A_739, %mul3A_740 : vector<16xf32>
      %mul3A_742 = arith.mulf %broadcast_in_dim3A_592, %get3A_734 : vector<16xf32>
      %add3A_743 = arith.addf %add3A_741, %mul3A_742 : vector<16xf32>
      %min3A_744 = arith.minimumf %get3A_737, %add3A_743 : vector<16xf32>
      %mul3A_745 = arith.mulf %broadcast_in_dim3A_571, %get3A_724 : vector<16xf32>
      %add3A_746 = arith.addf %broadcast_in_dim3A_607, %mul3A_745 : vector<16xf32>
      %mul3A_747 = arith.mulf %broadcast_in_dim3A_583, %get3A_729 : vector<16xf32>
      %add3A_748 = arith.addf %add3A_746, %mul3A_747 : vector<16xf32>
      %mul3A_749 = arith.mulf %broadcast_in_dim3A_595, %get3A_734 : vector<16xf32>
      %add3A_750 = arith.addf %add3A_748, %mul3A_749 : vector<16xf32>
      %min3A_751 = arith.minimumf %min3A_744, %add3A_750 : vector<16xf32>
      %mul3A_752 = arith.mulf %broadcast_in_dim3A_574, %get3A_724 : vector<16xf32>
      %add3A_753 = arith.addf %broadcast_in_dim3A_610, %mul3A_752 : vector<16xf32>
      %mul3A_754 = arith.mulf %broadcast_in_dim3A_586, %get3A_729 : vector<16xf32>
      %add3A_755 = arith.addf %add3A_753, %mul3A_754 : vector<16xf32>
      %mul3A_756 = arith.mulf %broadcast_in_dim3A_598, %get3A_734 : vector<16xf32>
      %add3A_757 = arith.addf %add3A_755, %mul3A_756 : vector<16xf32>
      %min3A_758 = arith.minimumf %min3A_751, %add3A_757 : vector<16xf32>
      %mul3A_759 = arith.mulf %broadcast_in_dim3A_577, %get3A_724 : vector<16xf32>
      %add3A_760 = arith.addf %broadcast_in_dim3A_613, %mul3A_759 : vector<16xf32>
      %mul3A_761 = arith.mulf %broadcast_in_dim3A_589, %get3A_729 : vector<16xf32>
      %add3A_762 = arith.addf %add3A_760, %mul3A_761 : vector<16xf32>
      %mul3A_763 = arith.mulf %broadcast_in_dim3A_601, %get3A_734 : vector<16xf32>
      %add3A_764 = arith.addf %add3A_762, %mul3A_763 : vector<16xf32>
      %min3A_765 = arith.minimumf %min3A_758, %add3A_764 : vector<16xf32>
      %swap3A_766 = arith.index_cast %add3A_719 : i32 to index
      %swap3A_767 = tpu.vector_load %arg8[%swap3A_766] {strides = array<i32>} : memref<1024xf32, #tpu.memory_space<vmem>>, vector<16xf32>,
      %swap3A_768 = vector.shape_cast %swap3A_767 : vector<16xf32> to vector<16xf32>
      %swap3A_769 = vector.shape_cast %min3A_765 : vector<16xf32> to vector<16xf32>
      tpu.vector_store %arg8[%swap3A_766], %swap3A_769 {strides = array<i32>} : memref<1024xf32, #tpu.memory_space<vmem>>, vector<16xf32>,
      %add3A_770 = arith.constant 48 : i32
      %add3A_771 = arith.addi %mul3A_0, %add3A_770 : i32
      %get3A_772 = arith.constant 0 : i32
      %get3A_773 = arith.index_cast %get3A_772 : i32 to index
      %get3A_774 = arith.index_cast %add3A_771 : i32 to index
      %get3A_775 = tpu.vector_load %arg6[%get3A_773, %get3A_774] {strides = array<i32>} : memref<3x1024xf32, #tpu.memory_space<vmem>>, vector<1x16xf32>,
      %get3A_776 = vector.shape_cast %get3A_775 : vector<1x16xf32> to vector<16xf32>
      %get3A_777 = arith.constant 1 : i32
      %get3A_778 = arith.index_cast %get3A_777 : i32 to index
      %get3A_779 = arith.index_cast %add3A_771 : i32 to index
      %get3A_780 = tpu.vector_load %arg6[%get3A_778, %get3A_779] {strides = array<i32>} : memref<3x1024xf32, #tpu.memory_space<vmem>>, vector<1x16xf32>,
      %get3A_781 = vector.shape_cast %get3A_780 : vector<1x16xf32> to vector<16xf32>
      %get3A_782 = arith.constant 2 : i32
      %get3A_783 = arith.index_cast %get3A_782 : i32 to index
      %get3A_784 = arith.index_cast %add3A_771 : i32 to index
      %get3A_785 = tpu.vector_load %arg6[%get3A_783, %get3A_784] {strides = array<i32>} : memref<3x1024xf32, #tpu.memory_space<vmem>>, vector<1x16xf32>,
      %get3A_786 = vector.shape_cast %get3A_785 : vector<1x16xf32> to vector<16xf32>
      %get3A_787 = arith.index_cast %add3A_771 : i32 to index
      %get3A_788 = tpu.vector_load %arg8[%get3A_787] {strides = array<i32>} : memref<1024xf32, #tpu.memory_space<vmem>>, vector<16xf32>,
      %get3A_789 = vector.shape_cast %get3A_788 : vector<16xf32> to vector<16xf32>
      %mul3A_790 = arith.mulf %broadcast_in_dim3A_568, %get3A_776 : vector<16xf32>
      %add3A_791 = arith.addf %broadcast_in_dim3A_604, %mul3A_790 : vector<16xf32>
      %mul3A_792 = arith.mulf %broadcast_in_dim3A_580, %get3A_781 : vector<16xf32>
      %add3A_793 = arith.addf %add3A_791, %mul3A_792 : vector<16xf32>
      %mul3A_794 = arith.mulf %broadcast_in_dim3A_592, %get3A_786 : vector<16xf32>
      %add3A_795 = arith.addf %add3A_793, %mul3A_794 : vector<16xf32>
      %min3A_796 = arith.minimumf %get3A_789, %add3A_795 : vector<16xf32>
      %mul3A_797 = arith.mulf %broadcast_in_dim3A_571, %get3A_776 : vector<16xf32>
      %add3A_798 = arith.addf %broadcast_in_dim3A_607, %mul3A_797 : vector<16xf32>
      %mul3A_799 = arith.mulf %broadcast_in_dim3A_583, %get3A_781 : vector<16xf32>
      %add3A_800 = arith.addf %add3A_798, %mul3A_799 : vector<16xf32>
      %mul3A_801 = arith.mulf %broadcast_in_dim3A_595, %get3A_786 : vector<16xf32>
      %add3A_802 = arith.addf %add3A_800, %mul3A_801 : vector<16xf32>
      %min3A_803 = arith.minimumf %min3A_796, %add3A_802 : vector<16xf32>
      %mul3A_804 = arith.mulf %broadcast_in_dim3A_574, %get3A_776 : vector<16xf32>
      %add3A_805 = arith.addf %broadcast_in_dim3A_610, %mul3A_804 : vector<16xf32>
      %mul3A_806 = arith.mulf %broadcast_in_dim3A_586, %get3A_781 : vector<16xf32>
      %add3A_807 = arith.addf %add3A_805, %mul3A_806 : vector<16xf32>
      %mul3A_808 = arith.mulf %broadcast_in_dim3A_598, %get3A_786 : vector<16xf32>
      %add3A_809 = arith.addf %add3A_807, %mul3A_808 : vector<16xf32>
      %min3A_810 = arith.minimumf %min3A_803, %add3A_809 : vector<16xf32>
      %mul3A_811 = arith.mulf %broadcast_in_dim3A_577, %get3A_776 : vector<16xf32>
      %add3A_812 = arith.addf %broadcast_in_dim3A_613, %mul3A_811 : vector<16xf32>
      %mul3A_813 = arith.mulf %broadcast_in_dim3A_589, %get3A_781 : vector<16xf32>
      %add3A_814 = arith.addf %add3A_812, %mul3A_813 : vector<16xf32>
      %mul3A_815 = arith.mulf %broadcast_in_dim3A_601, %get3A_786 : vector<16xf32>
      %add3A_816 = arith.addf %add3A_814, %mul3A_815 : vector<16xf32>
      %min3A_817 = arith.minimumf %min3A_810, %add3A_816 : vector<16xf32>
      %swap3A_818 = arith.index_cast %add3A_771 : i32 to index
      %swap3A_819 = tpu.vector_load %arg8[%swap3A_818] {strides = array<i32>} : memref<1024xf32, #tpu.memory_space<vmem>>, vector<16xf32>,
      %swap3A_820 = vector.shape_cast %swap3A_819 : vector<16xf32> to vector<16xf32>
      %swap3A_821 = vector.shape_cast %min3A_817 : vector<16xf32> to vector<16xf32>
      tpu.vector_store %arg8[%swap3A_818], %swap3A_821 {strides = array<i32>} : memref<1024xf32, #tpu.memory_space<vmem>>, vector<16xf32>,
      %slice3A_822 = vector.extract_strided_slice %mul3A_301 {offsets = [8], sizes = [1], strides = [1]} : vector<16xf32> to vector<1xf32>
      %squeeze3A_823 = vector.extract %slice3A_822[0] : f32 from vector<1xf32>
      %broadcast_in_dim3A_824 = vector.broadcast %squeeze3A_823 : f32 to vector<16xf32>
      %slice3A_825 = vector.extract_strided_slice %mul3A_301 {offsets = [9], sizes = [1], strides = [1]} : vector<16xf32> to vector<1xf32>
      %squeeze3A_826 = vector.extract %slice3A_825[0] : f32 from vector<1xf32>
      %broadcast_in_dim3A_827 = vector.broadcast %squeeze3A_826 : f32 to vector<16xf32>
      %slice3A_828 = vector.extract_strided_slice %mul3A_301 {offsets = [10], sizes = [1], strides = [1]} : vector<16xf32> to vector<1xf32>
      %squeeze3A_829 = vector.extract %slice3A_828[0] : f32 from vector<1xf32>
      %broadcast_in_dim3A_830 = vector.broadcast %squeeze3A_829 : f32 to vector<16xf32>
      %slice3A_831 = vector.extract_strided_slice %mul3A_301 {offsets = [11], sizes = [1], strides = [1]} : vector<16xf32> to vector<1xf32>
      %squeeze3A_832 = vector.extract %slice3A_831[0] : f32 from vector<1xf32>
      %broadcast_in_dim3A_833 = vector.broadcast %squeeze3A_832 : f32 to vector<16xf32>
      %slice3A_834 = vector.extract_strided_slice %mul3A_304 {offsets = [8], sizes = [1], strides = [1]} : vector<16xf32> to vector<1xf32>
      %squeeze3A_835 = vector.extract %slice3A_834[0] : f32 from vector<1xf32>
      %broadcast_in_dim3A_836 = vector.broadcast %squeeze3A_835 : f32 to vector<16xf32>
      %slice3A_837 = vector.extract_strided_slice %mul3A_304 {offsets = [9], sizes = [1], strides = [1]} : vector<16xf32> to vector<1xf32>
      %squeeze3A_838 = vector.extract %slice3A_837[0] : f32 from vector<1xf32>
      %broadcast_in_dim3A_839 = vector.broadcast %squeeze3A_838 : f32 to vector<16xf32>
      %slice3A_840 = vector.extract_strided_slice %mul3A_304 {offsets = [10], sizes = [1], strides = [1]} : vector<16xf32> to vector<1xf32>
      %squeeze3A_841 = vector.extract %slice3A_840[0] : f32 from vector<1xf32>
      %broadcast_in_dim3A_842 = vector.broadcast %squeeze3A_841 : f32 to vector<16xf32>
      %slice3A_843 = vector.extract_strided_slice %mul3A_304 {offsets = [11], sizes = [1], strides = [1]} : vector<16xf32> to vector<1xf32>
      %squeeze3A_844 = vector.extract %slice3A_843[0] : f32 from vector<1xf32>
      %broadcast_in_dim3A_845 = vector.broadcast %squeeze3A_844 : f32 to vector<16xf32>
      %slice3A_846 = vector.extract_strided_slice %mul3A_307 {offsets = [8], sizes = [1], strides = [1]} : vector<16xf32> to vector<1xf32>
      %squeeze3A_847 = vector.extract %slice3A_846[0] : f32 from vector<1xf32>
      %broadcast_in_dim3A_848 = vector.broadcast %squeeze3A_847 : f32 to vector<16xf32>
      %slice3A_849 = vector.extract_strided_slice %mul3A_307 {offsets = [9], sizes = [1], strides = [1]} : vector<16xf32> to vector<1xf32>
      %squeeze3A_850 = vector.extract %slice3A_849[0] : f32 from vector<1xf32>
      %broadcast_in_dim3A_851 = vector.broadcast %squeeze3A_850 : f32 to vector<16xf32>
      %slice3A_852 = vector.extract_strided_slice %mul3A_307 {offsets = [10], sizes = [1], strides = [1]} : vector<16xf32> to vector<1xf32>
      %squeeze3A_853 = vector.extract %slice3A_852[0] : f32 from vector<1xf32>
      %broadcast_in_dim3A_854 = vector.broadcast %squeeze3A_853 : f32 to vector<16xf32>
      %slice3A_855 = vector.extract_strided_slice %mul3A_307 {offsets = [11], sizes = [1], strides = [1]} : vector<16xf32> to vector<1xf32>
      %squeeze3A_856 = vector.extract %slice3A_855[0] : f32 from vector<1xf32>
      %broadcast_in_dim3A_857 = vector.broadcast %squeeze3A_856 : f32 to vector<16xf32>
      %slice3A_858 = vector.extract_strided_slice %add3A_312 {offsets = [8], sizes = [1], strides = [1]} : vector<16xf32> to vector<1xf32>
      %squeeze3A_859 = vector.extract %slice3A_858[0] : f32 from vector<1xf32>
      %broadcast_in_dim3A_860 = vector.broadcast %squeeze3A_859 : f32 to vector<16xf32>
      %slice3A_861 = vector.extract_strided_slice %add3A_312 {offsets = [9], sizes = [1], strides = [1]} : vector<16xf32> to vector<1xf32>
      %squeeze3A_862 = vector.extract %slice3A_861[0] : f32 from vector<1xf32>
      %broadcast_in_dim3A_863 = vector.broadcast %squeeze3A_862 : f32 to vector<16xf32>
      %slice3A_864 = vector.extract_strided_slice %add3A_312 {offsets = [10], sizes = [1], strides = [1]} : vector<16xf32> to vector<1xf32>
      %squeeze3A_865 = vector.extract %slice3A_864[0] : f32 from vector<1xf32>
      %broadcast_in_dim3A_866 = vector.broadcast %squeeze3A_865 : f32 to vector<16xf32>
      %slice3A_867 = vector.extract_strided_slice %add3A_312 {offsets = [11], sizes = [1], strides = [1]} : vector<16xf32> to vector<1xf32>
      %squeeze3A_868 = vector.extract %slice3A_867[0] : f32 from vector<1xf32>
      %broadcast_in_dim3A_869 = vector.broadcast %squeeze3A_868 : f32 to vector<16xf32>
      %add3A_870 = arith.constant 0 : i32
      %add3A_871 = arith.addi %mul3A_0, %add3A_870 : i32
      %get3A_872 = arith.constant 0 : i32
      %get3A_873 = arith.index_cast %get3A_872 : i32 to index
      %get3A_874 = arith.index_cast %add3A_871 : i32 to index
      %get3A_875 = tpu.vector_load %arg6[%get3A_873, %get3A_874] {strides = array<i32>} : memref<3x1024xf32, #tpu.memory_space<vmem>>, vector<1x16xf32>,
      %get3A_876 = vector.shape_cast %get3A_875 : vector<1x16xf32> to vector<16xf32>
      %get3A_877 = arith.constant 1 : i32
      %get3A_878 = arith.index_cast %get3A_877 : i32 to index
      %get3A_879 = arith.index_cast %add3A_871 : i32 to index
      %get3A_880 = tpu.vector_load %arg6[%get3A_878, %get3A_879] {strides = array<i32>} : memref<3x1024xf32, #tpu.memory_space<vmem>>, vector<1x16xf32>,
      %get3A_881 = vector.shape_cast %get3A_880 : vector<1x16xf32> to vector<16xf32>
      %get3A_882 = arith.constant 2 : i32
      %get3A_883 = arith.index_cast %get3A_882 : i32 to index
      %get3A_884 = arith.index_cast %add3A_871 : i32 to index
      %get3A_885 = tpu.vector_load %arg6[%get3A_883, %get3A_884] {strides = array<i32>} : memref<3x1024xf32, #tpu.memory_space<vmem>>, vector<1x16xf32>,
      %get3A_886 = vector.shape_cast %get3A_885 : vector<1x16xf32> to vector<16xf32>
      %get3A_887 = arith.index_cast %add3A_871 : i32 to index
      %get3A_888 = tpu.vector_load %arg8[%get3A_887] {strides = array<i32>} : memref<1024xf32, #tpu.memory_space<vmem>>, vector<16xf32>,
      %get3A_889 = vector.shape_cast %get3A_888 : vector<16xf32> to vector<16xf32>
      %mul3A_890 = arith.mulf %broadcast_in_dim3A_824, %get3A_876 : vector<16xf32>
      %add3A_891 = arith.addf %broadcast_in_dim3A_860, %mul3A_890 : vector<16xf32>
      %mul3A_892 = arith.mulf %broadcast_in_dim3A_836, %get3A_881 : vector<16xf32>
      %add3A_893 = arith.addf %add3A_891, %mul3A_892 : vector<16xf32>
      %mul3A_894 = arith.mulf %broadcast_in_dim3A_848, %get3A_886 : vector<16xf32>
      %add3A_895 = arith.addf %add3A_893, %mul3A_894 : vector<16xf32>
      %min3A_896 = arith.minimumf %get3A_889, %add3A_895 : vector<16xf32>
      %mul3A_897 = arith.mulf %broadcast_in_dim3A_827, %get3A_876 : vector<16xf32>
      %add3A_898 = arith.addf %broadcast_in_dim3A_863, %mul3A_897 : vector<16xf32>
      %mul3A_899 = arith.mulf %broadcast_in_dim3A_839, %get3A_881 : vector<16xf32>
      %add3A_900 = arith.addf %add3A_898, %mul3A_899 : vector<16xf32>
      %mul3A_901 = arith.mulf %broadcast_in_dim3A_851, %get3A_886 : vector<16xf32>
      %add3A_902 = arith.addf %add3A_900, %mul3A_901 : vector<16xf32>
      %min3A_903 = arith.minimumf %min3A_896, %add3A_902 : vector<16xf32>
      %mul3A_904 = arith.mulf %broadcast_in_dim3A_830, %get3A_876 : vector<16xf32>
      %add3A_905 = arith.addf %broadcast_in_dim3A_866, %mul3A_904 : vector<16xf32>
      %mul3A_906 = arith.mulf %broadcast_in_dim3A_842, %get3A_881 : vector<16xf32>
      %add3A_907 = arith.addf %add3A_905, %mul3A_906 : vector<16xf32>
      %mul3A_908 = arith.mulf %broadcast_in_dim3A_854, %get3A_886 : vector<16xf32>
      %add3A_909 = arith.addf %add3A_907, %mul3A_908 : vector<16xf32>
      %min3A_910 = arith.minimumf %min3A_903, %add3A_909 : vector<16xf32>
      %mul3A_911 = arith.mulf %broadcast_in_dim3A_833, %get3A_876 : vector<16xf32>
      %add3A_912 = arith.addf %broadcast_in_dim3A_869, %mul3A_911 : vector<16xf32>
      %mul3A_913 = arith.mulf %broadcast_in_dim3A_845, %get3A_881 : vector<16xf32>
      %add3A_914 = arith.addf %add3A_912, %mul3A_913 : vector<16xf32>
      %mul3A_915 = arith.mulf %broadcast_in_dim3A_857, %get3A_886 : vector<16xf32>
      %add3A_916 = arith.addf %add3A_914, %mul3A_915 : vector<16xf32>
      %min3A_917 = arith.minimumf %min3A_910, %add3A_916 : vector<16xf32>
      %swap3A_918 = arith.index_cast %add3A_871 : i32 to index
      %swap3A_919 = tpu.vector_load %arg8[%swap3A_918] {strides = array<i32>} : memref<1024xf32, #tpu.memory_space<vmem>>, vector<16xf32>,
      %swap3A_920 = vector.shape_cast %swap3A_919 : vector<16xf32> to vector<16xf32>
      %swap3A_921 = vector.shape_cast %min3A_917 : vector<16xf32> to vector<16xf32>
      tpu.vector_store %arg8[%swap3A_918], %swap3A_921 {strides = array<i32>} : memref<1024xf32, #tpu.memory_space<vmem>>, vector<16xf32>,
      %add3A_922 = arith.constant 16 : i32
      %add3A_923 = arith.addi %mul3A_0, %add3A_922 : i32
      %get3A_924 = arith.constant 0 : i32
      %get3A_925 = arith.index_cast %get3A_924 : i32 to index
      %get3A_926 = arith.index_cast %add3A_923 : i32 to index
      %get3A_927 = tpu.vector_load %arg6[%get3A_925, %get3A_926] {strides = array<i32>} : memref<3x1024xf32, #tpu.memory_space<vmem>>, vector<1x16xf32>,
      %get3A_928 = vector.shape_cast %get3A_927 : vector<1x16xf32> to vector<16xf32>
      %get3A_929 = arith.constant 1 : i32
      %get3A_930 = arith.index_cast %get3A_929 : i32 to index
      %get3A_931 = arith.index_cast %add3A_923 : i32 to index
      %get3A_932 = tpu.vector_load %arg6[%get3A_930, %get3A_931] {strides = array<i32>} : memref<3x1024xf32, #tpu.memory_space<vmem>>, vector<1x16xf32>,
      %get3A_933 = vector.shape_cast %get3A_932 : vector<1x16xf32> to vector<16xf32>
      %get3A_934 = arith.constant 2 : i32
      %get3A_935 = arith.index_cast %get3A_934 : i32 to index
      %get3A_936 = arith.index_cast %add3A_923 : i32 to index
      %get3A_937 = tpu.vector_load %arg6[%get3A_935, %get3A_936] {strides = array<i32>} : memref<3x1024xf32, #tpu.memory_space<vmem>>, vector<1x16xf32>,
      %get3A_938 = vector.shape_cast %get3A_937 : vector<1x16xf32> to vector<16xf32>
      %get3A_939 = arith.index_cast %add3A_923 : i32 to index
      %get3A_940 = tpu.vector_load %arg8[%get3A_939] {strides = array<i32>} : memref<1024xf32, #tpu.memory_space<vmem>>, vector<16xf32>,
      %get3A_941 = vector.shape_cast %get3A_940 : vector<16xf32> to vector<16xf32>
      %mul3A_942 = arith.mulf %broadcast_in_dim3A_824, %get3A_928 : vector<16xf32>
      %add3A_943 = arith.addf %broadcast_in_dim3A_860, %mul3A_942 : vector<16xf32>
      %mul3A_944 = arith.mulf %broadcast_in_dim3A_836, %get3A_933 : vector<16xf32>
      %add3A_945 = arith.addf %add3A_943, %mul3A_944 : vector<16xf32>
      %mul3A_946 = arith.mulf %broadcast_in_dim3A_848, %get3A_938 : vector<16xf32>
      %add3A_947 = arith.addf %add3A_945, %mul3A_946 : vector<16xf32>
      %min3A_948 = arith.minimumf %get3A_941, %add3A_947 : vector<16xf32>
      %mul3A_949 = arith.mulf %broadcast_in_dim3A_827, %get3A_928 : vector<16xf32>
      %add3A_950 = arith.addf %broadcast_in_dim3A_863, %mul3A_949 : vector<16xf32>
      %mul3A_951 = arith.mulf %broadcast_in_dim3A_839, %get3A_933 : vector<16xf32>
      %add3A_952 = arith.addf %add3A_950, %mul3A_951 : vector<16xf32>
      %mul3A_953 = arith.mulf %broadcast_in_dim3A_851, %get3A_938 : vector<16xf32>
      %add3A_954 = arith.addf %add3A_952, %mul3A_953 : vector<16xf32>
      %min3A_955 = arith.minimumf %min3A_948, %add3A_954 : vector<16xf32>
      %mul3A_956 = arith.mulf %broadcast_in_dim3A_830, %get3A_928 : vector<16xf32>
      %add3A_957 = arith.addf %broadcast_in_dim3A_866, %mul3A_956 : vector<16xf32>
      %mul3A_958 = arith.mulf %broadcast_in_dim3A_842, %get3A_933 : vector<16xf32>
      %add3A_959 = arith.addf %add3A_957, %mul3A_958 : vector<16xf32>
      %mul3A_960 = arith.mulf %broadcast_in_dim3A_854, %get3A_938 : vector<16xf32>
      %add3A_961 = arith.addf %add3A_959, %mul3A_960 : vector<16xf32>
      %min3A_962 = arith.minimumf %min3A_955, %add3A_961 : vector<16xf32>
      %mul3A_963 = arith.mulf %broadcast_in_dim3A_833, %get3A_928 : vector<16xf32>
      %add3A_964 = arith.addf %broadcast_in_dim3A_869, %mul3A_963 : vector<16xf32>
      %mul3A_965 = arith.mulf %broadcast_in_dim3A_845, %get3A_933 : vector<16xf32>
      %add3A_966 = arith.addf %add3A_964, %mul3A_965 : vector<16xf32>
      %mul3A_967 = arith.mulf %broadcast_in_dim3A_857, %get3A_938 : vector<16xf32>
      %add3A_968 = arith.addf %add3A_966, %mul3A_967 : vector<16xf32>
      %min3A_969 = arith.minimumf %min3A_962, %add3A_968 : vector<16xf32>
      %swap3A_970 = arith.index_cast %add3A_923 : i32 to index
      %swap3A_971 = tpu.vector_load %arg8[%swap3A_970] {strides = array<i32>} : memref<1024xf32, #tpu.memory_space<vmem>>, vector<16xf32>,
      %swap3A_972 = vector.shape_cast %swap3A_971 : vector<16xf32> to vector<16xf32>
      %swap3A_973 = vector.shape_cast %min3A_969 : vector<16xf32> to vector<16xf32>
      tpu.vector_store %arg8[%swap3A_970], %swap3A_973 {strides = array<i32>} : memref<1024xf32, #tpu.memory_space<vmem>>, vector<16xf32>,
      %add3A_974 = arith.constant 32 : i32
      %add3A_975 = arith.addi %mul3A_0, %add3A_974 : i32
      %get3A_976 = arith.constant 0 : i32
      %get3A_977 = arith.index_cast %get3A_976 : i32 to index
      %get3A_978 = arith.index_cast %add3A_975 : i32 to index
      %get3A_979 = tpu.vector_load %arg6[%get3A_977, %get3A_978] {strides = array<i32>} : memref<3x1024xf32, #tpu.memory_space<vmem>>, vector<1x16xf32>,
      %get3A_980 = vector.shape_cast %get3A_979 : vector<1x16xf32> to vector<16xf32>
      %get3A_981 = arith.constant 1 : i32
      %get3A_982 = arith.index_cast %get3A_981 : i32 to index
      %get3A_983 = arith.index_cast %add3A_975 : i32 to index
      %get3A_984 = tpu.vector_load %arg6[%get3A_982, %get3A_983] {strides = array<i32>} : memref<3x1024xf32, #tpu.memory_space<vmem>>, vector<1x16xf32>,
      %get3A_985 = vector.shape_cast %get3A_984 : vector<1x16xf32> to vector<16xf32>
      %get3A_986 = arith.constant 2 : i32
      %get3A_987 = arith.index_cast %get3A_986 : i32 to index
      %get3A_988 = arith.index_cast %add3A_975 : i32 to index
      %get3A_989 = tpu.vector_load %arg6[%get3A_987, %get3A_988] {strides = array<i32>} : memref<3x1024xf32, #tpu.memory_space<vmem>>, vector<1x16xf32>,
      %get3A_990 = vector.shape_cast %get3A_989 : vector<1x16xf32> to vector<16xf32>
      %get3A_991 = arith.index_cast %add3A_975 : i32 to index
      %get3A_992 = tpu.vector_load %arg8[%get3A_991] {strides = array<i32>} : memref<1024xf32, #tpu.memory_space<vmem>>, vector<16xf32>,
      %get3A_993 = vector.shape_cast %get3A_992 : vector<16xf32> to vector<16xf32>
      %mul3A_994 = arith.mulf %broadcast_in_dim3A_824, %get3A_980 : vector<16xf32>
      %add3A_995 = arith.addf %broadcast_in_dim3A_860, %mul3A_994 : vector<16xf32>
      %mul3A_996 = arith.mulf %broadcast_in_dim3A_836, %get3A_985 : vector<16xf32>
      %add3A_997 = arith.addf %add3A_995, %mul3A_996 : vector<16xf32>
      %mul3A_998 = arith.mulf %broadcast_in_dim3A_848, %get3A_990 : vector<16xf32>
      %add3A_999 = arith.addf %add3A_997, %mul3A_998 : vector<16xf32>
      %min3A_1000 = arith.minimumf %get3A_993, %add3A_999 : vector<16xf32>
      %mul3A_1001 = arith.mulf %broadcast_in_dim3A_827, %get3A_980 : vector<16xf32>
      %add3A_1002 = arith.addf %broadcast_in_dim3A_863, %mul3A_1001 : vector<16xf32>
      %mul3A_1003 = arith.mulf %broadcast_in_dim3A_839, %get3A_985 : vector<16xf32>
      %add3A_1004 = arith.addf %add3A_1002, %mul3A_1003 : vector<16xf32>
      %mul3A_1005 = arith.mulf %broadcast_in_dim3A_851, %get3A_990 : vector<16xf32>
      %add3A_1006 = arith.addf %add3A_1004, %mul3A_1005 : vector<16xf32>
      %min3A_1007 = arith.minimumf %min3A_1000, %add3A_1006 : vector<16xf32>
      %mul3A_1008 = arith.mulf %broadcast_in_dim3A_830, %get3A_980 : vector<16xf32>
      %add3A_1009 = arith.addf %broadcast_in_dim3A_866, %mul3A_1008 : vector<16xf32>
      %mul3A_1010 = arith.mulf %broadcast_in_dim3A_842, %get3A_985 : vector<16xf32>
      %add3A_1011 = arith.addf %add3A_1009, %mul3A_1010 : vector<16xf32>
      %mul3A_1012 = arith.mulf %broadcast_in_dim3A_854, %get3A_990 : vector<16xf32>
      %add3A_1013 = arith.addf %add3A_1011, %mul3A_1012 : vector<16xf32>
      %min3A_1014 = arith.minimumf %min3A_1007, %add3A_1013 : vector<16xf32>
      %mul3A_1015 = arith.mulf %broadcast_in_dim3A_833, %get3A_980 : vector<16xf32>
      %add3A_1016 = arith.addf %broadcast_in_dim3A_869, %mul3A_1015 : vector<16xf32>
      %mul3A_1017 = arith.mulf %broadcast_in_dim3A_845, %get3A_985 : vector<16xf32>
      %add3A_1018 = arith.addf %add3A_1016, %mul3A_1017 : vector<16xf32>
      %mul3A_1019 = arith.mulf %broadcast_in_dim3A_857, %get3A_990 : vector<16xf32>
      %add3A_1020 = arith.addf %add3A_1018, %mul3A_1019 : vector<16xf32>
      %min3A_1021 = arith.minimumf %min3A_1014, %add3A_1020 : vector<16xf32>
      %swap3A_1022 = arith.index_cast %add3A_975 : i32 to index
      %swap3A_1023 = tpu.vector_load %arg8[%swap3A_1022] {strides = array<i32>} : memref<1024xf32, #tpu.memory_space<vmem>>, vector<16xf32>,
      %swap3A_1024 = vector.shape_cast %swap3A_1023 : vector<16xf32> to vector<16xf32>
      %swap3A_1025 = vector.shape_cast %min3A_1021 : vector<16xf32> to vector<16xf32>
      tpu.vector_store %arg8[%swap3A_1022], %swap3A_1025 {strides = array<i32>} : memref<1024xf32, #tpu.memory_space<vmem>>, vector<16xf32>,
      %add3A_1026 = arith.constant 48 : i32
      %add3A_1027 = arith.addi %mul3A_0, %add3A_1026 : i32
      %get3A_1028 = arith.constant 0 : i32
      %get3A_1029 = arith.index_cast %get3A_1028 : i32 to index
      %get3A_1030 = arith.index_cast %add3A_1027 : i32 to index
      %get3A_1031 = tpu.vector_load %arg6[%get3A_1029, %get3A_1030] {strides = array<i32>} : memref<3x1024xf32, #tpu.memory_space<vmem>>, vector<1x16xf32>,
      %get3A_1032 = vector.shape_cast %get3A_1031 : vector<1x16xf32> to vector<16xf32>
      %get3A_1033 = arith.constant 1 : i32
      %get3A_1034 = arith.index_cast %get3A_1033 : i32 to index
      %get3A_1035 = arith.index_cast %add3A_1027 : i32 to index
      %get3A_1036 = tpu.vector_load %arg6[%get3A_1034, %get3A_1035] {strides = array<i32>} : memref<3x1024xf32, #tpu.memory_space<vmem>>, vector<1x16xf32>,
      %get3A_1037 = vector.shape_cast %get3A_1036 : vector<1x16xf32> to vector<16xf32>
      %get3A_1038 = arith.constant 2 : i32
      %get3A_1039 = arith.index_cast %get3A_1038 : i32 to index
      %get3A_1040 = arith.index_cast %add3A_1027 : i32 to index
      %get3A_1041 = tpu.vector_load %arg6[%get3A_1039, %get3A_1040] {strides = array<i32>} : memref<3x1024xf32, #tpu.memory_space<vmem>>, vector<1x16xf32>,
      %get3A_1042 = vector.shape_cast %get3A_1041 : vector<1x16xf32> to vector<16xf32>
      %get3A_1043 = arith.index_cast %add3A_1027 : i32 to index
      %get3A_1044 = tpu.vector_load %arg8[%get3A_1043] {strides = array<i32>} : memref<1024xf32, #tpu.memory_space<vmem>>, vector<16xf32>,
      %get3A_1045 = vector.shape_cast %get3A_1044 : vector<16xf32> to vector<16xf32>
      %mul3A_1046 = arith.mulf %broadcast_in_dim3A_824, %get3A_1032 : vector<16xf32>
      %add3A_1047 = arith.addf %broadcast_in_dim3A_860, %mul3A_1046 : vector<16xf32>
      %mul3A_1048 = arith.mulf %broadcast_in_dim3A_836, %get3A_1037 : vector<16xf32>
      %add3A_1049 = arith.addf %add3A_1047, %mul3A_1048 : vector<16xf32>
      %mul3A_1050 = arith.mulf %broadcast_in_dim3A_848, %get3A_1042 : vector<16xf32>
      %add3A_1051 = arith.addf %add3A_1049, %mul3A_1050 : vector<16xf32>
      %min3A_1052 = arith.minimumf %get3A_1045, %add3A_1051 : vector<16xf32>
      %mul3A_1053 = arith.mulf %broadcast_in_dim3A_827, %get3A_1032 : vector<16xf32>
      %add3A_1054 = arith.addf %broadcast_in_dim3A_863, %mul3A_1053 : vector<16xf32>
      %mul3A_1055 = arith.mulf %broadcast_in_dim3A_839, %get3A_1037 : vector<16xf32>
      %add3A_1056 = arith.addf %add3A_1054, %mul3A_1055 : vector<16xf32>
      %mul3A_1057 = arith.mulf %broadcast_in_dim3A_851, %get3A_1042 : vector<16xf32>
      %add3A_1058 = arith.addf %add3A_1056, %mul3A_1057 : vector<16xf32>
      %min3A_1059 = arith.minimumf %min3A_1052, %add3A_1058 : vector<16xf32>
      %mul3A_1060 = arith.mulf %broadcast_in_dim3A_830, %get3A_1032 : vector<16xf32>
      %add3A_1061 = arith.addf %broadcast_in_dim3A_866, %mul3A_1060 : vector<16xf32>
      %mul3A_1062 = arith.mulf %broadcast_in_dim3A_842, %get3A_1037 : vector<16xf32>
      %add3A_1063 = arith.addf %add3A_1061, %mul3A_1062 : vector<16xf32>
      %mul3A_1064 = arith.mulf %broadcast_in_dim3A_854, %get3A_1042 : vector<16xf32>
      %add3A_1065 = arith.addf %add3A_1063, %mul3A_1064 : vector<16xf32>
      %min3A_1066 = arith.minimumf %min3A_1059, %add3A_1065 : vector<16xf32>
      %mul3A_1067 = arith.mulf %broadcast_in_dim3A_833, %get3A_1032 : vector<16xf32>
      %add3A_1068 = arith.addf %broadcast_in_dim3A_869, %mul3A_1067 : vector<16xf32>
      %mul3A_1069 = arith.mulf %broadcast_in_dim3A_845, %get3A_1037 : vector<16xf32>
      %add3A_1070 = arith.addf %add3A_1068, %mul3A_1069 : vector<16xf32>
      %mul3A_1071 = arith.mulf %broadcast_in_dim3A_857, %get3A_1042 : vector<16xf32>
      %add3A_1072 = arith.addf %add3A_1070, %mul3A_1071 : vector<16xf32>
      %min3A_1073 = arith.minimumf %min3A_1066, %add3A_1072 : vector<16xf32>
      %swap3A_1074 = arith.index_cast %add3A_1027 : i32 to index
      %swap3A_1075 = tpu.vector_load %arg8[%swap3A_1074] {strides = array<i32>} : memref<1024xf32, #tpu.memory_space<vmem>>, vector<16xf32>,
      %swap3A_1076 = vector.shape_cast %swap3A_1075 : vector<16xf32> to vector<16xf32>
      %swap3A_1077 = vector.shape_cast %min3A_1073 : vector<16xf32> to vector<16xf32>
      tpu.vector_store %arg8[%swap3A_1074], %swap3A_1077 {strides = array<i32>} : memref<1024xf32, #tpu.memory_space<vmem>>, vector<16xf32>,
      %slice3A_1078 = vector.extract_strided_slice %mul3A_301 {offsets = [12], sizes = [1], strides = [1]} : vector<16xf32> to vector<1xf32>
      %squeeze3A_1079 = vector.extract %slice3A_1078[0] : f32 from vector<1xf32>
      %broadcast_in_dim3A_1080 = vector.broadcast %squeeze3A_1079 : f32 to vector<16xf32>
      %slice3A_1081 = vector.extract_strided_slice %mul3A_301 {offsets = [13], sizes = [1], strides = [1]} : vector<16xf32> to vector<1xf32>
      %squeeze3A_1082 = vector.extract %slice3A_1081[0] : f32 from vector<1xf32>
      %broadcast_in_dim3A_1083 = vector.broadcast %squeeze3A_1082 : f32 to vector<16xf32>
      %slice3A_1084 = vector.extract_strided_slice %mul3A_301 {offsets = [14], sizes = [1], strides = [1]} : vector<16xf32> to vector<1xf32>
      %squeeze3A_1085 = vector.extract %slice3A_1084[0] : f32 from vector<1xf32>
      %broadcast_in_dim3A_1086 = vector.broadcast %squeeze3A_1085 : f32 to vector<16xf32>
      %slice3A_1087 = vector.extract_strided_slice %mul3A_301 {offsets = [15], sizes = [1], strides = [1]} : vector<16xf32> to vector<1xf32>
      %squeeze3A_1088 = vector.extract %slice3A_1087[0] : f32 from vector<1xf32>
      %broadcast_in_dim3A_1089 = vector.broadcast %squeeze3A_1088 : f32 to vector<16xf32>
      %slice3A_1090 = vector.extract_strided_slice %mul3A_304 {offsets = [12], sizes = [1], strides = [1]} : vector<16xf32> to vector<1xf32>
      %squeeze3A_1091 = vector.extract %slice3A_1090[0] : f32 from vector<1xf32>
      %broadcast_in_dim3A_1092 = vector.broadcast %squeeze3A_1091 : f32 to vector<16xf32>
      %slice3A_1093 = vector.extract_strided_slice %mul3A_304 {offsets = [13], sizes = [1], strides = [1]} : vector<16xf32> to vector<1xf32>
      %squeeze3A_1094 = vector.extract %slice3A_1093[0] : f32 from vector<1xf32>
      %broadcast_in_dim3A_1095 = vector.broadcast %squeeze3A_1094 : f32 to vector<16xf32>
      %slice3A_1096 = vector.extract_strided_slice %mul3A_304 {offsets = [14], sizes = [1], strides = [1]} : vector<16xf32> to vector<1xf32>
      %squeeze3A_1097 = vector.extract %slice3A_1096[0] : f32 from vector<1xf32>
      %broadcast_in_dim3A_1098 = vector.broadcast %squeeze3A_1097 : f32 to vector<16xf32>
      %slice3A_1099 = vector.extract_strided_slice %mul3A_304 {offsets = [15], sizes = [1], strides = [1]} : vector<16xf32> to vector<1xf32>
      %squeeze3A_1100 = vector.extract %slice3A_1099[0] : f32 from vector<1xf32>
      %broadcast_in_dim3A_1101 = vector.broadcast %squeeze3A_1100 : f32 to vector<16xf32>
      %slice3A_1102 = vector.extract_strided_slice %mul3A_307 {offsets = [12], sizes = [1], strides = [1]} : vector<16xf32> to vector<1xf32>
      %squeeze3A_1103 = vector.extract %slice3A_1102[0] : f32 from vector<1xf32>
      %broadcast_in_dim3A_1104 = vector.broadcast %squeeze3A_1103 : f32 to vector<16xf32>
      %slice3A_1105 = vector.extract_strided_slice %mul3A_307 {offsets = [13], sizes = [1], strides = [1]} : vector<16xf32> to vector<1xf32>
      %squeeze3A_1106 = vector.extract %slice3A_1105[0] : f32 from vector<1xf32>
      %broadcast_in_dim3A_1107 = vector.broadcast %squeeze3A_1106 : f32 to vector<16xf32>
      %slice3A_1108 = vector.extract_strided_slice %mul3A_307 {offsets = [14], sizes = [1], strides = [1]} : vector<16xf32> to vector<1xf32>
      %squeeze3A_1109 = vector.extract %slice3A_1108[0] : f32 from vector<1xf32>
      %broadcast_in_dim3A_1110 = vector.broadcast %squeeze3A_1109 : f32 to vector<16xf32>
      %slice3A_1111 = vector.extract_strided_slice %mul3A_307 {offsets = [15], sizes = [1], strides = [1]} : vector<16xf32> to vector<1xf32>
      %squeeze3A_1112 = vector.extract %slice3A_1111[0] : f32 from vector<1xf32>
      %broadcast_in_dim3A_1113 = vector.broadcast %squeeze3A_1112 : f32 to vector<16xf32>
      %slice3A_1114 = vector.extract_strided_slice %add3A_312 {offsets = [12], sizes = [1], strides = [1]} : vector<16xf32> to vector<1xf32>
      %squeeze3A_1115 = vector.extract %slice3A_1114[0] : f32 from vector<1xf32>
      %broadcast_in_dim3A_1116 = vector.broadcast %squeeze3A_1115 : f32 to vector<16xf32>
      %slice3A_1117 = vector.extract_strided_slice %add3A_312 {offsets = [13], sizes = [1], strides = [1]} : vector<16xf32> to vector<1xf32>
      %squeeze3A_1118 = vector.extract %slice3A_1117[0] : f32 from vector<1xf32>
      %broadcast_in_dim3A_1119 = vector.broadcast %squeeze3A_1118 : f32 to vector<16xf32>
      %slice3A_1120 = vector.extract_strided_slice %add3A_312 {offsets = [14], sizes = [1], strides = [1]} : vector<16xf32> to vector<1xf32>
      %squeeze3A_1121 = vector.extract %slice3A_1120[0] : f32 from vector<1xf32>
      %broadcast_in_dim3A_1122 = vector.broadcast %squeeze3A_1121 : f32 to vector<16xf32>
      %slice3A_1123 = vector.extract_strided_slice %add3A_312 {offsets = [15], sizes = [1], strides = [1]} : vector<16xf32> to vector<1xf32>
      %squeeze3A_1124 = vector.extract %slice3A_1123[0] : f32 from vector<1xf32>
      %broadcast_in_dim3A_1125 = vector.broadcast %squeeze3A_1124 : f32 to vector<16xf32>
      %add3A_1126 = arith.constant 0 : i32
      %add3A_1127 = arith.addi %mul3A_0, %add3A_1126 : i32
      %get3A_1128 = arith.constant 0 : i32
      %get3A_1129 = arith.index_cast %get3A_1128 : i32 to index
      %get3A_1130 = arith.index_cast %add3A_1127 : i32 to index
      %get3A_1131 = tpu.vector_load %arg6[%get3A_1129, %get3A_1130] {strides = array<i32>} : memref<3x1024xf32, #tpu.memory_space<vmem>>, vector<1x16xf32>,
      %get3A_1132 = vector.shape_cast %get3A_1131 : vector<1x16xf32> to vector<16xf32>
      %get3A_1133 = arith.constant 1 : i32
      %get3A_1134 = arith.index_cast %get3A_1133 : i32 to index
      %get3A_1135 = arith.index_cast %add3A_1127 : i32 to index
      %get3A_1136 = tpu.vector_load %arg6[%get3A_1134, %get3A_1135] {strides = array<i32>} : memref<3x1024xf32, #tpu.memory_space<vmem>>, vector<1x16xf32>,
      %get3A_1137 = vector.shape_cast %get3A_1136 : vector<1x16xf32> to vector<16xf32>
      %get3A_1138 = arith.constant 2 : i32
      %get3A_1139 = arith.index_cast %get3A_1138 : i32 to index
      %get3A_1140 = arith.index_cast %add3A_1127 : i32 to index
      %get3A_1141 = tpu.vector_load %arg6[%get3A_1139, %get3A_1140] {strides = array<i32>} : memref<3x1024xf32, #tpu.memory_space<vmem>>, vector<1x16xf32>,
      %get3A_1142 = vector.shape_cast %get3A_1141 : vector<1x16xf32> to vector<16xf32>
      %get3A_1143 = arith.index_cast %add3A_1127 : i32 to index
      %get3A_1144 = tpu.vector_load %arg8[%get3A_1143] {strides = array<i32>} : memref<1024xf32, #tpu.memory_space<vmem>>, vector<16xf32>,
      %get3A_1145 = vector.shape_cast %get3A_1144 : vector<16xf32> to vector<16xf32>
      %mul3A_1146 = arith.mulf %broadcast_in_dim3A_1080, %get3A_1132 : vector<16xf32>
      %add3A_1147 = arith.addf %broadcast_in_dim3A_1116, %mul3A_1146 : vector<16xf32>
      %mul3A_1148 = arith.mulf %broadcast_in_dim3A_1092, %get3A_1137 : vector<16xf32>
      %add3A_1149 = arith.addf %add3A_1147, %mul3A_1148 : vector<16xf32>
      %mul3A_1150 = arith.mulf %broadcast_in_dim3A_1104, %get3A_1142 : vector<16xf32>
      %add3A_1151 = arith.addf %add3A_1149, %mul3A_1150 : vector<16xf32>
      %min3A_1152 = arith.minimumf %get3A_1145, %add3A_1151 : vector<16xf32>
      %mul3A_1153 = arith.mulf %broadcast_in_dim3A_1083, %get3A_1132 : vector<16xf32>
      %add3A_1154 = arith.addf %broadcast_in_dim3A_1119, %mul3A_1153 : vector<16xf32>
      %mul3A_1155 = arith.mulf %broadcast_in_dim3A_1095, %get3A_1137 : vector<16xf32>
      %add3A_1156 = arith.addf %add3A_1154, %mul3A_1155 : vector<16xf32>
      %mul3A_1157 = arith.mulf %broadcast_in_dim3A_1107, %get3A_1142 : vector<16xf32>
      %add3A_1158 = arith.addf %add3A_1156, %mul3A_1157 : vector<16xf32>
      %min3A_1159 = arith.minimumf %min3A_1152, %add3A_1158 : vector<16xf32>
      %mul3A_1160 = arith.mulf %broadcast_in_dim3A_1086, %get3A_1132 : vector<16xf32>
      %add3A_1161 = arith.addf %broadcast_in_dim3A_1122, %mul3A_1160 : vector<16xf32>
      %mul3A_1162 = arith.mulf %broadcast_in_dim3A_1098, %get3A_1137 : vector<16xf32>
      %add3A_1163 = arith.addf %add3A_1161, %mul3A_1162 : vector<16xf32>
      %mul3A_1164 = arith.mulf %broadcast_in_dim3A_1110, %get3A_1142 : vector<16xf32>
      %add3A_1165 = arith.addf %add3A_1163, %mul3A_1164 : vector<16xf32>
      %min3A_1166 = arith.minimumf %min3A_1159, %add3A_1165 : vector<16xf32>
      %mul3A_1167 = arith.mulf %broadcast_in_dim3A_1089, %get3A_1132 : vector<16xf32>
      %add3A_1168 = arith.addf %broadcast_in_dim3A_1125, %mul3A_1167 : vector<16xf32>
      %mul3A_1169 = arith.mulf %broadcast_in_dim3A_1101, %get3A_1137 : vector<16xf32>
      %add3A_1170 = arith.addf %add3A_1168, %mul3A_1169 : vector<16xf32>
      %mul3A_1171 = arith.mulf %broadcast_in_dim3A_1113, %get3A_1142 : vector<16xf32>
      %add3A_1172 = arith.addf %add3A_1170, %mul3A_1171 : vector<16xf32>
      %min3A_1173 = arith.minimumf %min3A_1166, %add3A_1172 : vector<16xf32>
      %swap3A_1174 = arith.index_cast %add3A_1127 : i32 to index
      %swap3A_1175 = tpu.vector_load %arg8[%swap3A_1174] {strides = array<i32>} : memref<1024xf32, #tpu.memory_space<vmem>>, vector<16xf32>,
      %swap3A_1176 = vector.shape_cast %swap3A_1175 : vector<16xf32> to vector<16xf32>
      %swap3A_1177 = vector.shape_cast %min3A_1173 : vector<16xf32> to vector<16xf32>
      tpu.vector_store %arg8[%swap3A_1174], %swap3A_1177 {strides = array<i32>} : memref<1024xf32, #tpu.memory_space<vmem>>, vector<16xf32>,
      %add3A_1178 = arith.constant 16 : i32
      %add3A_1179 = arith.addi %mul3A_0, %add3A_1178 : i32
      %get3A_1180 = arith.constant 0 : i32
      %get3A_1181 = arith.index_cast %get3A_1180 : i32 to index
      %get3A_1182 = arith.index_cast %add3A_1179 : i32 to index
      %get3A_1183 = tpu.vector_load %arg6[%get3A_1181, %get3A_1182] {strides = array<i32>} : memref<3x1024xf32, #tpu.memory_space<vmem>>, vector<1x16xf32>,
      %get3A_1184 = vector.shape_cast %get3A_1183 : vector<1x16xf32> to vector<16xf32>
      %get3A_1185 = arith.constant 1 : i32
      %get3A_1186 = arith.index_cast %get3A_1185 : i32 to index
      %get3A_1187 = arith.index_cast %add3A_1179 : i32 to index
      %get3A_1188 = tpu.vector_load %arg6[%get3A_1186, %get3A_1187] {strides = array<i32>} : memref<3x1024xf32, #tpu.memory_space<vmem>>, vector<1x16xf32>,
      %get3A_1189 = vector.shape_cast %get3A_1188 : vector<1x16xf32> to vector<16xf32>
      %get3A_1190 = arith.constant 2 : i32
      %get3A_1191 = arith.index_cast %get3A_1190 : i32 to index
      %get3A_1192 = arith.index_cast %add3A_1179 : i32 to index
      %get3A_1193 = tpu.vector_load %arg6[%get3A_1191, %get3A_1192] {strides = array<i32>} : memref<3x1024xf32, #tpu.memory_space<vmem>>, vector<1x16xf32>,
      %get3A_1194 = vector.shape_cast %get3A_1193 : vector<1x16xf32> to vector<16xf32>
      %get3A_1195 = arith.index_cast %add3A_1179 : i32 to index
      %get3A_1196 = tpu.vector_load %arg8[%get3A_1195] {strides = array<i32>} : memref<1024xf32, #tpu.memory_space<vmem>>, vector<16xf32>,
      %get3A_1197 = vector.shape_cast %get3A_1196 : vector<16xf32> to vector<16xf32>
      %mul3A_1198 = arith.mulf %broadcast_in_dim3A_1080, %get3A_1184 : vector<16xf32>
      %add3A_1199 = arith.addf %broadcast_in_dim3A_1116, %mul3A_1198 : vector<16xf32>
      %mul3A_1200 = arith.mulf %broadcast_in_dim3A_1092, %get3A_1189 : vector<16xf32>
      %add3A_1201 = arith.addf %add3A_1199, %mul3A_1200 : vector<16xf32>
      %mul3A_1202 = arith.mulf %broadcast_in_dim3A_1104, %get3A_1194 : vector<16xf32>
      %add3A_1203 = arith.addf %add3A_1201, %mul3A_1202 : vector<16xf32>
      %min3A_1204 = arith.minimumf %get3A_1197, %add3A_1203 : vector<16xf32>
      %mul3A_1205 = arith.mulf %broadcast_in_dim3A_1083, %get3A_1184 : vector<16xf32>
      %add3A_1206 = arith.addf %broadcast_in_dim3A_1119, %mul3A_1205 : vector<16xf32>
      %mul3A_1207 = arith.mulf %broadcast_in_dim3A_1095, %get3A_1189 : vector<16xf32>
      %add3A_1208 = arith.addf %add3A_1206, %mul3A_1207 : vector<16xf32>
      %mul3A_1209 = arith.mulf %broadcast_in_dim3A_1107, %get3A_1194 : vector<16xf32>
      %add3A_1210 = arith.addf %add3A_1208, %mul3A_1209 : vector<16xf32>
      %min3A_1211 = arith.minimumf %min3A_1204, %add3A_1210 : vector<16xf32>
      %mul3A_1212 = arith.mulf %broadcast_in_dim3A_1086, %get3A_1184 : vector<16xf32>
      %add3A_1213 = arith.addf %broadcast_in_dim3A_1122, %mul3A_1212 : vector<16xf32>
      %mul3A_1214 = arith.mulf %broadcast_in_dim3A_1098, %get3A_1189 : vector<16xf32>
      %add3A_1215 = arith.addf %add3A_1213, %mul3A_1214 : vector<16xf32>
      %mul3A_1216 = arith.mulf %broadcast_in_dim3A_1110, %get3A_1194 : vector<16xf32>
      %add3A_1217 = arith.addf %add3A_1215, %mul3A_1216 : vector<16xf32>
      %min3A_1218 = arith.minimumf %min3A_1211, %add3A_1217 : vector<16xf32>
      %mul3A_1219 = arith.mulf %broadcast_in_dim3A_1089, %get3A_1184 : vector<16xf32>
      %add3A_1220 = arith.addf %broadcast_in_dim3A_1125, %mul3A_1219 : vector<16xf32>
      %mul3A_1221 = arith.mulf %broadcast_in_dim3A_1101, %get3A_1189 : vector<16xf32>
      %add3A_1222 = arith.addf %add3A_1220, %mul3A_1221 : vector<16xf32>
      %mul3A_1223 = arith.mulf %broadcast_in_dim3A_1113, %get3A_1194 : vector<16xf32>
      %add3A_1224 = arith.addf %add3A_1222, %mul3A_1223 : vector<16xf32>
      %min3A_1225 = arith.minimumf %min3A_1218, %add3A_1224 : vector<16xf32>
      %swap3A_1226 = arith.index_cast %add3A_1179 : i32 to index
      %swap3A_1227 = tpu.vector_load %arg8[%swap3A_1226] {strides = array<i32>} : memref<1024xf32, #tpu.memory_space<vmem>>, vector<16xf32>,
      %swap3A_1228 = vector.shape_cast %swap3A_1227 : vector<16xf32> to vector<16xf32>
      %swap3A_1229 = vector.shape_cast %min3A_1225 : vector<16xf32> to vector<16xf32>
      tpu.vector_store %arg8[%swap3A_1226], %swap3A_1229 {strides = array<i32>} : memref<1024xf32, #tpu.memory_space<vmem>>, vector<16xf32>,
      %add3A_1230 = arith.constant 32 : i32
      %add3A_1231 = arith.addi %mul3A_0, %add3A_1230 : i32
      %get3A_1232 = arith.constant 0 : i32
      %get3A_1233 = arith.index_cast %get3A_1232 : i32 to index
      %get3A_1234 = arith.index_cast %add3A_1231 : i32 to index
      %get3A_1235 = tpu.vector_load %arg6[%get3A_1233, %get3A_1234] {strides = array<i32>} : memref<3x1024xf32, #tpu.memory_space<vmem>>, vector<1x16xf32>,
      %get3A_1236 = vector.shape_cast %get3A_1235 : vector<1x16xf32> to vector<16xf32>
      %get3A_1237 = arith.constant 1 : i32
      %get3A_1238 = arith.index_cast %get3A_1237 : i32 to index
      %get3A_1239 = arith.index_cast %add3A_1231 : i32 to index
      %get3A_1240 = tpu.vector_load %arg6[%get3A_1238, %get3A_1239] {strides = array<i32>} : memref<3x1024xf32, #tpu.memory_space<vmem>>, vector<1x16xf32>,
      %get3A_1241 = vector.shape_cast %get3A_1240 : vector<1x16xf32> to vector<16xf32>
      %get3A_1242 = arith.constant 2 : i32
      %get3A_1243 = arith.index_cast %get3A_1242 : i32 to index
      %get3A_1244 = arith.index_cast %add3A_1231 : i32 to index
      %get3A_1245 = tpu.vector_load %arg6[%get3A_1243, %get3A_1244] {strides = array<i32>} : memref<3x1024xf32, #tpu.memory_space<vmem>>, vector<1x16xf32>,
      %get3A_1246 = vector.shape_cast %get3A_1245 : vector<1x16xf32> to vector<16xf32>
      %get3A_1247 = arith.index_cast %add3A_1231 : i32 to index
      %get3A_1248 = tpu.vector_load %arg8[%get3A_1247] {strides = array<i32>} : memref<1024xf32, #tpu.memory_space<vmem>>, vector<16xf32>,
      %get3A_1249 = vector.shape_cast %get3A_1248 : vector<16xf32> to vector<16xf32>
      %mul3A_1250 = arith.mulf %broadcast_in_dim3A_1080, %get3A_1236 : vector<16xf32>
      %add3A_1251 = arith.addf %broadcast_in_dim3A_1116, %mul3A_1250 : vector<16xf32>
      %mul3A_1252 = arith.mulf %broadcast_in_dim3A_1092, %get3A_1241 : vector<16xf32>
      %add3A_1253 = arith.addf %add3A_1251, %mul3A_1252 : vector<16xf32>
      %mul3A_1254 = arith.mulf %broadcast_in_dim3A_1104, %get3A_1246 : vector<16xf32>
      %add3A_1255 = arith.addf %add3A_1253, %mul3A_1254 : vector<16xf32>
      %min3A_1256 = arith.minimumf %get3A_1249, %add3A_1255 : vector<16xf32>
      %mul3A_1257 = arith.mulf %broadcast_in_dim3A_1083, %get3A_1236 : vector<16xf32>
      %add3A_1258 = arith.addf %broadcast_in_dim3A_1119, %mul3A_1257 : vector<16xf32>
      %mul3A_1259 = arith.mulf %broadcast_in_dim3A_1095, %get3A_1241 : vector<16xf32>
      %add3A_1260 = arith.addf %add3A_1258, %mul3A_1259 : vector<16xf32>
      %mul3A_1261 = arith.mulf %broadcast_in_dim3A_1107, %get3A_1246 : vector<16xf32>
      %add3A_1262 = arith.addf %add3A_1260, %mul3A_1261 : vector<16xf32>
      %min3A_1263 = arith.minimumf %min3A_1256, %add3A_1262 : vector<16xf32>
      %mul3A_1264 = arith.mulf %broadcast_in_dim3A_1086, %get3A_1236 : vector<16xf32>
      %add3A_1265 = arith.addf %broadcast_in_dim3A_1122, %mul3A_1264 : vector<16xf32>
      %mul3A_1266 = arith.mulf %broadcast_in_dim3A_1098, %get3A_1241 : vector<16xf32>
      %add3A_1267 = arith.addf %add3A_1265, %mul3A_1266 : vector<16xf32>
      %mul3A_1268 = arith.mulf %broadcast_in_dim3A_1110, %get3A_1246 : vector<16xf32>
      %add3A_1269 = arith.addf %add3A_1267, %mul3A_1268 : vector<16xf32>
      %min3A_1270 = arith.minimumf %min3A_1263, %add3A_1269 : vector<16xf32>
      %mul3A_1271 = arith.mulf %broadcast_in_dim3A_1089, %get3A_1236 : vector<16xf32>
      %add3A_1272 = arith.addf %broadcast_in_dim3A_1125, %mul3A_1271 : vector<16xf32>
      %mul3A_1273 = arith.mulf %broadcast_in_dim3A_1101, %get3A_1241 : vector<16xf32>
      %add3A_1274 = arith.addf %add3A_1272, %mul3A_1273 : vector<16xf32>
      %mul3A_1275 = arith.mulf %broadcast_in_dim3A_1113, %get3A_1246 : vector<16xf32>
      %add3A_1276 = arith.addf %add3A_1274, %mul3A_1275 : vector<16xf32>
      %min3A_1277 = arith.minimumf %min3A_1270, %add3A_1276 : vector<16xf32>
      %swap3A_1278 = arith.index_cast %add3A_1231 : i32 to index
      %swap3A_1279 = tpu.vector_load %arg8[%swap3A_1278] {strides = array<i32>} : memref<1024xf32, #tpu.memory_space<vmem>>, vector<16xf32>,
      %swap3A_1280 = vector.shape_cast %swap3A_1279 : vector<16xf32> to vector<16xf32>
      %swap3A_1281 = vector.shape_cast %min3A_1277 : vector<16xf32> to vector<16xf32>
      tpu.vector_store %arg8[%swap3A_1278], %swap3A_1281 {strides = array<i32>} : memref<1024xf32, #tpu.memory_space<vmem>>, vector<16xf32>,
      %add3A_1282 = arith.constant 48 : i32
      %add3A_1283 = arith.addi %mul3A_0, %add3A_1282 : i32
      %get3A_1284 = arith.constant 0 : i32
      %get3A_1285 = arith.index_cast %get3A_1284 : i32 to index
      %get3A_1286 = arith.index_cast %add3A_1283 : i32 to index
      %get3A_1287 = tpu.vector_load %arg6[%get3A_1285, %get3A_1286] {strides = array<i32>} : memref<3x1024xf32, #tpu.memory_space<vmem>>, vector<1x16xf32>,
      %get3A_1288 = vector.shape_cast %get3A_1287 : vector<1x16xf32> to vector<16xf32>
      %get3A_1289 = arith.constant 1 : i32
      %get3A_1290 = arith.index_cast %get3A_1289 : i32 to index
      %get3A_1291 = arith.index_cast %add3A_1283 : i32 to index
      %get3A_1292 = tpu.vector_load %arg6[%get3A_1290, %get3A_1291] {strides = array<i32>} : memref<3x1024xf32, #tpu.memory_space<vmem>>, vector<1x16xf32>,
      %get3A_1293 = vector.shape_cast %get3A_1292 : vector<1x16xf32> to vector<16xf32>
      %get3A_1294 = arith.constant 2 : i32
      %get3A_1295 = arith.index_cast %get3A_1294 : i32 to index
      %get3A_1296 = arith.index_cast %add3A_1283 : i32 to index
      %get3A_1297 = tpu.vector_load %arg6[%get3A_1295, %get3A_1296] {strides = array<i32>} : memref<3x1024xf32, #tpu.memory_space<vmem>>, vector<1x16xf32>,
      %get3A_1298 = vector.shape_cast %get3A_1297 : vector<1x16xf32> to vector<16xf32>
      %get3A_1299 = arith.index_cast %add3A_1283 : i32 to index
      %get3A_1300 = tpu.vector_load %arg8[%get3A_1299] {strides = array<i32>} : memref<1024xf32, #tpu.memory_space<vmem>>, vector<16xf32>,
      %get3A_1301 = vector.shape_cast %get3A_1300 : vector<16xf32> to vector<16xf32>
      %mul3A_1302 = arith.mulf %broadcast_in_dim3A_1080, %get3A_1288 : vector<16xf32>
      %add3A_1303 = arith.addf %broadcast_in_dim3A_1116, %mul3A_1302 : vector<16xf32>
      %mul3A_1304 = arith.mulf %broadcast_in_dim3A_1092, %get3A_1293 : vector<16xf32>
      %add3A_1305 = arith.addf %add3A_1303, %mul3A_1304 : vector<16xf32>
      %mul3A_1306 = arith.mulf %broadcast_in_dim3A_1104, %get3A_1298 : vector<16xf32>
      %add3A_1307 = arith.addf %add3A_1305, %mul3A_1306 : vector<16xf32>
      %min3A_1308 = arith.minimumf %get3A_1301, %add3A_1307 : vector<16xf32>
      %mul3A_1309 = arith.mulf %broadcast_in_dim3A_1083, %get3A_1288 : vector<16xf32>
      %add3A_1310 = arith.addf %broadcast_in_dim3A_1119, %mul3A_1309 : vector<16xf32>
      %mul3A_1311 = arith.mulf %broadcast_in_dim3A_1095, %get3A_1293 : vector<16xf32>
      %add3A_1312 = arith.addf %add3A_1310, %mul3A_1311 : vector<16xf32>
      %mul3A_1313 = arith.mulf %broadcast_in_dim3A_1107, %get3A_1298 : vector<16xf32>
      %add3A_1314 = arith.addf %add3A_1312, %mul3A_1313 : vector<16xf32>
      %min3A_1315 = arith.minimumf %min3A_1308, %add3A_1314 : vector<16xf32>
      %mul3A_1316 = arith.mulf %broadcast_in_dim3A_1086, %get3A_1288 : vector<16xf32>
      %add3A_1317 = arith.addf %broadcast_in_dim3A_1122, %mul3A_1316 : vector<16xf32>
      %mul3A_1318 = arith.mulf %broadcast_in_dim3A_1098, %get3A_1293 : vector<16xf32>
      %add3A_1319 = arith.addf %add3A_1317, %mul3A_1318 : vector<16xf32>
      %mul3A_1320 = arith.mulf %broadcast_in_dim3A_1110, %get3A_1298 : vector<16xf32>
      %add3A_1321 = arith.addf %add3A_1319, %mul3A_1320 : vector<16xf32>
      %min3A_1322 = arith.minimumf %min3A_1315, %add3A_1321 : vector<16xf32>
      %mul3A_1323 = arith.mulf %broadcast_in_dim3A_1089, %get3A_1288 : vector<16xf32>
      %add3A_1324 = arith.addf %broadcast_in_dim3A_1125, %mul3A_1323 : vector<16xf32>
      %mul3A_1325 = arith.mulf %broadcast_in_dim3A_1101, %get3A_1293 : vector<16xf32>
      %add3A_1326 = arith.addf %add3A_1324, %mul3A_1325 : vector<16xf32>
      %mul3A_1327 = arith.mulf %broadcast_in_dim3A_1113, %get3A_1298 : vector<16xf32>
      %add3A_1328 = arith.addf %add3A_1326, %mul3A_1327 : vector<16xf32>
      %min3A_1329 = arith.minimumf %min3A_1322, %add3A_1328 : vector<16xf32>
      %swap3A_1330 = arith.index_cast %add3A_1283 : i32 to index
      %swap3A_1331 = tpu.vector_load %arg8[%swap3A_1330] {strides = array<i32>} : memref<1024xf32, #tpu.memory_space<vmem>>, vector<16xf32>,
      %swap3A_1332 = vector.shape_cast %swap3A_1331 : vector<16xf32> to vector<16xf32>
      %swap3A_1333 = vector.shape_cast %min3A_1329 : vector<16xf32> to vector<16xf32>
      tpu.vector_store %arg8[%swap3A_1330], %swap3A_1333 {strides = array<i32>} : memref<1024xf32, #tpu.memory_space<vmem>>, vector<16xf32>,
      %scan3A_1334 = arith.constant 0 : i32
      scf.yield %scan3A_1334 : i32
    }
    %scan3A_66 = arith.constant 64 : i32
    %broadcast_in_dim3A_67 = arith.constant 0.000000e+00 : f32
    %broadcast_in_dim3A_68 = vector.broadcast %broadcast_in_dim3A_67 : f32 to vector<16xf32>
    %add3A_69 = arith.constant 0 : i32
    %add3A_70 = arith.addi %mul3A_0, %add3A_69 : i32
    %get3A = arith.constant 0 : i32
    %get3A_71 = arith.index_cast %get3A : i32 to index
    %get3A_72 = arith.index_cast %add3A_70 : i32 to index
    %get3A_73 = tpu.vector_load %arg5[%get3A_71, %get3A_72] {strides = array<i32>} : memref<3x1024xf32, #tpu.memory_space<vmem>>, vector<1x16xf32>,
    %get3A_74 = vector.shape_cast %get3A_73 : vector<1x16xf32> to vector<16xf32>
    %get3A_75 = arith.constant 1 : i32
    %get3A_76 = arith.index_cast %get3A_75 : i32 to index
    %get3A_77 = arith.index_cast %add3A_70 : i32 to index
    %get3A_78 = tpu.vector_load %arg5[%get3A_76, %get3A_77] {strides = array<i32>} : memref<3x1024xf32, #tpu.memory_space<vmem>>, vector<1x16xf32>,
    %get3A_79 = vector.shape_cast %get3A_78 : vector<1x16xf32> to vector<16xf32>
    %get3A_80 = arith.constant 2 : i32
    %get3A_81 = arith.index_cast %get3A_80 : i32 to index
    %get3A_82 = arith.index_cast %add3A_70 : i32 to index
    %get3A_83 = tpu.vector_load %arg5[%get3A_81, %get3A_82] {strides = array<i32>} : memref<3x1024xf32, #tpu.memory_space<vmem>>, vector<1x16xf32>,
    %get3A_84 = vector.shape_cast %get3A_83 : vector<1x16xf32> to vector<16xf32>
    %get3A_85 = arith.constant 0 : i32
    %get3A_86 = arith.index_cast %get3A_85 : i32 to index
    %get3A_87 = arith.index_cast %add3A_70 : i32 to index
    %get3A_88 = tpu.vector_load %arg6[%get3A_86, %get3A_87] {strides = array<i32>} : memref<3x1024xf32, #tpu.memory_space<vmem>>, vector<1x16xf32>,
    %get3A_89 = vector.shape_cast %get3A_88 : vector<1x16xf32> to vector<16xf32>
    %get3A_90 = arith.constant 1 : i32
    %get3A_91 = arith.index_cast %get3A_90 : i32 to index
    %get3A_92 = arith.index_cast %add3A_70 : i32 to index
    %get3A_93 = tpu.vector_load %arg6[%get3A_91, %get3A_92] {strides = array<i32>} : memref<3x1024xf32, #tpu.memory_space<vmem>>, vector<1x16xf32>,
    %get3A_94 = vector.shape_cast %get3A_93 : vector<1x16xf32> to vector<16xf32>
    %get3A_95 = arith.constant 2 : i32
    %get3A_96 = arith.index_cast %get3A_95 : i32 to index
    %get3A_97 = arith.index_cast %add3A_70 : i32 to index
    %get3A_98 = tpu.vector_load %arg6[%get3A_96, %get3A_97] {strides = array<i32>} : memref<3x1024xf32, #tpu.memory_space<vmem>>, vector<1x16xf32>,
    %get3A_99 = vector.shape_cast %get3A_98 : vector<1x16xf32> to vector<16xf32>
    %get3A_100 = arith.index_cast %add3A_70 : i32 to index
    %get3A_101 = tpu.vector_load %arg7[%get3A_100] {strides = array<i32>} : memref<1024xf32, #tpu.memory_space<vmem>>, vector<16xf32>,
    %get3A_102 = vector.shape_cast %get3A_101 : vector<16xf32> to vector<16xf32>
    %mul3A_103 = arith.mulf %get3A_74, %get3A_74 : vector<16xf32>
    %mul3A_104 = arith.mulf %get3A_79, %get3A_79 : vector<16xf32>
    %add3A_105 = arith.addf %mul3A_103, %mul3A_104 : vector<16xf32>
    %mul3A_106 = arith.mulf %get3A_84, %get3A_84 : vector<16xf32>
    %add3A_107 = arith.addf %add3A_105, %mul3A_106 : vector<16xf32>
    %add3A_108 = arith.addf %get3A_102, %add3A_107 : vector<16xf32>
    %get3A_109 = arith.index_cast %add3A_70 : i32 to index
    %get3A_110 = tpu.vector_load %arg8[%get3A_109] {strides = array<i32>} : memref<1024xf32, #tpu.memory_space<vmem>>, vector<16xf32>,
    %get3A_111 = vector.shape_cast %get3A_110 : vector<16xf32> to vector<16xf32>
    %mul3A_112 = arith.mulf %get3A_89, %get3A_89 : vector<16xf32>
    %mul3A_113 = arith.mulf %get3A_94, %get3A_94 : vector<16xf32>
    %add3A_114 = arith.addf %mul3A_112, %mul3A_113 : vector<16xf32>
    %mul3A_115 = arith.mulf %get3A_99, %get3A_99 : vector<16xf32>
    %add3A_116 = arith.addf %add3A_114, %mul3A_115 : vector<16xf32>
    %add3A_117 = arith.addf %get3A_111, %add3A_116 : vector<16xf32>
    %add3A_118 = arith.addf %add3A_108, %add3A_117 : vector<16xf32>
    %add3A_119 = arith.addf %broadcast_in_dim3A_68, %add3A_118 : vector<16xf32>
    %add3A_120 = arith.constant 16 : i32
    %add3A_121 = arith.addi %mul3A_0, %add3A_120 : i32
    %get3A_122 = arith.constant 0 : i32
    %get3A_123 = arith.index_cast %get3A_122 : i32 to index
    %get3A_124 = arith.index_cast %add3A_121 : i32 to index
    %get3A_125 = tpu.vector_load %arg5[%get3A_123, %get3A_124] {strides = array<i32>} : memref<3x1024xf32, #tpu.memory_space<vmem>>, vector<1x16xf32>,
    %get3A_126 = vector.shape_cast %get3A_125 : vector<1x16xf32> to vector<16xf32>
    %get3A_127 = arith.constant 1 : i32
    %get3A_128 = arith.index_cast %get3A_127 : i32 to index
    %get3A_129 = arith.index_cast %add3A_121 : i32 to index
    %get3A_130 = tpu.vector_load %arg5[%get3A_128, %get3A_129] {strides = array<i32>} : memref<3x1024xf32, #tpu.memory_space<vmem>>, vector<1x16xf32>,
    %get3A_131 = vector.shape_cast %get3A_130 : vector<1x16xf32> to vector<16xf32>
    %get3A_132 = arith.constant 2 : i32
    %get3A_133 = arith.index_cast %get3A_132 : i32 to index
    %get3A_134 = arith.index_cast %add3A_121 : i32 to index
    %get3A_135 = tpu.vector_load %arg5[%get3A_133, %get3A_134] {strides = array<i32>} : memref<3x1024xf32, #tpu.memory_space<vmem>>, vector<1x16xf32>,
    %get3A_136 = vector.shape_cast %get3A_135 : vector<1x16xf32> to vector<16xf32>
    %get3A_137 = arith.constant 0 : i32
    %get3A_138 = arith.index_cast %get3A_137 : i32 to index
    %get3A_139 = arith.index_cast %add3A_121 : i32 to index
    %get3A_140 = tpu.vector_load %arg6[%get3A_138, %get3A_139] {strides = array<i32>} : memref<3x1024xf32, #tpu.memory_space<vmem>>, vector<1x16xf32>,
    %get3A_141 = vector.shape_cast %get3A_140 : vector<1x16xf32> to vector<16xf32>
    %get3A_142 = arith.constant 1 : i32
    %get3A_143 = arith.index_cast %get3A_142 : i32 to index
    %get3A_144 = arith.index_cast %add3A_121 : i32 to index
    %get3A_145 = tpu.vector_load %arg6[%get3A_143, %get3A_144] {strides = array<i32>} : memref<3x1024xf32, #tpu.memory_space<vmem>>, vector<1x16xf32>,
    %get3A_146 = vector.shape_cast %get3A_145 : vector<1x16xf32> to vector<16xf32>
    %get3A_147 = arith.constant 2 : i32
    %get3A_148 = arith.index_cast %get3A_147 : i32 to index
    %get3A_149 = arith.index_cast %add3A_121 : i32 to index
    %get3A_150 = tpu.vector_load %arg6[%get3A_148, %get3A_149] {strides = array<i32>} : memref<3x1024xf32, #tpu.memory_space<vmem>>, vector<1x16xf32>,
    %get3A_151 = vector.shape_cast %get3A_150 : vector<1x16xf32> to vector<16xf32>
    %get3A_152 = arith.index_cast %add3A_121 : i32 to index
    %get3A_153 = tpu.vector_load %arg7[%get3A_152] {strides = array<i32>} : memref<1024xf32, #tpu.memory_space<vmem>>, vector<16xf32>,
    %get3A_154 = vector.shape_cast %get3A_153 : vector<16xf32> to vector<16xf32>
    %mul3A_155 = arith.mulf %get3A_126, %get3A_126 : vector<16xf32>
    %mul3A_156 = arith.mulf %get3A_131, %get3A_131 : vector<16xf32>
    %add3A_157 = arith.addf %mul3A_155, %mul3A_156 : vector<16xf32>
    %mul3A_158 = arith.mulf %get3A_136, %get3A_136 : vector<16xf32>
    %add3A_159 = arith.addf %add3A_157, %mul3A_158 : vector<16xf32>
    %add3A_160 = arith.addf %get3A_154, %add3A_159 : vector<16xf32>
    %get3A_161 = arith.index_cast %add3A_121 : i32 to index
    %get3A_162 = tpu.vector_load %arg8[%get3A_161] {strides = array<i32>} : memref<1024xf32, #tpu.memory_space<vmem>>, vector<16xf32>,
    %get3A_163 = vector.shape_cast %get3A_162 : vector<16xf32> to vector<16xf32>
    %mul3A_164 = arith.mulf %get3A_141, %get3A_141 : vector<16xf32>
    %mul3A_165 = arith.mulf %get3A_146, %get3A_146 : vector<16xf32>
    %add3A_166 = arith.addf %mul3A_164, %mul3A_165 : vector<16xf32>
    %mul3A_167 = arith.mulf %get3A_151, %get3A_151 : vector<16xf32>
    %add3A_168 = arith.addf %add3A_166, %mul3A_167 : vector<16xf32>
    %add3A_169 = arith.addf %get3A_163, %add3A_168 : vector<16xf32>
    %add3A_170 = arith.addf %add3A_160, %add3A_169 : vector<16xf32>
    %add3A_171 = arith.addf %add3A_119, %add3A_170 : vector<16xf32>
    %add3A_172 = arith.constant 32 : i32
    %add3A_173 = arith.addi %mul3A_0, %add3A_172 : i32
    %get3A_174 = arith.constant 0 : i32
    %get3A_175 = arith.index_cast %get3A_174 : i32 to index
    %get3A_176 = arith.index_cast %add3A_173 : i32 to index
    %get3A_177 = tpu.vector_load %arg5[%get3A_175, %get3A_176] {strides = array<i32>} : memref<3x1024xf32, #tpu.memory_space<vmem>>, vector<1x16xf32>,
    %get3A_178 = vector.shape_cast %get3A_177 : vector<1x16xf32> to vector<16xf32>
    %get3A_179 = arith.constant 1 : i32
    %get3A_180 = arith.index_cast %get3A_179 : i32 to index
    %get3A_181 = arith.index_cast %add3A_173 : i32 to index
    %get3A_182 = tpu.vector_load %arg5[%get3A_180, %get3A_181] {strides = array<i32>} : memref<3x1024xf32, #tpu.memory_space<vmem>>, vector<1x16xf32>,
    %get3A_183 = vector.shape_cast %get3A_182 : vector<1x16xf32> to vector<16xf32>
    %get3A_184 = arith.constant 2 : i32
    %get3A_185 = arith.index_cast %get3A_184 : i32 to index
    %get3A_186 = arith.index_cast %add3A_173 : i32 to index
    %get3A_187 = tpu.vector_load %arg5[%get3A_185, %get3A_186] {strides = array<i32>} : memref<3x1024xf32, #tpu.memory_space<vmem>>, vector<1x16xf32>,
    %get3A_188 = vector.shape_cast %get3A_187 : vector<1x16xf32> to vector<16xf32>
    %get3A_189 = arith.constant 0 : i32
    %get3A_190 = arith.index_cast %get3A_189 : i32 to index
    %get3A_191 = arith.index_cast %add3A_173 : i32 to index
    %get3A_192 = tpu.vector_load %arg6[%get3A_190, %get3A_191] {strides = array<i32>} : memref<3x1024xf32, #tpu.memory_space<vmem>>, vector<1x16xf32>,
    %get3A_193 = vector.shape_cast %get3A_192 : vector<1x16xf32> to vector<16xf32>
    %get3A_194 = arith.constant 1 : i32
    %get3A_195 = arith.index_cast %get3A_194 : i32 to index
    %get3A_196 = arith.index_cast %add3A_173 : i32 to index
    %get3A_197 = tpu.vector_load %arg6[%get3A_195, %get3A_196] {strides = array<i32>} : memref<3x1024xf32, #tpu.memory_space<vmem>>, vector<1x16xf32>,
    %get3A_198 = vector.shape_cast %get3A_197 : vector<1x16xf32> to vector<16xf32>
    %get3A_199 = arith.constant 2 : i32
    %get3A_200 = arith.index_cast %get3A_199 : i32 to index
    %get3A_201 = arith.index_cast %add3A_173 : i32 to index
    %get3A_202 = tpu.vector_load %arg6[%get3A_200, %get3A_201] {strides = array<i32>} : memref<3x1024xf32, #tpu.memory_space<vmem>>, vector<1x16xf32>,
    %get3A_203 = vector.shape_cast %get3A_202 : vector<1x16xf32> to vector<16xf32>
    %get3A_204 = arith.index_cast %add3A_173 : i32 to index
    %get3A_205 = tpu.vector_load %arg7[%get3A_204] {strides = array<i32>} : memref<1024xf32, #tpu.memory_space<vmem>>, vector<16xf32>,
    %get3A_206 = vector.shape_cast %get3A_205 : vector<16xf32> to vector<16xf32>
    %mul3A_207 = arith.mulf %get3A_178, %get3A_178 : vector<16xf32>
    %mul3A_208 = arith.mulf %get3A_183, %get3A_183 : vector<16xf32>
    %add3A_209 = arith.addf %mul3A_207, %mul3A_208 : vector<16xf32>
    %mul3A_210 = arith.mulf %get3A_188, %get3A_188 : vector<16xf32>
    %add3A_211 = arith.addf %add3A_209, %mul3A_210 : vector<16xf32>
    %add3A_212 = arith.addf %get3A_206, %add3A_211 : vector<16xf32>
    %get3A_213 = arith.index_cast %add3A_173 : i32 to index
    %get3A_214 = tpu.vector_load %arg8[%get3A_213] {strides = array<i32>} : memref<1024xf32, #tpu.memory_space<vmem>>, vector<16xf32>,
    %get3A_215 = vector.shape_cast %get3A_214 : vector<16xf32> to vector<16xf32>
    %mul3A_216 = arith.mulf %get3A_193, %get3A_193 : vector<16xf32>
    %mul3A_217 = arith.mulf %get3A_198, %get3A_198 : vector<16xf32>
    %add3A_218 = arith.addf %mul3A_216, %mul3A_217 : vector<16xf32>
    %mul3A_219 = arith.mulf %get3A_203, %get3A_203 : vector<16xf32>
    %add3A_220 = arith.addf %add3A_218, %mul3A_219 : vector<16xf32>
    %add3A_221 = arith.addf %get3A_215, %add3A_220 : vector<16xf32>
    %add3A_222 = arith.addf %add3A_212, %add3A_221 : vector<16xf32>
    %add3A_223 = arith.addf %add3A_171, %add3A_222 : vector<16xf32>
    %add3A_224 = arith.constant 48 : i32
    %add3A_225 = arith.addi %mul3A_0, %add3A_224 : i32
    %get3A_226 = arith.constant 0 : i32
    %get3A_227 = arith.index_cast %get3A_226 : i32 to index
    %get3A_228 = arith.index_cast %add3A_225 : i32 to index
    %get3A_229 = tpu.vector_load %arg5[%get3A_227, %get3A_228] {strides = array<i32>} : memref<3x1024xf32, #tpu.memory_space<vmem>>, vector<1x16xf32>,
    %get3A_230 = vector.shape_cast %get3A_229 : vector<1x16xf32> to vector<16xf32>
    %get3A_231 = arith.constant 1 : i32
    %get3A_232 = arith.index_cast %get3A_231 : i32 to index
    %get3A_233 = arith.index_cast %add3A_225 : i32 to index
    %get3A_234 = tpu.vector_load %arg5[%get3A_232, %get3A_233] {strides = array<i32>} : memref<3x1024xf32, #tpu.memory_space<vmem>>, vector<1x16xf32>,
    %get3A_235 = vector.shape_cast %get3A_234 : vector<1x16xf32> to vector<16xf32>
    %get3A_236 = arith.constant 2 : i32
    %get3A_237 = arith.index_cast %get3A_236 : i32 to index
    %get3A_238 = arith.index_cast %add3A_225 : i32 to index
    %get3A_239 = tpu.vector_load %arg5[%get3A_237, %get3A_238] {strides = array<i32>} : memref<3x1024xf32, #tpu.memory_space<vmem>>, vector<1x16xf32>,
    %get3A_240 = vector.shape_cast %get3A_239 : vector<1x16xf32> to vector<16xf32>
    %get3A_241 = arith.constant 0 : i32
    %get3A_242 = arith.index_cast %get3A_241 : i32 to index
    %get3A_243 = arith.index_cast %add3A_225 : i32 to index
    %get3A_244 = tpu.vector_load %arg6[%get3A_242, %get3A_243] {strides = array<i32>} : memref<3x1024xf32, #tpu.memory_space<vmem>>, vector<1x16xf32>,
    %get3A_245 = vector.shape_cast %get3A_244 : vector<1x16xf32> to vector<16xf32>
    %get3A_246 = arith.constant 1 : i32
    %get3A_247 = arith.index_cast %get3A_246 : i32 to index
    %get3A_248 = arith.index_cast %add3A_225 : i32 to index
    %get3A_249 = tpu.vector_load %arg6[%get3A_247, %get3A_248] {strides = array<i32>} : memref<3x1024xf32, #tpu.memory_space<vmem>>, vector<1x16xf32>,
    %get3A_250 = vector.shape_cast %get3A_249 : vector<1x16xf32> to vector<16xf32>
    %get3A_251 = arith.constant 2 : i32
    %get3A_252 = arith.index_cast %get3A_251 : i32 to index
    %get3A_253 = arith.index_cast %add3A_225 : i32 to index
    %get3A_254 = tpu.vector_load %arg6[%get3A_252, %get3A_253] {strides = array<i32>} : memref<3x1024xf32, #tpu.memory_space<vmem>>, vector<1x16xf32>,
    %get3A_255 = vector.shape_cast %get3A_254 : vector<1x16xf32> to vector<16xf32>
    %get3A_256 = arith.index_cast %add3A_225 : i32 to index
    %get3A_257 = tpu.vector_load %arg7[%get3A_256] {strides = array<i32>} : memref<1024xf32, #tpu.memory_space<vmem>>, vector<16xf32>,
    %get3A_258 = vector.shape_cast %get3A_257 : vector<16xf32> to vector<16xf32>
    %mul3A_259 = arith.mulf %get3A_230, %get3A_230 : vector<16xf32>
    %mul3A_260 = arith.mulf %get3A_235, %get3A_235 : vector<16xf32>
    %add3A_261 = arith.addf %mul3A_259, %mul3A_260 : vector<16xf32>
    %mul3A_262 = arith.mulf %get3A_240, %get3A_240 : vector<16xf32>
    %add3A_263 = arith.addf %add3A_261, %mul3A_262 : vector<16xf32>
    %add3A_264 = arith.addf %get3A_258, %add3A_263 : vector<16xf32>
    %get3A_265 = arith.index_cast %add3A_225 : i32 to index
    %get3A_266 = tpu.vector_load %arg8[%get3A_265] {strides = array<i32>} : memref<1024xf32, #tpu.memory_space<vmem>>, vector<16xf32>,
    %get3A_267 = vector.shape_cast %get3A_266 : vector<16xf32> to vector<16xf32>
    %mul3A_268 = arith.mulf %get3A_245, %get3A_245 : vector<16xf32>
    %mul3A_269 = arith.mulf %get3A_250, %get3A_250 : vector<16xf32>
    %add3A_270 = arith.addf %mul3A_268, %mul3A_269 : vector<16xf32>
    %mul3A_271 = arith.mulf %get3A_255, %get3A_255 : vector<16xf32>
    %add3A_272 = arith.addf %add3A_270, %mul3A_271 : vector<16xf32>
    %add3A_273 = arith.addf %get3A_267, %add3A_272 : vector<16xf32>
    %add3A_274 = arith.addf %add3A_264, %add3A_273 : vector<16xf32>
    %add3A_275 = arith.addf %add3A_223, %add3A_274 : vector<16xf32>
    %swap3A_276 = arith.constant 0 : index
    %swap3A_277 = tpu.vector_load %arg9[%swap3A_276] {strides = array<i32>} : memref<16xf32, #tpu.memory_space<vmem>>, vector<16xf32>,
    %swap3A_278 = vector.shape_cast %swap3A_277 : vector<16xf32> to vector<16xf32>
    %swap3A_279 = vector.shape_cast %add3A_275 : vector<16xf32> to vector<16xf32>
    tpu.vector_store %arg9[%swap3A_276], %swap3A_279 {strides = array<i32>} : memref<16xf32, #tpu.memory_space<vmem>>, vector<16xf32>,
    "tpu.region"() ({
      %run_scoped3A = tpu.sem_alloc : memref<!tpu.dma_semaphore, #tpu.memory_space<semaphore_mem>>
      %dma_start3A = arith.constant 0 : i32
      %dma_start3A_280 = tpu.memref_slice %arg4[%arg0, %arg1, %dma_start3A] : memref<2x16x16xf32, #tpu.memory_space<hbm>> -> memref<1x1x16xf32, #tpu.memory_space<hbm>>
      %dma_start3A_281 = tpu.memref_squeeze %dma_start3A_280 : memref<1x1x16xf32, #tpu.memory_space<hbm>> -> memref<16xf32, #tpu.memory_space<hbm>>
      %dma_start3A_282 = arith.constant 0 : i32
      %dma_start3A_283 = tpu.memref_slice %arg4[%arg0, %arg1, %dma_start3A_282] : memref<2x16x16xf32, #tpu.memory_space<hbm>> -> memref<1x1x16xf32, #tpu.memory_space<hbm>>
      %dma_start3A_284 = tpu.memref_squeeze %dma_start3A_283 : memref<1x1x16xf32, #tpu.memory_space<hbm>> -> memref<16xf32, #tpu.memory_space<hbm>>
      tpu.enqueue_dma source(%arg9 : memref<16xf32, #tpu.memory_space<vmem>>) target(%dma_start3A_284 : memref<16xf32, #tpu.memory_space<hbm>>) target_semaphore(%run_scoped3A : memref<!tpu.dma_semaphore, #tpu.memory_space<semaphore_mem>>)
      %dma_wait3A = arith.constant 0 : i32
      %dma_wait3A_285 = tpu.memref_slice %arg4[%arg0, %arg1, %dma_wait3A] : memref<2x16x16xf32, #tpu.memory_space<hbm>> -> memref<1x1x16xf32, #tpu.memory_space<hbm>>
      %dma_wait3A_286 = tpu.memref_squeeze %dma_wait3A_285 : memref<1x1x16xf32, #tpu.memory_space<hbm>> -> memref<16xf32, #tpu.memory_space<hbm>>
      %dma_wait3A_287 = arith.constant 0 : i32
      %dma_wait3A_288 = tpu.memref_slice %arg4[%arg0, %arg1, %dma_wait3A_287] : memref<2x16x16xf32, #tpu.memory_space<hbm>> -> memref<1x1x16xf32, #tpu.memory_space<hbm>>
      %dma_wait3A_289 = tpu.memref_squeeze %dma_wait3A_288 : memref<1x1x16xf32, #tpu.memory_space<hbm>> -> memref<16xf32, #tpu.memory_space<hbm>>
      tpu.wait_dma2 semaphore(%run_scoped3A : memref<!tpu.dma_semaphore, #tpu.memory_space<semaphore_mem>>) src(%arg9 : memref<16xf32, #tpu.memory_space<vmem>>) dst(%dma_wait3A_289 : memref<16xf32, #tpu.memory_space<hbm>>)
      tpu.yield
    }) : () -> ()
    return
  }
}

module attributes {stable_mosaic.version = 14 : i64} {
  func.func @_tc_body(%arg0: i32, %arg1: memref<1x1024x3xf32, #tpu.memory_space<vmem>>, %arg2: memref<1x1024x3xf32, #tpu.memory_space<vmem>>, %arg3: memref<1x1x1xf32, #tpu.memory_space<smem>>) attributes {dimension_semantics = [#tpu.dimension_semantics<arbitrary>], iteration_bounds = array<i64: 30>, scalar_prefetch = 0 : i64, scratch_operands = 0 : i64, tpu.core_type = #tpu.core_type<tc>, window_params = [{transform_indices = @transform_0, window_bounds = array<i64: 1, 1024, 3>}, {transform_indices = @transform_1, window_bounds = array<i64: 1, 1024, 3>}, {transform_indices = @transform_2, window_bounds = array<i64: 1, 1, 1>}]} {
    %get3A = arith.constant 0 : index
    %get3A_0 = arith.constant 0 : index
    %get3A_1 = arith.constant 0 : index
    %get3A_2 = vector.load %arg1[%get3A, %get3A_0, %get3A_1] : memref<1x1024x3xf32, #tpu.memory_space<vmem>>, vector<1x1024x3xf32>
    %get3A_3 = vector.shape_cast %get3A_2 : vector<1x1024x3xf32> to vector<1024x3xf32>
    %get3A_4 = arith.constant 0 : index
    %get3A_5 = arith.constant 0 : index
    %get3A_6 = arith.constant 0 : index
    %get3A_7 = vector.load %arg2[%get3A_4, %get3A_5, %get3A_6] : memref<1x1024x3xf32, #tpu.memory_space<vmem>>, vector<1x1024x3xf32>
    %get3A_8 = vector.shape_cast %get3A_7 : vector<1x1024x3xf32> to vector<1024x3xf32>
    %mul3A = arith.mulf %get3A_3, %get3A_3 : vector<1024x3xf32>
    %reduce_sum3A = arith.constant dense<0.000000e+00> : vector<1024xf32>
    %reduce_sum3A_9 = vector.multi_reduction <add>, %mul3A, %reduce_sum3A [1] : vector<1024x3xf32> to vector<1024xf32>
    %broadcast_in_dim3A = vector.shape_cast %reduce_sum3A_9 : vector<1024xf32> to vector<1024x1xf32>
    %mul3A_10 = arith.mulf %get3A_8, %get3A_8 : vector<1024x3xf32>
    %reduce_sum3A_11 = arith.constant dense<0.000000e+00> : vector<1024xf32>
    %reduce_sum3A_12 = vector.multi_reduction <add>, %mul3A_10, %reduce_sum3A_11 [1] : vector<1024x3xf32> to vector<1024xf32>
    %broadcast_in_dim3A_13 = vector.shape_cast %reduce_sum3A_12 : vector<1024xf32> to vector<1024x1xf32>
    %mul3A_14 = arith.constant -2.000000e+00 : f32
    %mul3A_15 = vector.broadcast %mul3A_14 : f32 to vector<1024x3xf32>
    %mul3A_16 = arith.mulf %get3A_3, %mul3A_15 : vector<1024x3xf32>
    %broadcast_in_dim3A_17 = arith.constant 1.000000e+00 : f32
    %broadcast_in_dim3A_18 = vector.broadcast %broadcast_in_dim3A_17 : f32 to vector<1024x1xf32>
    %concatenate3A = tpu.concatenate %mul3A_16, %broadcast_in_dim3A_18 in 1 : vector<1024x3xf32>, vector<1024x1xf32> -> vector<1024x4xf32>
    %concatenate3A_19 = tpu.concatenate %get3A_8, %broadcast_in_dim3A_13 in 1 : vector<1024x3xf32>, vector<1024x1xf32> -> vector<1024x4xf32>
    %dot_general3A = arith.constant dense<0.000000e+00> : vector<1024x1024xf32>
    %dot_general3A_20 = tpu.matmul %concatenate3A, %concatenate3A_19, %dot_general3A {dimension_numbers = #tpu.dot_dimension_numbers<[1], [1], [0], [0], [0, 0, 1, 0], [], []>, transpose_lhs_hint = false} : vector<1024x4xf32>, vector<1024x4xf32>, vector<1024x1024xf32> -> vector<1024x1024xf32>
    %reduce_min3A = arith.constant dense<0x7F800000> : vector<1024xf32>
    %reduce_min3A_21 = vector.multi_reduction <minimumf>, %dot_general3A_20, %reduce_min3A [1] : vector<1024x1024xf32> to vector<1024xf32>
    %add3A = vector.broadcast %broadcast_in_dim3A : vector<1024x1xf32> to vector<1024x1024xf32>
    %add3A_22 = arith.addf %dot_general3A_20, %add3A : vector<1024x1024xf32>
    %reduce_min3A_23 = arith.constant dense<0x7F800000> : vector<1024xf32>
    %reduce_min3A_24 = vector.multi_reduction <minimumf>, %add3A_22, %reduce_min3A_23 [0] : vector<1024x1024xf32> to vector<1024xf32>
    %reduce_sum3A_25 = vector.shape_cast %reduce_min3A_21 : vector<1024xf32> to vector<1x1024xf32>
    %reduce_sum3A_26 = arith.constant dense<0.000000e+00> : vector<1xf32>
    %reduce_sum3A_27 = vector.multi_reduction <add>, %reduce_sum3A_25, %reduce_sum3A_26 [1] : vector<1x1024xf32> to vector<1xf32>
    %reduce_sum3A_28 = vector.shape_cast %reduce_sum3A_27 : vector<1xf32> to vector<1x1xf32>
    %reduce_sum3A_29 = vector.extract %reduce_sum3A_28[0, 0] : f32 from vector<1x1xf32>
    %reduce_sum3A_30 = vector.shape_cast %broadcast_in_dim3A : vector<1024x1xf32> to vector<1x1024x1xf32>
    %reduce_sum3A_31 = arith.constant dense<0.000000e+00> : vector<1xf32>
    %reduce_sum3A_32 = vector.multi_reduction <add>, %reduce_sum3A_30, %reduce_sum3A_31 [1, 2] : vector<1x1024x1xf32> to vector<1xf32>
    %reduce_sum3A_33 = vector.shape_cast %reduce_sum3A_32 : vector<1xf32> to vector<1x1x1xf32>
    %reduce_sum3A_34 = vector.extract %reduce_sum3A_33[0, 0, 0] : f32 from vector<1x1x1xf32>
    %add3A_35 = arith.addf %reduce_sum3A_29, %reduce_sum3A_34 : f32
    %reduce_sum3A_36 = vector.shape_cast %reduce_min3A_24 : vector<1024xf32> to vector<1x1024xf32>
    %reduce_sum3A_37 = arith.constant dense<0.000000e+00> : vector<1xf32>
    %reduce_sum3A_38 = vector.multi_reduction <add>, %reduce_sum3A_36, %reduce_sum3A_37 [1] : vector<1x1024xf32> to vector<1xf32>
    %reduce_sum3A_39 = vector.shape_cast %reduce_sum3A_38 : vector<1xf32> to vector<1x1xf32>
    %reduce_sum3A_40 = vector.extract %reduce_sum3A_39[0, 0] : f32 from vector<1x1xf32>
    %add3A_41 = arith.addf %add3A_35, %reduce_sum3A_40 : f32
    %mul3A_42 = arith.constant 9.765625E-4 : f32
    %mul3A_43 = arith.mulf %add3A_41, %mul3A_42 : f32
    %swap3A = arith.constant 0 : index
    %swap3A_44 = arith.constant 0 : index
    %swap3A_45 = arith.constant 0 : index
    %swap3A_46 = memref.load %arg3[%swap3A, %swap3A_44, %swap3A_45] : memref<1x1x1xf32, #tpu.memory_space<smem>>
    memref.store %mul3A_43, %arg3[%swap3A, %swap3A_44, %swap3A_45] : memref<1x1x1xf32, #tpu.memory_space<smem>>
    return
  }
  func.func @transform_0(%arg0: i32) -> (i32, i32, i32) {
    %c0_i32 = arith.constant 0 : i32
    %c0_i32_0 = arith.constant 0 : i32
    %c0_i32_1 = arith.constant 0 : i32
    return %arg0, %c0_i32, %c0_i32_0 : i32, i32, i32
  }
  func.func @transform_1(%arg0: i32) -> (i32, i32, i32) {
    %c0_i32 = arith.constant 0 : i32
    %c0_i32_0 = arith.constant 0 : i32
    %c0_i32_1 = arith.constant 0 : i32
    return %arg0, %c0_i32, %c0_i32_0 : i32, i32, i32
  }
  func.func @transform_2(%arg0: i32) -> (i32, i32, i32) {
    %c0_i32 = arith.constant 0 : i32
    %c0_i32_0 = arith.constant 0 : i32
    %c0_i32_1 = arith.constant 0 : i32
    return %arg0, %c0_i32, %c0_i32_0 : i32, i32, i32
  }
}

</mosaic_0001>

<sc_bundles>
// kernel: kernel.4.cloned.1.call-start
scs
__scs_entry_jumppad:
0x0: {  	(pc) =	sbr.rel $0x88, $3  }
0x1: {  	(tag) =	ssettag $0x0;
	lr =	simm.s32 $0x1  }
0x2: {  	[smem:$0x3F9F] =	sst lr;
	_ =	strace $0xD0000000  }
0x3: {  	_ = 	snop  }
0x4: {  	_ = 	snop  }
0x5: {  	_ = 	snop  }
0x6: {  	_ = 	snop  }
0x7: {  	_ = 	snop  }
__scs_overlays_trampoline_lowered:
0x8: {  	[smem:$0x3FAE] =	sst s0  }
0x9: {  	[smem:$0x3FAF] =	sst s1  }
0xa: {  	[smem:$0x3FB0] =	sst s2  }
0xb: {  	[smem:$0x3FB1] =	sst s3  }
0xc: {  	[smem:$0x3FB2] =	sst s4  }
0xd: {  	[smem:$0x3FB3] =	sst s5  }
0xe: {  	[smem:$0x3FB4] =	sst s6  }
0xf: {  	[smem:$0x3FB5] =	sst s7  }
0x10: {  	[smem:$0x3FB6] =	sst s8  }
0x11: {  	[smem:$0x3FB7] =	sst s9;
	s0 =	simm.s32 @!p0 $0x0  }
0x12: {  	s1 =	sld [smem:$0x3F9D];
	s0 =	simm.s32 @p0 $0x1  }
0x13: {  	[smem:$0x3FB8] =	sst s0;
	s0 =	simm.s32 @!p1 $0x0  }
0x14: {  	s2 =	sld [smem:$0x3F9C];
	s0 =	simm.s32 @p1 $0x1  }
0x15: {  	[smem:$0x3FB9] =	sst s0;
	s0 =	simm.s32 @!p2 $0x0  }
0x16: {  	s3 =	sld [smem:$0x3FDB];
	s0 =	simm.s32 @p2 $0x1  }
0x17: {  	s4 =	simm.s32 $0x1BF5;
	[smem:$0x3FBB] =	sst s0  }
0x18: {  	s0 =	sld [smem:$0x3F9E];
	_ =	swait.ge [sflag:s4], $0x0  }
0x19: {  	s7 =	sld [smem:$0x3F9F]  }
0x1a: {  	s8 =	sadd.s32 $0xFFFFE003, lr  }
0x1b: {  	s9 =	sadd.s32 $0xFFFFFEF7, lr;
	s5 =	simm.s32 $0xFFFFFFFF;
	p2 =	slt.u32 s8, $0xFFFFF086  }
0x1c: {  	p1 =	slt.u32 s9, $0xF7A;
	s5 =	simm.s32 @!p2 $0x0  }
0x1d: {  	s5 =	simm.s32 @p1 $0x1;
	p0 =	seq.s32 s7, s2  }
0x1e: {  	s7 =	smul.u32 @!p0 $0xF7A, s2;
	p2 =	seq.s32 @!p0 s5, $0x0  }
0x1f: {  	s9 =	smul.u32 $0xF7A, s1;
	s8 =	simm.s32 @!p0 $0x1BF5;
	p2 =	por !p2, p0  }
0x20: {  	[sflag:s8] =	ssyncset.s32 @!p0 $0xFFFFF086;
	s6 =	sadd.s32 @!p0 s3, s7;
	s7 =	simm.s32 @!p0 $0x108  }
0x21: {  	s3 =	sadd.s32 s3, s9;
	s6 =	sadd.s32 @!p0 $0x88, s6;
	s7 =	simm.s32 @p2 $0x1082  }
0x22: {  	[simem:s7], [sflag:s8] =	dma.local @!p0 [hbm:s6], $0xF7A  }
0x23: {  	s9 =	sor.u32 $0xD0000000, s2;
	s6 =	simm.s32 $0x108;
	_ =	swait.ge @!p0 [sflag:s8], $0x0  }
0x24: {  	s3 =	sadd.s32 $0x88, s3;
	s6 =	simm.s32 @!p1 $0x1082;
	[sflag:s4] =	ssyncset.s32 $0xFFFFF086  }
0x25: {  	[simem:s6], [sflag:s4] =	dma.local [hbm:s3], $0xF7A  }
0x26: {  	[smem:$0x3F9F] =	sst s1;
	(tag) =	ssettag s2;
	_ =	strace s9  }
0x27: {  	s1 =	sld [smem:$0x3FAF]  }
0x28: {  	s2 =	sld [smem:$0x3FB0]  }
0x29: {  	s4 =	sld [smem:$0x3FB2]  }
0x2a: {  	p0 =	seq.s32 s5, $0x0;
	s5 =	sld [smem:$0x3FB3]  }
0x2b: {  	s6 =	sld [smem:$0x3FB4]  }
0x2c: {  	s7 =	sld [smem:$0x3FB5]  }
0x2d: {  	s3 =	simm.s32 $0x108;
	s8 =	sld [smem:$0x3FB6]  }
0x2e: {  	s3 =	simm.s32 @!p0 $0x1082;
	s9 =	sld [smem:$0x3FB7]  }
0x2f: {  	lr =	sadd.s32 s0, s3;
	s0 =	sld [smem:$0x3FAE]  }
0x30: {  	s3 =	sld [smem:$0x3FB1]  }
0x31: {  	[smem:$0x3FBA] =	sst s10  }
0x32: {  	s10 =	sld [smem:$0x3FB8];
	_ =	sdelay $0x3  }
0x33: {  	p0 =	seq.s32 s10, $0x1;
	s10 =	sld [smem:$0x3FBA];
	_ =	sdelay $0x3  }
0x34: {  	[smem:$0x3FBA] =	sst s10  }
0x35: {  	s10 =	sld [smem:$0x3FB9];
	_ =	sdelay $0x3  }
0x36: {  	p1 =	seq.s32 s10, $0x1;
	s10 =	sld [smem:$0x3FBA];
	_ =	sdelay $0x3  }
0x37: {  	[smem:$0x3FBA] =	sst s10  }
0x38: {  	s10 =	sld [smem:$0x3FBB]  }
0x39: {  	_ = 	snop;
	(pc) =	sbr.ind lr, $3  }
0x3a: {  	_ = 	snop  }
0x3b: {  	_ = 	snop  }
0x3c: {  	p2 =	seq.s32 s10, $0x1;
	s10 =	sld [smem:$0x3FBA]  }
0x3d: {  	_ =	shalt  }
0x3e: {  	_ =	shalt  }
0x3f: {  	_ =	shalt  }
0x40: {  	_ =	shalt  }
0x41: {  	_ =	shalt  }
0x42: {  	_ =	shalt  }
0x43: {  	_ =	shalt  }
0x44: {  	_ =	shalt  }
0x45: {  	_ =	shalt  }
0x46: {  	_ =	shalt  }
0x47: {  	_ =	shalt  }
0x48: {  	_ =	shalt  }
0x49: {  	_ =	shalt  }
0x4a: {  	_ =	shalt  }
0x4b: {  	_ =	shalt  }
0x4c: {  	_ =	shalt  }
0x4d: {  	_ =	shalt  }
0x4e: {  	_ =	shalt  }
0x4f: {  	_ =	shalt  }
0x50: {  	_ =	shalt  }
0x51: {  	_ =	shalt  }
0x52: {  	_ =	shalt  }
0x53: {  	_ =	shalt  }
0x54: {  	_ =	shalt  }
0x55: {  	_ =	shalt  }
0x56: {  	_ =	shalt  }
0x57: {  	_ =	shalt  }
0x58: {  	_ =	shalt  }
0x59: {  	_ =	shalt  }
0x5a: {  	_ =	shalt  }
0x5b: {  	_ =	shalt  }
0x5c: {  	_ =	shalt  }
0x5d: {  	_ =	shalt  }
0x5e: {  	_ =	shalt  }
0x5f: {  	_ =	shalt  }
0x60: {  	_ =	shalt  }
0x61: {  	_ =	shalt  }
0x62: {  	_ =	shalt  }
0x63: {  	_ =	shalt  }
0x64: {  	_ =	shalt  }
0x65: {  	_ =	shalt  }
0x66: {  	_ =	shalt  }
0x67: {  	_ =	shalt  }
0x68: {  	_ =	shalt  }
0x69: {  	_ =	shalt  }
0x6a: {  	_ =	shalt  }
0x6b: {  	_ =	shalt  }
0x6c: {  	_ =	shalt  }
0x6d: {  	_ =	shalt  }
0x6e: {  	_ =	shalt  }
0x6f: {  	_ =	shalt  }
0x70: {  	_ =	shalt  }
0x71: {  	_ =	shalt  }
0x72: {  	_ =	shalt  }
0x73: {  	_ =	shalt  }
0x74: {  	_ =	shalt  }
0x75: {  	_ =	shalt  }
0x76: {  	_ =	shalt  }
0x77: {  	_ =	shalt  }
0x78: {  	_ =	shalt  }
0x79: {  	_ =	shalt  }
0x7a: {  	_ =	shalt  }
0x7b: {  	_ =	shalt  }
0x7c: {  	_ =	shalt  }
0x7d: {  	_ =	shalt  }
0x7e: {  	_ =	shalt  }
0x7f: {  	_ =	shalt  }
0x80: {  	_ =	shalt  }
0x81: {  	_ =	shalt  }
0x82: {  	_ =	shalt  }
0x83: {  	_ =	shalt  }
0x84: {  	_ =	shalt  }
0x85: {  	_ =	shalt  }
0x86: {  	_ =	shalt  }
0x87: {  	_ =	shalt  }
.Lfunc_end0:
.L_simem_size_0:
called_computation_lowered:
.L_overlay_start_0:
0x88: {  	s2 =	sld [smem:$0x3FD9]  }
0x89: {  	s3 =	sld [smem:$0x3FFE];
	_ =	sdelay $0x1  }
0x8a: {  	s1 =	srdreg.scid  }
0x8b: {  	s0 =	sand.u32 $0x1, s1  }
0x8c: {  	s16 =	sshll.u32 s0, $0xA;
	s2 =	sadd.s32 s3, s2  }
0x8d: {  	s2 =	sadd.s32 s2, s16  }
0x8e: {  	[smem:$0x3FC6] =	sst s2  }
0x8f: {  	_ = 	snop  }
0x90: {  	(tm) =	ssettm $0x1  }
0x91: {  	s17 =	sld [smem:$0x3FFB];
	_ =	sdelay $0x3  }
0x92: {  	_ =	strace s17  }
0x93: {  	s2 =	sld [smem:$0x3FFC];
	_ =	sdelay $0x3  }
0x94: {  	_ =	strace s2  }
0x95: {  	s2 =	sld [smem:$0x3FFD];
	_ =	sdelay $0x3  }
0x96: {  	_ =	strace s2  }
0x97: {  	_ =	strace $0x8FFFFFFF  }
0x98: {  	s18 =	sld [smem:$0x3FDB];
	_ =	sdelay $0x1  }
0x99: {  	s19 =	simm.s32 $_scs_section_size  }
0x9a: {  	s4 =	simm.s32 $_size__tile_overlayer_lowered;
	s5 =	simm.s32 $_tile_overlayer_lowered  }
0x9b: {  	s22 =	simm.s32 $0x1BFF;
	s21 =	sshll.u32 s5, $0x1;
	s2 =	sadd.s32 s19, s18  }
0x9c: {  	s6 =	simm.s32 $0x0;
	s20 =	sshll.u32 s4, $0x1;
	s4 =	sadd.s32 s21, s2  }
0x9d: {  	[timem:s6], [sflag:s22] =	dma.local [hbm:s4], s20  }
0x9e: {  	_ =	swait.ge [sflag:s22], s20  }
0x9f: {  	s3 =	ssub.s32 $0x0, s20;
	[sflag:s22] =	ssyncset.done $0x0  }
0xa0: {  	[sflag:s22] =	ssyncadd.s32 s3;
	_ =	sdelay $0x1  }
0xa1: {  	s23 =	simm.s32 $0x1B8B  }
0xa2: {  	_ =	swait.ge [sflag:s23], $0x1  }
0xa3: {  	[sflag:s23] =	ssyncset.done $0x0  }
0xa4: {  	s25 =	simm.s32 $0x1B8E;
	s24 =	sld [smem:$0x3FFE];
	[sflag:s23] =	ssyncadd.s32 $0xFFFFFFFF  }
0xa5: {  	s26 =	simm.s32 $execute0_lowered;
	[smem:$0x3FD2] =	sst s25  }
0xa6: {  	s4 =	sshll.u32 s26, $0x1;
	_ =	strace $0x80000046;
	[dreg:$0x1] =	wrdreg $0xFFFFFFFF  }
0xa7: {  	s28 =	simm.s32 $_size_execute0_lowered;
	s2 =	sadd.s32 s2, s4;
	[dreg:$0x0] =	wrdreg $0x0  }
0xa8: {  	s4 =	sshll.u32 s28, $0x1;
	[dreg:$0x2] =	wrdreg s2  }
0xa9: {  	[dreg:$0x3] =	wrdreg s4  }
0xaa: {  	[dreg:$0x4] =	wrdreg $0xC0  }
0xab: {  	_ =	task [dreg:s6], $0x5FFFF  }
0xac: {  	[dreg:$0x1] =	wrdreg $0xFFFFFFFF  }
0xad: {  	[dreg:$0x0] =	wrdreg $0x60  }
0xae: {  	[dreg:$0x2] =	wrdreg s24  }
0xaf: {  	[dreg:$0x3] =	wrdreg $0x9  }
0xb0: {  	_ =	task.clear_ibuf [dreg:s6], $0x4FFFF;
	_ =	strace $0x90000046  }
0xb1: {  	s29 =	simm.s32 $0x9;
	_ =	strace $0x80000048  }
0xb2: {  	_ =	swait.ge [sflag:s29], $0x1  }
0xb3: {  	[sflag:s29] =	ssyncadd.s32 $0xFFFFFFFF  }
0xb4: {  	_ =	strace $0x90000048  }
0xb5: {  	_ =	sfence  }
0xb6: {  	s30 =	sld [smem:$0x0];
	_ =	sdelay $0x2  }
0xb7: {  	s31 =	sshll.u32 s1, $0xD;
	s1 =	sshrl.u32 s1, $0x2  }
0xb8: {  	s3 =	sand.u32 $0x4000, s31;
	s1 =	sadd.s32 s1, s30  }
0xb9: {  	s0 =	sor.u32 s3, s0;
	s1 =	sshll.u32 s1, $0x11  }
0xba: {  	s0 =	sor.u32 s1, s0  }
0xbb: {  	s0 =	sadd.s32 $0x8F2B, s0  }
0xbc: {  	[sflag:s0] =	ssyncadd.remote.s32 $0x1  }
0xbd: {  	_ =	sfence.sel $0xFFFF  }
0xbe: {  	[dreg:$0x0] =	wrdreg $0xFFFFFFFF;
	(pc) =	sbr.abs _section_cstart, $3  }
0xbf: {  	[dreg:$0x1] =	wrdreg $0xFFFFFFFF  }
0xc0: {  	_ =	task.clear_ibuf [dreg:s6], $0x2FFFF;
	_ =	strace $0x9FFFFFFF  }
0xc1: {  	(tm) =	ssettm $0x7FFFFFFF  }
tec
execute0_lowered:
.L_overlay_start_1:
0x0: {  	(tag) =	ssettag $0x1  }
0x1: {  	s0 =	rddreg [dreg:$0x0]  }
0x2: {  	s2 =	simm.s32 $0x0;
	s1 =	srdreg.scid;
	s7 =	stileid.u32  }
0x3: {  	s28 =	simm.s32 $0x1;
	s31 =	simm.s32 $0x0;
	[smem:$0x7FF] =	sst s2  }
0x4: {  	s1 =	sand.u32 $0x1, s1;
	s3 =	sshll.u32 s7, $0x4;
	_ =	strace $0x80000047  }
0x5: {  	s4 =	ssub.s32 $0x2, s1;
	s22 =	sadd.s32 s3, s0;
	s3 =	sshll.u32 s7, $0x6  }
0x6: {  	s26 =	sshll.u32 s1, $0x9;
	s7 =	sshll.u32 s7, $0x8;
	s30 =	sshll.u32 s1, $0x8  }
0x7: {  	s5 =	sshrl.u32 s4, $0x1;
	s13 =	sand.u32 $0x40, s3;
	s8 =	sand.u32 $0x380, s3  }
0x8: {  	s12 =	sand.u32 $0xE00, s7;
	s25 =	ssub.s32 s4, s5;
	s4 =	sadd.s32 s0, s26  }
0x9: {  	s29 =	sor.u32 $0x10, s13;
	s15 =	sor.u32 $0x20, s13;
	s16 =	sor.u32 $0x30, s13  }
0xa: {  	s9 =	sor.u32 s13, s12;
	s17 =	sor.u32 $0x1000, s12;
	s0 =	sadd.s32 s30, s22  }
0xb: {  	s5 =	sadd.s32 $0x400, s4;
	s6 =	sor.u32 s8, s29;
	s7 =	sor.u32 s8, s15  }
0xc: {  	s8 =	sor.u32 s8, s16;
	s10 =	sor.u32 s29, s12;
	s11 =	sor.u32 s15, s12  }
0xd: {  	s12 =	sor.u32 s16, s12;
	s13 =	sor.u32 s13, s17;
	s14 =	sor.u32 s29, s17  }
0xe: {  	s15 =	sor.u32 s15, s17;
	s16 =	sor.u32 s16, s17;
	s17 =	sor.u32 $0x80, s9  }
0xf: {  	s18 =	sor.u32 $0x100, s9;
	s24 =	sadd.s32 $0x800, s0;
	s25 =	smax.u32 s25, $0x1  }
0x10: {  	s19 =	sor.u32 $0x80, s10;
	s20 =	sor.u32 $0x100, s10;
	s21 =	sor.u32 $0x80, s11  }
0x11: {  	v0 =	vimm.f32 $+Inf;
	s22 =	sor.u32 $0x100, s11;
	s23 =	sor.u32 $0x80, s12;
	s26 =	sor.u32 $0x100, s12  }
.LBB2_1:
0x12: {  	[tilespmem:s2], [sflag:$0x1] =	stream.linear.gather [hbm4b:s5+s2], $0x1000, $0x38;
	[tilespmem:$0x2880] =	vst v63  }
0x13: {  	_ =	swait.ge [sflag:s28], $0x1000  }
0x14: {  	[sflag:s28] =	ssyncset.done $0x0  }
0x15: {  	s0 =	simm.s32 $0x1000;
	[sflag:s28] =	ssyncadd.s32 $0xFFFFF000  }
0x16: {  	[tilespmem:s0], [sflag:$0x1] =	stream.linear.gather [hbm4b:s4+s2], $0x1000, $0x38;
	[tilespmem:$0x2880] =	vst v63  }
0x17: {  	_ =	swait.ge [sflag:s28], $0x1000  }
0x18: {  	[sflag:s28] =	ssyncset.done $0x0  }
0x19: {  	[sflag:s28] =	ssyncadd.s32 $0xFFFFF000  }
0x1a: {  	[tilespmem:s3+$0x2000] =	vst v0  }
0x1b: {  	[tilespmem:s3+$0x2400] =	vst v0  }
0x1c: {  	[tilespmem:s6+$0x2000] =	vst v0  }
0x1d: {  	[tilespmem:s6+$0x2400] =	vst v0  }
0x1e: {  	[tilespmem:s7+$0x2000] =	vst v0  }
0x1f: {  	[tilespmem:s7+$0x2400] =	vst v0  }
0x20: {  	[tilespmem:s8+$0x2000] =	vst v0  }
0x21: {  	s1 =	simm.s32 $0x0;
	s0 =	simm.s32 $0x0;
	[tilespmem:s8+$0x2400] =	vst v0  }
.LBB2_2:
0x22: {  	s29 =	sand.u32 $0x70, s1;
	s30 =	sand.u32 $0xE00, s0  }
0x23: {  	s29 =	sor.u32 s29, s30  }
0x24: {  	v3 =	vld [tilespmem:s29+$0x1000]  }
0x25: {  	v5 =	vld [tilespmem:s29+$0x1080]  }
0x26: {  	v6 =	vld [tilespmem:s29+$0x1100];
	_ =	sdelay $0x3  }
0x27: {  	v4 =	vmul.f32 $-2.000000000e+00, v3;
	v2 =	vmul.f32 $-2.000000000e+00, v5  }
0x28: {  	v1 =	vmul.f32 $-2.000000000e+00, v6;
	v3 =	vmul.f32 v3, v3  }
0x29: {  	v5 =	vmul.f32 v5, v5;
	v6 =	vmul.f32 v6, v6  }
0x2a: {  	v7 =	vbroadcast v4, $0x0;
	v8 =	vbroadcast v4, $0x1  }
0x2b: {  	v11 =	vld [tilespmem:s9+$0x0];
	v9 =	vbroadcast v4, $0x2;
	v3 =	vadd.f32 v5, v3;
	v5 =	vbroadcast v4, $0x3  }
0x2c: {  	v15 =	vld [tilespmem:s9+$0x80];
	v10 =	vbroadcast v2, $0x0;
	v12 =	vbroadcast v2, $0x1  }
0x2d: {  	v13 =	vbroadcast v2, $0x2;
	v14 =	vbroadcast v1, $0x0  }
0x2e: {  	v20 =	vld [tilespmem:s9+$0x100];
	v16 =	vbroadcast v1, $0x1;
	v17 =	vbroadcast v1, $0x2  }
0x2f: {  	v18 =	vbroadcast v1, $0x3;
	v3 =	vadd.f32 v6, v3;
	v6 =	vbroadcast v2, $0x3  }
0x30: {  	v22 =	vmul.f32 v11, v7;
	v24 =	vmul.f32 v11, v8  }
0x31: {  	v26 =	vmul.f32 v15, v10;
	v27 =	vmul.f32 v15, v12  }
0x32: {  	v28 =	vmul.f32 v11, v9;
	v19 =	vbroadcast v3, $0x0  }
0x33: {  	v54 =	vmul.f32 v20, v14;
	v21 =	vbroadcast v3, $0x1  }
0x34: {  	v11 =	vmul.f32 v11, v5;
	v23 =	vbroadcast v3, $0x2;
	v22 =	vadd.f32 v19, v22  }
0x35: {  	v29 =	vld [tilespmem:s3+$0x2000];
	v56 =	vmul.f32 v15, v13;
	v25 =	vbroadcast v3, $0x3;
	v24 =	vadd.f32 v21, v24  }
0x36: {  	v30 =	vmul.f32 v20, v16;
	v55 =	vadd.f32 v23, v28;
	v22 =	vadd.f32 v22, v26  }
0x37: {  	v15 =	vmul.f32 v15, v6;
	v11 =	vadd.f32 v25, v11;
	v24 =	vadd.f32 v24, v27  }
0x38: {  	v58 =	vmul.f32 v20, v17;
	v57 =	vadd.f32 v55, v56;
	v22 =	vadd.f32 v22, v54  }
0x39: {  	v59 =	vmul.f32 v20, v18;
	v11 =	vadd.f32 v11, v15;
	v24 =	vadd.f32 v24, v30  }
0x3a: {  	v61 =	vadd.f32 v57, v58;
	v60 =	vmin.f32 v29, v22  }
0x3b: {  	v11 =	vadd.f32 v11, v59;
	v20 =	vmin.f32 v60, v24  }
0x3c: {  	v62 =	vmin.f32 v20, v61  }
0x3d: {  	v11 =	vmin.f32 v62, v11  }
0x3e: {  	[tilespmem:s3+$0x2000] =	vst v11  }
0x3f: {  	v11 =	vld [tilespmem:s10+$0x0]  }
0x40: {  	v63 =	vld [tilespmem:s10+$0x80]  }
0x41: {  	v33 =	vld [tilespmem:s10+$0x100];
	_ =	sdelay $0x2  }
0x42: {  	v34 =	vmul.f32 v11, v7;
	v35 =	vmul.f32 v11, v8  }
0x43: {  	v36 =	vmul.f32 v63, v10;
	v37 =	vmul.f32 v63, v12  }
0x44: {  	v38 =	vmul.f32 v11, v9;
	v40 =	vmul.f32 v33, v14;
	v22 =	vadd.f32 v34, v19  }
0x45: {  	v39 =	vld [tilespmem:s6+$0x2000];
	v11 =	vmul.f32 v11, v5;
	v42 =	vmul.f32 v63, v13;
	v24 =	vadd.f32 v35, v21  }
0x46: {  	v43 =	vmul.f32 v33, v16;
	v41 =	vadd.f32 v38, v23;
	v22 =	vadd.f32 v36, v22  }
0x47: {  	v15 =	vmul.f32 v63, v6;
	v11 =	vadd.f32 v11, v25;
	v24 =	vadd.f32 v37, v24  }
0x48: {  	v45 =	vmul.f32 v33, v17;
	v44 =	vadd.f32 v42, v41;
	v22 =	vadd.f32 v40, v22  }
0x49: {  	v46 =	vmul.f32 v33, v18;
	v11 =	vadd.f32 v15, v11;
	v24 =	vadd.f32 v43, v24  }
0x4a: {  	v48 =	vadd.f32 v45, v44;
	v47 =	vmin.f32 v39, v22  }
0x4b: {  	v11 =	vadd.f32 v46, v11;
	v20 =	vmin.f32 v47, v24  }
0x4c: {  	v49 =	vmin.f32 v20, v48  }
0x4d: {  	v11 =	vmin.f32 v49, v11  }
0x4e: {  	[tilespmem:s6+$0x2000] =	vst v11  }
0x4f: {  	v11 =	vld [tilespmem:s11+$0x0]  }
0x50: {  	v50 =	vld [tilespmem:s11+$0x80]  }
0x51: {  	v51 =	vld [tilespmem:s11+$0x100];
	_ =	sdelay $0x2  }
0x52: {  	v52 =	vmul.f32 v11, v7;
	v53 =	vmul.f32 v11, v8  }
0x53: {  	v54 =	vmul.f32 v50, v10;
	v55 =	vmul.f32 v50, v12  }
0x54: {  	v56 =	vmul.f32 v11, v9;
	v58 =	vmul.f32 v51, v14;
	v22 =	vadd.f32 v52, v19  }
0x55: {  	v57 =	vld [tilespmem:s7+$0x2000];
	v11 =	vmul.f32 v11, v5;
	v60 =	vmul.f32 v50, v13;
	v24 =	vadd.f32 v53, v21  }
0x56: {  	v61 =	vmul.f32 v51, v16;
	v59 =	vadd.f32 v56, v23;
	v22 =	vadd.f32 v54, v22  }
0x57: {  	v15 =	vmul.f32 v50, v6;
	v11 =	vadd.f32 v11, v25;
	v24 =	vadd.f32 v55, v24  }
0x58: {  	v63 =	vmul.f32 v51, v17;
	v62 =	vadd.f32 v60, v59;
	v22 =	vadd.f32 v58, v22  }
0x59: {  	v31 =	vmul.f32 v51, v18;
	v11 =	vadd.f32 v15, v11;
	v24 =	vadd.f32 v61, v24  }
0x5a: {  	v33 =	vadd.f32 v63, v62;
	v32 =	vmin.f32 v57, v22  }
0x5b: {  	v11 =	vadd.f32 v31, v11;
	v20 =	vmin.f32 v32, v24  }
0x5c: {  	v34 =	vmin.f32 v20, v33  }
0x5d: {  	v11 =	vmin.f32 v34, v11  }
0x5e: {  	[tilespmem:s7+$0x2000] =	vst v11  }
0x5f: {  	v11 =	vld [tilespmem:s12+$0x0]  }
0x60: {  	v35 =	vld [tilespmem:s12+$0x80]  }
0x61: {  	v36 =	vld [tilespmem:s12+$0x100];
	_ =	sdelay $0x2  }
0x62: {  	v7 =	vmul.f32 v11, v7;
	v8 =	vmul.f32 v11, v8  }
0x63: {  	v10 =	vmul.f32 v35, v10;
	v12 =	vmul.f32 v35, v12  }
0x64: {  	v9 =	vmul.f32 v11, v9;
	v38 =	vmul.f32 v36, v14;
	v7 =	vadd.f32 v7, v19  }
0x65: {  	v37 =	vld [tilespmem:s8+$0x2000];
	v5 =	vmul.f32 v11, v5;
	v39 =	vmul.f32 v35, v13;
	v8 =	vadd.f32 v8, v21  }
0x66: {  	v40 =	vmul.f32 v36, v16;
	v9 =	vadd.f32 v9, v23;
	v7 =	vadd.f32 v10, v7  }
0x67: {  	v6 =	vmul.f32 v35, v6;
	v5 =	vadd.f32 v5, v25;
	v8 =	vadd.f32 v12, v8  }
0x68: {  	v41 =	vmul.f32 v36, v17;
	v9 =	vadd.f32 v39, v9;
	v7 =	vadd.f32 v38, v7  }
0x69: {  	v42 =	vmul.f32 v36, v18;
	v5 =	vadd.f32 v6, v5;
	v8 =	vadd.f32 v40, v8  }
0x6a: {  	v9 =	vadd.f32 v41, v9;
	v7 =	vmin.f32 v37, v7  }
0x6b: {  	v5 =	vadd.f32 v42, v5;
	v7 =	vmin.f32 v7, v8  }
0x6c: {  	v11 =	vbroadcast v2, $0x5;
	v13 =	vbroadcast v2, $0x7;
	v43 =	vmin.f32 v7, v9  }
0x6d: {  	v14 =	vbroadcast v1, $0x4;
	v16 =	vbroadcast v1, $0x5;
	v5 =	vmin.f32 v43, v5  }
0x6e: {  	v17 =	vbroadcast v1, $0x6;
	v18 =	vbroadcast v1, $0x7;
	[tilespmem:s8+$0x2000] =	vst v5  }
0x6f: {  	v19 =	vbroadcast v3, $0x4;
	v21 =	vbroadcast v3, $0x5;
	v44 =	vld [tilespmem:s9+$0x0]  }
0x70: {  	v23 =	vbroadcast v3, $0x6;
	v25 =	vbroadcast v3, $0x7;
	v45 =	vld [tilespmem:s9+$0x80]  }
0x71: {  	v6 =	vbroadcast v4, $0x4;
	v12 =	vbroadcast v2, $0x6;
	v46 =	vld [tilespmem:s9+$0x100]  }
0x72: {  	v8 =	vbroadcast v4, $0x7;
	v5 =	vbroadcast v4, $0x5  }
0x73: {  	v7 =	vbroadcast v4, $0x6;
	v9 =	vbroadcast v2, $0x4  }
0x74: {  	v47 =	vmul.f32 v44, v6;
	v48 =	vmul.f32 v44, v5  }
0x75: {  	v49 =	vmul.f32 v45, v9;
	v50 =	vmul.f32 v45, v11  }
0x76: {  	v51 =	vmul.f32 v44, v7;
	v53 =	vmul.f32 v46, v14;
	v22 =	vadd.f32 v47, v19  }
0x77: {  	v52 =	vld [tilespmem:s3+$0x2000];
	v10 =	vmul.f32 v44, v8;
	v55 =	vmul.f32 v45, v12;
	v24 =	vadd.f32 v48, v21  }
0x78: {  	v56 =	vmul.f32 v46, v16;
	v54 =	vadd.f32 v51, v23;
	v22 =	vadd.f32 v49, v22  }
0x79: {  	v15 =	vmul.f32 v45, v13;
	v10 =	vadd.f32 v10, v25;
	v24 =	vadd.f32 v50, v24  }
0x7a: {  	v58 =	vmul.f32 v46, v17;
	v57 =	vadd.f32 v55, v54;
	v22 =	vadd.f32 v53, v22  }
0x7b: {  	v59 =	vmul.f32 v46, v18;
	v10 =	vadd.f32 v15, v10;
	v24 =	vadd.f32 v56, v24  }
0x7c: {  	v61 =	vadd.f32 v58, v57;
	v60 =	vmin.f32 v52, v22  }
0x7d: {  	v10 =	vadd.f32 v59, v10;
	v20 =	vmin.f32 v60, v24  }
0x7e: {  	v62 =	vmin.f32 v20, v61  }
0x7f: {  	v10 =	vmin.f32 v62, v10  }
0x80: {  	[tilespmem:s3+$0x2000] =	vst v10  }
0x81: {  	v10 =	vld [tilespmem:s10+$0x0]  }
0x82: {  	v63 =	vld [tilespmem:s10+$0x80]  }
0x83: {  	v33 =	vld [tilespmem:s10+$0x100];
	_ =	sdelay $0x2  }
0x84: {  	v34 =	vmul.f32 v10, v6;
	v35 =	vmul.f32 v10, v5  }
0x85: {  	v36 =	vmul.f32 v63, v9;
	v37 =	vmul.f32 v63, v11  }
0x86: {  	v38 =	vmul.f32 v10, v7;
	v40 =	vmul.f32 v33, v14;
	v22 =	vadd.f32 v34, v19  }
0x87: {  	v39 =	vld [tilespmem:s6+$0x2000];
	v10 =	vmul.f32 v10, v8;
	v42 =	vmul.f32 v63, v12;
	v24 =	vadd.f32 v35, v21  }
0x88: {  	v43 =	vmul.f32 v33, v16;
	v41 =	vadd.f32 v38, v23;
	v22 =	vadd.f32 v36, v22  }
0x89: {  	v15 =	vmul.f32 v63, v13;
	v10 =	vadd.f32 v10, v25;
	v24 =	vadd.f32 v37, v24  }
0x8a: {  	v45 =	vmul.f32 v33, v17;
	v44 =	vadd.f32 v42, v41;
	v22 =	vadd.f32 v40, v22  }
0x8b: {  	v46 =	vmul.f32 v33, v18;
	v10 =	vadd.f32 v15, v10;
	v24 =	vadd.f32 v43, v24  }
0x8c: {  	v48 =	vadd.f32 v45, v44;
	v47 =	vmin.f32 v39, v22  }
0x8d: {  	v10 =	vadd.f32 v46, v10;
	v20 =	vmin.f32 v47, v24  }
0x8e: {  	v49 =	vmin.f32 v20, v48  }
0x8f: {  	v10 =	vmin.f32 v49, v10  }
0x90: {  	[tilespmem:s6+$0x2000] =	vst v10  }
0x91: {  	v10 =	vld [tilespmem:s11+$0x0]  }
0x92: {  	v50 =	vld [tilespmem:s11+$0x80]  }
0x93: {  	v51 =	vld [tilespmem:s11+$0x100];
	_ =	sdelay $0x2  }
0x94: {  	v52 =	vmul.f32 v10, v6;
	v53 =	vmul.f32 v10, v5  }
0x95: {  	v54 =	vmul.f32 v50, v9;
	v55 =	vmul.f32 v50, v11  }
0x96: {  	v56 =	vmul.f32 v10, v7;
	v58 =	vmul.f32 v51, v14;
	v22 =	vadd.f32 v52, v19  }
0x97: {  	v57 =	vld [tilespmem:s7+$0x2000];
	v10 =	vmul.f32 v10, v8;
	v60 =	vmul.f32 v50, v12;
	v24 =	vadd.f32 v53, v21  }
0x98: {  	v61 =	vmul.f32 v51, v16;
	v59 =	vadd.f32 v56, v23;
	v22 =	vadd.f32 v54, v22  }
0x99: {  	v15 =	vmul.f32 v50, v13;
	v10 =	vadd.f32 v10, v25;
	v24 =	vadd.f32 v55, v24  }
0x9a: {  	v63 =	vmul.f32 v51, v17;
	v62 =	vadd.f32 v60, v59;
	v22 =	vadd.f32 v58, v22  }
0x9b: {  	v28 =	vmul.f32 v51, v18;
	v10 =	vadd.f32 v15, v10;
	v24 =	vadd.f32 v61, v24  }
0x9c: {  	v31 =	vadd.f32 v63, v62;
	v30 =	vmin.f32 v57, v22  }
0x9d: {  	v10 =	vadd.f32 v28, v10;
	v20 =	vmin.f32 v30, v24  }
0x9e: {  	v32 =	vmin.f32 v20, v31  }
0x9f: {  	v10 =	vmin.f32 v32, v10  }
0xa0: {  	[tilespmem:s7+$0x2000] =	vst v10  }
0xa1: {  	v10 =	vld [tilespmem:s12+$0x0]  }
0xa2: {  	v33 =	vld [tilespmem:s12+$0x80]  }
0xa3: {  	v34 =	vld [tilespmem:s12+$0x100];
	_ =	sdelay $0x2  }
0xa4: {  	v6 =	vmul.f32 v10, v6;
	v5 =	vmul.f32 v10, v5  }
0xa5: {  	v9 =	vmul.f32 v33, v9;
	v11 =	vmul.f32 v33, v11  }
0xa6: {  	v7 =	vmul.f32 v10, v7;
	v36 =	vmul.f32 v34, v14;
	v6 =	vadd.f32 v6, v19  }
0xa7: {  	v35 =	vld [tilespmem:s8+$0x2000];
	v8 =	vmul.f32 v10, v8;
	v37 =	vmul.f32 v33, v12;
	v5 =	vadd.f32 v5, v21  }
0xa8: {  	v38 =	vmul.f32 v34, v16;
	v7 =	vadd.f32 v7, v23;
	v6 =	vadd.f32 v9, v6  }
0xa9: {  	v39 =	vmul.f32 v33, v13;
	v8 =	vadd.f32 v8, v25;
	v5 =	vadd.f32 v11, v5  }
0xaa: {  	v40 =	vmul.f32 v34, v17;
	v7 =	vadd.f32 v37, v7;
	v6 =	vadd.f32 v36, v6  }
0xab: {  	v41 =	vmul.f32 v34, v18;
	v8 =	vadd.f32 v39, v8;
	v5 =	vadd.f32 v38, v5  }
0xac: {  	v7 =	vadd.f32 v40, v7;
	v6 =	vmin.f32 v35, v6  }
0xad: {  	v42 =	vadd.f32 v41, v8;
	v5 =	vmin.f32 v6, v5  }
0xae: {  	v12 =	vbroadcast v2, $0xA;
	v13 =	vbroadcast v2, $0xB;
	v5 =	vmin.f32 v5, v7  }
0xaf: {  	v14 =	vbroadcast v1, $0x8;
	v16 =	vbroadcast v1, $0x9;
	v5 =	vmin.f32 v5, v42  }
0xb0: {  	v17 =	vbroadcast v1, $0xA;
	v18 =	vbroadcast v1, $0xB;
	[tilespmem:s8+$0x2000] =	vst v5  }
0xb1: {  	v19 =	vbroadcast v3, $0x8;
	v21 =	vbroadcast v3, $0x9;
	v43 =	vld [tilespmem:s9+$0x0]  }
0xb2: {  	v23 =	vbroadcast v3, $0xA;
	v25 =	vbroadcast v3, $0xB;
	v44 =	vld [tilespmem:s9+$0x80]  }
0xb3: {  	v9 =	vbroadcast v2, $0x8;
	v11 =	vbroadcast v2, $0x9;
	v45 =	vld [tilespmem:s9+$0x100]  }
0xb4: {  	v6 =	vbroadcast v4, $0x8;
	v5 =	vbroadcast v4, $0x9  }
0xb5: {  	v8 =	vbroadcast v4, $0xB;
	v7 =	vbroadcast v4, $0xA  }
0xb6: {  	v46 =	vmul.f32 v43, v6;
	v47 =	vmul.f32 v43, v5  }
0xb7: {  	v48 =	vmul.f32 v44, v9;
	v49 =	vmul.f32 v44, v11  }
0xb8: {  	v50 =	vmul.f32 v43, v7;
	v52 =	vmul.f32 v45, v14;
	v22 =	vadd.f32 v46, v19  }
0xb9: {  	v51 =	vld [tilespmem:s3+$0x2000];
	v10 =	vmul.f32 v43, v8;
	v54 =	vmul.f32 v44, v12;
	v24 =	vadd.f32 v47, v21  }
0xba: {  	v55 =	vmul.f32 v45, v16;
	v53 =	vadd.f32 v50, v23;
	v22 =	vadd.f32 v48, v22  }
0xbb: {  	v15 =	vmul.f32 v44, v13;
	v10 =	vadd.f32 v10, v25;
	v24 =	vadd.f32 v49, v24  }
0xbc: {  	v57 =	vmul.f32 v45, v17;
	v56 =	vadd.f32 v54, v53;
	v22 =	vadd.f32 v52, v22  }
0xbd: {  	v58 =	vmul.f32 v45, v18;
	v10 =	vadd.f32 v15, v10;
	v24 =	vadd.f32 v55, v24  }
0xbe: {  	v60 =	vadd.f32 v57, v56;
	v59 =	vmin.f32 v51, v22  }
0xbf: {  	v10 =	vadd.f32 v58, v10;
	v20 =	vmin.f32 v59, v24  }
0xc0: {  	v61 =	vmin.f32 v20, v60  }
0xc1: {  	v10 =	vmin.f32 v61, v10  }
0xc2: {  	[tilespmem:s3+$0x2000] =	vst v10  }
0xc3: {  	v10 =	vld [tilespmem:s10+$0x0]  }
0xc4: {  	v62 =	vld [tilespmem:s10+$0x80]  }
0xc5: {  	v63 =	vld [tilespmem:s10+$0x100];
	_ =	sdelay $0x2  }
0xc6: {  	v31 =	vmul.f32 v10, v6;
	v32 =	vmul.f32 v10, v5  }
0xc7: {  	v33 =	vmul.f32 v62, v9;
	v34 =	vmul.f32 v62, v11  }
0xc8: {  	v35 =	vmul.f32 v10, v7;
	v37 =	vmul.f32 v63, v14;
	v22 =	vadd.f32 v31, v19  }
0xc9: {  	v36 =	vld [tilespmem:s6+$0x2000];
	v10 =	vmul.f32 v10, v8;
	v39 =	vmul.f32 v62, v12;
	v24 =	vadd.f32 v32, v21  }
0xca: {  	v40 =	vmul.f32 v63, v16;
	v38 =	vadd.f32 v35, v23;
	v22 =	vadd.f32 v33, v22  }
0xcb: {  	v15 =	vmul.f32 v62, v13;
	v10 =	vadd.f32 v10, v25;
	v24 =	vadd.f32 v34, v24  }
0xcc: {  	v42 =	vmul.f32 v63, v17;
	v41 =	vadd.f32 v39, v38;
	v22 =	vadd.f32 v37, v22  }
0xcd: {  	v43 =	vmul.f32 v63, v18;
	v10 =	vadd.f32 v15, v10;
	v24 =	vadd.f32 v40, v24  }
0xce: {  	v45 =	vadd.f32 v42, v41;
	v44 =	vmin.f32 v36, v22  }
0xcf: {  	v10 =	vadd.f32 v43, v10;
	v20 =	vmin.f32 v44, v24  }
0xd0: {  	v46 =	vmin.f32 v20, v45  }
0xd1: {  	v10 =	vmin.f32 v46, v10  }
0xd2: {  	[tilespmem:s6+$0x2000] =	vst v10  }
0xd3: {  	v10 =	vld [tilespmem:s11+$0x0]  }
0xd4: {  	v47 =	vld [tilespmem:s11+$0x80]  }
0xd5: {  	v48 =	vld [tilespmem:s11+$0x100];
	_ =	sdelay $0x2  }
0xd6: {  	v49 =	vmul.f32 v10, v6;
	v50 =	vmul.f32 v10, v5  }
0xd7: {  	v51 =	vmul.f32 v47, v9;
	v52 =	vmul.f32 v47, v11  }
0xd8: {  	v53 =	vmul.f32 v10, v7;
	v55 =	vmul.f32 v48, v14;
	v22 =	vadd.f32 v49, v19  }
0xd9: {  	v54 =	vld [tilespmem:s7+$0x2000];
	v10 =	vmul.f32 v10, v8;
	v57 =	vmul.f32 v47, v12;
	v24 =	vadd.f32 v50, v21  }
0xda: {  	v58 =	vmul.f32 v48, v16;
	v56 =	vadd.f32 v53, v23;
	v22 =	vadd.f32 v51, v22  }
0xdb: {  	v15 =	vmul.f32 v47, v13;
	v10 =	vadd.f32 v10, v25;
	v24 =	vadd.f32 v52, v24  }
0xdc: {  	v60 =	vmul.f32 v48, v17;
	v59 =	vadd.f32 v57, v56;
	v22 =	vadd.f32 v55, v22  }
0xdd: {  	v61 =	vmul.f32 v48, v18;
	v10 =	vadd.f32 v15, v10;
	v24 =	vadd.f32 v58, v24  }
0xde: {  	v63 =	vadd.f32 v60, v59;
	v62 =	vmin.f32 v54, v22  }
0xdf: {  	v10 =	vadd.f32 v61, v10;
	v20 =	vmin.f32 v62, v24  }
0xe0: {  	v22 =	vmin.f32 v20, v63  }
0xe1: {  	v10 =	vmin.f32 v22, v10  }
0xe2: {  	[tilespmem:s7+$0x2000] =	vst v10  }
0xe3: {  	v10 =	vld [tilespmem:s12+$0x0]  }
0xe4: {  	v24 =	vld [tilespmem:s12+$0x80]  }
0xe5: {  	v26 =	vld [tilespmem:s12+$0x100];
	_ =	sdelay $0x2  }
0xe6: {  	v6 =	vmul.f32 v10, v6;
	v5 =	vmul.f32 v10, v5  }
0xe7: {  	v9 =	vmul.f32 v24, v9;
	v11 =	vmul.f32 v24, v11  }
0xe8: {  	v7 =	vmul.f32 v10, v7;
	v28 =	vmul.f32 v26, v14;
	v6 =	vadd.f32 v6, v19  }
0xe9: {  	v27 =	vld [tilespmem:s8+$0x2000];
	v8 =	vmul.f32 v10, v8;
	v29 =	vmul.f32 v24, v12;
	v5 =	vadd.f32 v5, v21  }
0xea: {  	v30 =	vmul.f32 v26, v16;
	v7 =	vadd.f32 v7, v23;
	v6 =	vadd.f32 v9, v6  }
0xeb: {  	v31 =	vmul.f32 v24, v13;
	v8 =	vadd.f32 v8, v25;
	v5 =	vadd.f32 v11, v5  }
0xec: {  	v32 =	vmul.f32 v26, v17;
	v7 =	vadd.f32 v29, v7;
	v6 =	vadd.f32 v28, v6  }
0xed: {  	v33 =	vmul.f32 v26, v18;
	v8 =	vadd.f32 v31, v8;
	v5 =	vadd.f32 v30, v5  }
0xee: {  	v7 =	vadd.f32 v32, v7;
	v6 =	vmin.f32 v27, v6  }
0xef: {  	v34 =	vadd.f32 v33, v8;
	v5 =	vmin.f32 v6, v5  }
0xf0: {  	v15 =	vbroadcast v1, $0xE;
	v20 =	vbroadcast v3, $0xE;
	v5 =	vmin.f32 v5, v7  }
0xf1: {  	v10 =	vbroadcast v2, $0xD;
	v12 =	vbroadcast v1, $0xC;
	v5 =	vmin.f32 v5, v34  }
0xf2: {  	v14 =	vbroadcast v1, $0xD;
	v1 =	vbroadcast v1, $0xF;
	[tilespmem:s8+$0x2000] =	vst v5  }
0xf3: {  	v16 =	vbroadcast v3, $0xC;
	v18 =	vbroadcast v3, $0xD;
	v35 =	vld [tilespmem:s9+$0x0]  }
0xf4: {  	v3 =	vbroadcast v3, $0xF;
	v11 =	vbroadcast v2, $0xE;
	v36 =	vld [tilespmem:s9+$0x80]  }
0xf5: {  	v8 =	vbroadcast v2, $0xC;
	v2 =	vbroadcast v2, $0xF;
	v37 =	vld [tilespmem:s9+$0x100]  }
0xf6: {  	v6 =	vbroadcast v4, $0xC;
	v5 =	vbroadcast v4, $0xD  }
0xf7: {  	v7 =	vbroadcast v4, $0xE;
	v4 =	vbroadcast v4, $0xF  }
0xf8: {  	v38 =	vmul.f32 v35, v6;
	v39 =	vmul.f32 v35, v5  }
0xf9: {  	v40 =	vmul.f32 v36, v8;
	v41 =	vmul.f32 v36, v10  }
0xfa: {  	v42 =	vmul.f32 v35, v7;
	v44 =	vmul.f32 v37, v12;
	v19 =	vadd.f32 v38, v16  }
0xfb: {  	v43 =	vld [tilespmem:s3+$0x2000];
	v9 =	vmul.f32 v35, v4;
	v46 =	vmul.f32 v36, v11;
	v21 =	vadd.f32 v39, v18  }
0xfc: {  	v47 =	vmul.f32 v37, v14;
	v45 =	vadd.f32 v42, v20;
	v19 =	vadd.f32 v40, v19  }
0xfd: {  	v13 =	vmul.f32 v36, v2;
	v9 =	vadd.f32 v9, v3;
	v21 =	vadd.f32 v41, v21  }
0xfe: {  	v49 =	vmul.f32 v37, v15;
	v48 =	vadd.f32 v46, v45;
	v19 =	vadd.f32 v44, v19  }
0xff: {  	v50 =	vmul.f32 v37, v1;
	v9 =	vadd.f32 v13, v9;
	v21 =	vadd.f32 v47, v21  }
0x100: {  	v52 =	vadd.f32 v49, v48;
	v51 =	vmin.f32 v43, v19  }
0x101: {  	v9 =	vadd.f32 v50, v9;
	v17 =	vmin.f32 v51, v21  }
0x102: {  	v53 =	vmin.f32 v17, v52  }
0x103: {  	v9 =	vmin.f32 v53, v9  }
0x104: {  	[tilespmem:s3+$0x2000] =	vst v9  }
0x105: {  	v9 =	vld [tilespmem:s10+$0x0]  }
0x106: {  	v54 =	vld [tilespmem:s10+$0x80]  }
0x107: {  	v55 =	vld [tilespmem:s10+$0x100];
	_ =	sdelay $0x2  }
0x108: {  	v56 =	vmul.f32 v9, v6;
	v57 =	vmul.f32 v9, v5  }
0x109: {  	v58 =	vmul.f32 v54, v8;
	v59 =	vmul.f32 v54, v10  }
0x10a: {  	v60 =	vmul.f32 v9, v7;
	v62 =	vmul.f32 v55, v12;
	v19 =	vadd.f32 v56, v16  }
0x10b: {  	v61 =	vld [tilespmem:s6+$0x2000];
	v9 =	vmul.f32 v9, v4;
	v28 =	vmul.f32 v54, v11;
	v21 =	vadd.f32 v57, v18  }
0x10c: {  	v29 =	vmul.f32 v55, v14;
	v63 =	vadd.f32 v60, v20;
	v19 =	vadd.f32 v58, v19  }
0x10d: {  	v13 =	vmul.f32 v54, v2;
	v9 =	vadd.f32 v9, v3;
	v21 =	vadd.f32 v59, v21  }
0x10e: {  	v31 =	vmul.f32 v55, v15;
	v30 =	vadd.f32 v28, v63;
	v19 =	vadd.f32 v62, v19  }
0x10f: {  	v32 =	vmul.f32 v55, v1;
	v9 =	vadd.f32 v13, v9;
	v21 =	vadd.f32 v29, v21  }
0x110: {  	v34 =	vadd.f32 v31, v30;
	v33 =	vmin.f32 v61, v19  }
0x111: {  	v9 =	vadd.f32 v32, v9;
	v17 =	vmin.f32 v33, v21  }
0x112: {  	v35 =	vmin.f32 v17, v34  }
0x113: {  	v9 =	vmin.f32 v35, v9  }
0x114: {  	[tilespmem:s6+$0x2000] =	vst v9  }
0x115: {  	v9 =	vld [tilespmem:s11+$0x0]  }
0x116: {  	v36 =	vld [tilespmem:s11+$0x80]  }
0x117: {  	v37 =	vld [tilespmem:s11+$0x100];
	_ =	sdelay $0x2  }
0x118: {  	v38 =	vmul.f32 v9, v6;
	v39 =	vmul.f32 v9, v5  }
0x119: {  	v40 =	vmul.f32 v36, v8;
	v41 =	vmul.f32 v36, v10  }
0x11a: {  	v42 =	vmul.f32 v9, v7;
	v44 =	vmul.f32 v37, v12;
	v19 =	vadd.f32 v38, v16  }
0x11b: {  	v43 =	vld [tilespmem:s7+$0x2000];
	v9 =	vmul.f32 v9, v4;
	v46 =	vmul.f32 v36, v11;
	v21 =	vadd.f32 v39, v18  }
0x11c: {  	v47 =	vmul.f32 v37, v14;
	v45 =	vadd.f32 v42, v20;
	v19 =	vadd.f32 v40, v19  }
0x11d: {  	v13 =	vmul.f32 v36, v2;
	v9 =	vadd.f32 v9, v3;
	v21 =	vadd.f32 v41, v21  }
0x11e: {  	v49 =	vmul.f32 v37, v15;
	v48 =	vadd.f32 v46, v45;
	v19 =	vadd.f32 v44, v19  }
0x11f: {  	v50 =	vmul.f32 v37, v1;
	v9 =	vadd.f32 v13, v9;
	v21 =	vadd.f32 v47, v21  }
0x120: {  	v52 =	vadd.f32 v49, v48;
	v51 =	vmin.f32 v43, v19  }
0x121: {  	v9 =	vadd.f32 v50, v9;
	v17 =	vmin.f32 v51, v21  }
0x122: {  	v53 =	vmin.f32 v17, v52  }
0x123: {  	v9 =	vmin.f32 v53, v9  }
0x124: {  	[tilespmem:s7+$0x2000] =	vst v9  }
0x125: {  	v9 =	vld [tilespmem:s12+$0x0]  }
0x126: {  	v54 =	vld [tilespmem:s12+$0x80]  }
0x127: {  	v55 =	vld [tilespmem:s12+$0x100];
	_ =	sdelay $0x2  }
0x128: {  	v6 =	vmul.f32 v9, v6;
	v5 =	vmul.f32 v9, v5  }
0x129: {  	v8 =	vmul.f32 v54, v8;
	v10 =	vmul.f32 v54, v10  }
0x12a: {  	v7 =	vmul.f32 v9, v7;
	v57 =	vmul.f32 v55, v12;
	v6 =	vadd.f32 v6, v16  }
0x12b: {  	v56 =	vld [tilespmem:s8+$0x2000];
	v4 =	vmul.f32 v9, v4;
	v58 =	vmul.f32 v54, v11;
	v5 =	vadd.f32 v5, v18  }
0x12c: {  	v59 =	vmul.f32 v55, v14;
	v7 =	vadd.f32 v7, v20;
	v6 =	vadd.f32 v8, v6  }
0x12d: {  	v2 =	vmul.f32 v54, v2;
	v3 =	vadd.f32 v4, v3;
	v5 =	vadd.f32 v10, v5  }
0x12e: {  	v62 =	vmul.f32 v55, v15;
	v61 =	vadd.f32 v58, v7;
	v60 =	vadd.f32 v57, v6  }
0x12f: {  	p0 =	sne.s32 s1, $0x3F0;
	v1 =	vmul.f32 v55, v1;
	v2 =	vadd.f32 v2, v3;
	v5 =	vadd.f32 v59, v5  }
.Ltmp0:
0x130: {  	v63 =	vadd.f32 v62, v61;
	v3 =	vmin.f32 v56, v60;
	(pc) =	sbr.rel @p0 .LBB2_2-.Ltmp0, $4  }
0x131: {  	v1 =	vadd.f32 v1, v2;
	v3 =	vmin.f32 v3, v5  }
0x132: {  	v2 =	vmin.f32 v3, v63  }
0x133: {  	v1 =	vmin.f32 v2, v1  }
0x134: {  	s0 =	sadd.s32 $0x40, s0;
	s1 =	sadd.s32 $0x10, s1;
	[tilespmem:s8+$0x2000] =	vst v1  }
0x135: {  	s0 =	simm.s32 $0x0;
	s1 =	simm.s32 $0x0  }
.LBB2_4:
0x136: {  	s29 =	sand.u32 $0x70, s1;
	s30 =	sand.u32 $0xE00, s0  }
0x137: {  	s29 =	sor.u32 s29, s30  }
0x138: {  	v3 =	vld [tilespmem:s29+$0x0]  }
0x139: {  	v5 =	vld [tilespmem:s29+$0x80]  }
0x13a: {  	v6 =	vld [tilespmem:s29+$0x100];
	_ =	sdelay $0x3  }
0x13b: {  	v4 =	vmul.f32 $-2.000000000e+00, v3;
	v2 =	vmul.f32 $-2.000000000e+00, v5  }
0x13c: {  	v1 =	vmul.f32 $-2.000000000e+00, v6;
	v3 =	vmul.f32 v3, v3  }
0x13d: {  	v5 =	vmul.f32 v5, v5;
	v6 =	vmul.f32 v6, v6  }
0x13e: {  	v7 =	vbroadcast v4, $0x0;
	v8 =	vbroadcast v4, $0x1  }
0x13f: {  	v11 =	vld [tilespmem:s13+$0x0];
	v9 =	vbroadcast v4, $0x2;
	v3 =	vadd.f32 v5, v3;
	v5 =	vbroadcast v4, $0x3  }
0x140: {  	v15 =	vld [tilespmem:s13+$0x80];
	v10 =	vbroadcast v2, $0x0;
	v12 =	vbroadcast v2, $0x1  }
0x141: {  	v13 =	vbroadcast v2, $0x2;
	v14 =	vbroadcast v1, $0x0  }
0x142: {  	v20 =	vld [tilespmem:s13+$0x100];
	v16 =	vbroadcast v1, $0x1;
	v17 =	vbroadcast v1, $0x2  }
0x143: {  	v18 =	vbroadcast v1, $0x3;
	v3 =	vadd.f32 v6, v3;
	v6 =	vbroadcast v2, $0x3  }
0x144: {  	v22 =	vmul.f32 v11, v7;
	v24 =	vmul.f32 v11, v8  }
0x145: {  	v26 =	vmul.f32 v15, v10;
	v27 =	vmul.f32 v15, v12  }
0x146: {  	v28 =	vmul.f32 v11, v9;
	v19 =	vbroadcast v3, $0x0  }
0x147: {  	v54 =	vmul.f32 v20, v14;
	v21 =	vbroadcast v3, $0x1  }
0x148: {  	v11 =	vmul.f32 v11, v5;
	v23 =	vbroadcast v3, $0x2;
	v22 =	vadd.f32 v19, v22  }
0x149: {  	v29 =	vld [tilespmem:s3+$0x2400];
	v56 =	vmul.f32 v15, v13;
	v25 =	vbroadcast v3, $0x3;
	v24 =	vadd.f32 v21, v24  }
0x14a: {  	v30 =	vmul.f32 v20, v16;
	v55 =	vadd.f32 v23, v28;
	v22 =	vadd.f32 v22, v26  }
0x14b: {  	v15 =	vmul.f32 v15, v6;
	v11 =	vadd.f32 v25, v11;
	v24 =	vadd.f32 v24, v27  }
0x14c: {  	v58 =	vmul.f32 v20, v17;
	v57 =	vadd.f32 v55, v56;
	v22 =	vadd.f32 v22, v54  }
0x14d: {  	v59 =	vmul.f32 v20, v18;
	v11 =	vadd.f32 v11, v15;
	v24 =	vadd.f32 v24, v30  }
0x14e: {  	v61 =	vadd.f32 v57, v58;
	v60 =	vmin.f32 v29, v22  }
0x14f: {  	v11 =	vadd.f32 v11, v59;
	v20 =	vmin.f32 v60, v24  }
0x150: {  	v62 =	vmin.f32 v20, v61  }
0x151: {  	v11 =	vmin.f32 v62, v11  }
0x152: {  	[tilespmem:s3+$0x2400] =	vst v11  }
0x153: {  	v11 =	vld [tilespmem:s14+$0x0]  }
0x154: {  	v63 =	vld [tilespmem:s14+$0x80]  }
0x155: {  	v33 =	vld [tilespmem:s14+$0x100];
	_ =	sdelay $0x2  }
0x156: {  	v34 =	vmul.f32 v11, v7;
	v35 =	vmul.f32 v11, v8  }
0x157: {  	v36 =	vmul.f32 v63, v10;
	v37 =	vmul.f32 v63, v12  }
0x158: {  	v38 =	vmul.f32 v11, v9;
	v40 =	vmul.f32 v33, v14;
	v22 =	vadd.f32 v34, v19  }
0x159: {  	v39 =	vld [tilespmem:s6+$0x2400];
	v11 =	vmul.f32 v11, v5;
	v42 =	vmul.f32 v63, v13;
	v24 =	vadd.f32 v35, v21  }
0x15a: {  	v43 =	vmul.f32 v33, v16;
	v41 =	vadd.f32 v38, v23;
	v22 =	vadd.f32 v36, v22  }
0x15b: {  	v15 =	vmul.f32 v63, v6;
	v11 =	vadd.f32 v11, v25;
	v24 =	vadd.f32 v37, v24  }
0x15c: {  	v45 =	vmul.f32 v33, v17;
	v44 =	vadd.f32 v42, v41;
	v22 =	vadd.f32 v40, v22  }
0x15d: {  	v46 =	vmul.f32 v33, v18;
	v11 =	vadd.f32 v15, v11;
	v24 =	vadd.f32 v43, v24  }
0x15e: {  	v48 =	vadd.f32 v45, v44;
	v47 =	vmin.f32 v39, v22  }
0x15f: {  	v11 =	vadd.f32 v46, v11;
	v20 =	vmin.f32 v47, v24  }
0x160: {  	v49 =	vmin.f32 v20, v48  }
0x161: {  	v11 =	vmin.f32 v49, v11  }
0x162: {  	[tilespmem:s6+$0x2400] =	vst v11  }
0x163: {  	v11 =	vld [tilespmem:s15+$0x0]  }
0x164: {  	v50 =	vld [tilespmem:s15+$0x80]  }
0x165: {  	v51 =	vld [tilespmem:s15+$0x100];
	_ =	sdelay $0x2  }
0x166: {  	v52 =	vmul.f32 v11, v7;
	v53 =	vmul.f32 v11, v8  }
0x167: {  	v54 =	vmul.f32 v50, v10;
	v55 =	vmul.f32 v50, v12  }
0x168: {  	v56 =	vmul.f32 v11, v9;
	v58 =	vmul.f32 v51, v14;
	v22 =	vadd.f32 v52, v19  }
0x169: {  	v57 =	vld [tilespmem:s7+$0x2400];
	v11 =	vmul.f32 v11, v5;
	v60 =	vmul.f32 v50, v13;
	v24 =	vadd.f32 v53, v21  }
0x16a: {  	v61 =	vmul.f32 v51, v16;
	v59 =	vadd.f32 v56, v23;
	v22 =	vadd.f32 v54, v22  }
0x16b: {  	v15 =	vmul.f32 v50, v6;
	v11 =	vadd.f32 v11, v25;
	v24 =	vadd.f32 v55, v24  }
0x16c: {  	v63 =	vmul.f32 v51, v17;
	v62 =	vadd.f32 v60, v59;
	v22 =	vadd.f32 v58, v22  }
0x16d: {  	v31 =	vmul.f32 v51, v18;
	v11 =	vadd.f32 v15, v11;
	v24 =	vadd.f32 v61, v24  }
0x16e: {  	v33 =	vadd.f32 v63, v62;
	v32 =	vmin.f32 v57, v22  }
0x16f: {  	v11 =	vadd.f32 v31, v11;
	v20 =	vmin.f32 v32, v24  }
0x170: {  	v34 =	vmin.f32 v20, v33  }
0x171: {  	v11 =	vmin.f32 v34, v11  }
0x172: {  	[tilespmem:s7+$0x2400] =	vst v11  }
0x173: {  	v11 =	vld [tilespmem:s16+$0x0]  }
0x174: {  	v35 =	vld [tilespmem:s16+$0x80]  }
0x175: {  	v36 =	vld [tilespmem:s16+$0x100];
	_ =	sdelay $0x2  }
0x176: {  	v7 =	vmul.f32 v11, v7;
	v8 =	vmul.f32 v11, v8  }
0x177: {  	v10 =	vmul.f32 v35, v10;
	v12 =	vmul.f32 v35, v12  }
0x178: {  	v9 =	vmul.f32 v11, v9;
	v38 =	vmul.f32 v36, v14;
	v7 =	vadd.f32 v7, v19  }
0x179: {  	v37 =	vld [tilespmem:s8+$0x2400];
	v5 =	vmul.f32 v11, v5;
	v39 =	vmul.f32 v35, v13;
	v8 =	vadd.f32 v8, v21  }
0x17a: {  	v40 =	vmul.f32 v36, v16;
	v9 =	vadd.f32 v9, v23;
	v7 =	vadd.f32 v10, v7  }
0x17b: {  	v6 =	vmul.f32 v35, v6;
	v5 =	vadd.f32 v5, v25;
	v8 =	vadd.f32 v12, v8  }
0x17c: {  	v41 =	vmul.f32 v36, v17;
	v9 =	vadd.f32 v39, v9;
	v7 =	vadd.f32 v38, v7  }
0x17d: {  	v42 =	vmul.f32 v36, v18;
	v5 =	vadd.f32 v6, v5;
	v8 =	vadd.f32 v40, v8  }
0x17e: {  	v9 =	vadd.f32 v41, v9;
	v7 =	vmin.f32 v37, v7  }
0x17f: {  	v5 =	vadd.f32 v42, v5;
	v7 =	vmin.f32 v7, v8  }
0x180: {  	v11 =	vbroadcast v2, $0x5;
	v13 =	vbroadcast v2, $0x7;
	v43 =	vmin.f32 v7, v9  }
0x181: {  	v14 =	vbroadcast v1, $0x4;
	v16 =	vbroadcast v1, $0x5;
	v5 =	vmin.f32 v43, v5  }
0x182: {  	v17 =	vbroadcast v1, $0x6;
	v18 =	vbroadcast v1, $0x7;
	[tilespmem:s8+$0x2400] =	vst v5  }
0x183: {  	v19 =	vbroadcast v3, $0x4;
	v21 =	vbroadcast v3, $0x5;
	v44 =	vld [tilespmem:s13+$0x0]  }
0x184: {  	v23 =	vbroadcast v3, $0x6;
	v25 =	vbroadcast v3, $0x7;
	v45 =	vld [tilespmem:s13+$0x80]  }
0x185: {  	v6 =	vbroadcast v4, $0x4;
	v12 =	vbroadcast v2, $0x6;
	v46 =	vld [tilespmem:s13+$0x100]  }
0x186: {  	v8 =	vbroadcast v4, $0x7;
	v5 =	vbroadcast v4, $0x5  }
0x187: {  	v7 =	vbroadcast v4, $0x6;
	v9 =	vbroadcast v2, $0x4  }
0x188: {  	v47 =	vmul.f32 v44, v6;
	v48 =	vmul.f32 v44, v5  }
0x189: {  	v49 =	vmul.f32 v45, v9;
	v50 =	vmul.f32 v45, v11  }
0x18a: {  	v51 =	vmul.f32 v44, v7;
	v53 =	vmul.f32 v46, v14;
	v22 =	vadd.f32 v47, v19  }
0x18b: {  	v52 =	vld [tilespmem:s3+$0x2400];
	v10 =	vmul.f32 v44, v8;
	v55 =	vmul.f32 v45, v12;
	v24 =	vadd.f32 v48, v21  }
0x18c: {  	v56 =	vmul.f32 v46, v16;
	v54 =	vadd.f32 v51, v23;
	v22 =	vadd.f32 v49, v22  }
0x18d: {  	v15 =	vmul.f32 v45, v13;
	v10 =	vadd.f32 v10, v25;
	v24 =	vadd.f32 v50, v24  }
0x18e: {  	v58 =	vmul.f32 v46, v17;
	v57 =	vadd.f32 v55, v54;
	v22 =	vadd.f32 v53, v22  }
0x18f: {  	v59 =	vmul.f32 v46, v18;
	v10 =	vadd.f32 v15, v10;
	v24 =	vadd.f32 v56, v24  }
0x190: {  	v61 =	vadd.f32 v58, v57;
	v60 =	vmin.f32 v52, v22  }
0x191: {  	v10 =	vadd.f32 v59, v10;
	v20 =	vmin.f32 v60, v24  }
0x192: {  	v62 =	vmin.f32 v20, v61  }
0x193: {  	v10 =	vmin.f32 v62, v10  }
0x194: {  	[tilespmem:s3+$0x2400] =	vst v10  }
0x195: {  	v10 =	vld [tilespmem:s14+$0x0]  }
0x196: {  	v63 =	vld [tilespmem:s14+$0x80]  }
0x197: {  	v33 =	vld [tilespmem:s14+$0x100];
	_ =	sdelay $0x2  }
0x198: {  	v34 =	vmul.f32 v10, v6;
	v35 =	vmul.f32 v10, v5  }
0x199: {  	v36 =	vmul.f32 v63, v9;
	v37 =	vmul.f32 v63, v11  }
0x19a: {  	v38 =	vmul.f32 v10, v7;
	v40 =	vmul.f32 v33, v14;
	v22 =	vadd.f32 v34, v19  }
0x19b: {  	v39 =	vld [tilespmem:s6+$0x2400];
	v10 =	vmul.f32 v10, v8;
	v42 =	vmul.f32 v63, v12;
	v24 =	vadd.f32 v35, v21  }
0x19c: {  	v43 =	vmul.f32 v33, v16;
	v41 =	vadd.f32 v38, v23;
	v22 =	vadd.f32 v36, v22  }
0x19d: {  	v15 =	vmul.f32 v63, v13;
	v10 =	vadd.f32 v10, v25;
	v24 =	vadd.f32 v37, v24  }
0x19e: {  	v45 =	vmul.f32 v33, v17;
	v44 =	vadd.f32 v42, v41;
	v22 =	vadd.f32 v40, v22  }
0x19f: {  	v46 =	vmul.f32 v33, v18;
	v10 =	vadd.f32 v15, v10;
	v24 =	vadd.f32 v43, v24  }
0x1a0: {  	v48 =	vadd.f32 v45, v44;
	v47 =	vmin.f32 v39, v22  }
0x1a1: {  	v10 =	vadd.f32 v46, v10;
	v20 =	vmin.f32 v47, v24  }
0x1a2: {  	v49 =	vmin.f32 v20, v48  }
0x1a3: {  	v10 =	vmin.f32 v49, v10  }
0x1a4: {  	[tilespmem:s6+$0x2400] =	vst v10  }
0x1a5: {  	v10 =	vld [tilespmem:s15+$0x0]  }
0x1a6: {  	v50 =	vld [tilespmem:s15+$0x80]  }
0x1a7: {  	v51 =	vld [tilespmem:s15+$0x100];
	_ =	sdelay $0x2  }
0x1a8: {  	v52 =	vmul.f32 v10, v6;
	v53 =	vmul.f32 v10, v5  }
0x1a9: {  	v54 =	vmul.f32 v50, v9;
	v55 =	vmul.f32 v50, v11  }
0x1aa: {  	v56 =	vmul.f32 v10, v7;
	v58 =	vmul.f32 v51, v14;
	v22 =	vadd.f32 v52, v19  }
0x1ab: {  	v57 =	vld [tilespmem:s7+$0x2400];
	v10 =	vmul.f32 v10, v8;
	v60 =	vmul.f32 v50, v12;
	v24 =	vadd.f32 v53, v21  }
0x1ac: {  	v61 =	vmul.f32 v51, v16;
	v59 =	vadd.f32 v56, v23;
	v22 =	vadd.f32 v54, v22  }
0x1ad: {  	v15 =	vmul.f32 v50, v13;
	v10 =	vadd.f32 v10, v25;
	v24 =	vadd.f32 v55, v24  }
0x1ae: {  	v63 =	vmul.f32 v51, v17;
	v62 =	vadd.f32 v60, v59;
	v22 =	vadd.f32 v58, v22  }
0x1af: {  	v28 =	vmul.f32 v51, v18;
	v10 =	vadd.f32 v15, v10;
	v24 =	vadd.f32 v61, v24  }
0x1b0: {  	v31 =	vadd.f32 v63, v62;
	v30 =	vmin.f32 v57, v22  }
0x1b1: {  	v10 =	vadd.f32 v28, v10;
	v20 =	vmin.f32 v30, v24  }
0x1b2: {  	v32 =	vmin.f32 v20, v31  }
0x1b3: {  	v10 =	vmin.f32 v32, v10  }
0x1b4: {  	[tilespmem:s7+$0x2400] =	vst v10  }
0x1b5: {  	v10 =	vld [tilespmem:s16+$0x0]  }
0x1b6: {  	v33 =	vld [tilespmem:s16+$0x80]  }
0x1b7: {  	v34 =	vld [tilespmem:s16+$0x100];
	_ =	sdelay $0x2  }
0x1b8: {  	v6 =	vmul.f32 v10, v6;
	v5 =	vmul.f32 v10, v5  }
0x1b9: {  	v9 =	vmul.f32 v33, v9;
	v11 =	vmul.f32 v33, v11  }
0x1ba: {  	v7 =	vmul.f32 v10, v7;
	v36 =	vmul.f32 v34, v14;
	v6 =	vadd.f32 v6, v19  }
0x1bb: {  	v35 =	vld [tilespmem:s8+$0x2400];
	v8 =	vmul.f32 v10, v8;
	v37 =	vmul.f32 v33, v12;
	v5 =	vadd.f32 v5, v21  }
0x1bc: {  	v38 =	vmul.f32 v34, v16;
	v7 =	vadd.f32 v7, v23;
	v6 =	vadd.f32 v9, v6  }
0x1bd: {  	v39 =	vmul.f32 v33, v13;
	v8 =	vadd.f32 v8, v25;
	v5 =	vadd.f32 v11, v5  }
0x1be: {  	v40 =	vmul.f32 v34, v17;
	v7 =	vadd.f32 v37, v7;
	v6 =	vadd.f32 v36, v6  }
0x1bf: {  	v41 =	vmul.f32 v34, v18;
	v8 =	vadd.f32 v39, v8;
	v5 =	vadd.f32 v38, v5  }
0x1c0: {  	v7 =	vadd.f32 v40, v7;
	v6 =	vmin.f32 v35, v6  }
0x1c1: {  	v42 =	vadd.f32 v41, v8;
	v5 =	vmin.f32 v6, v5  }
0x1c2: {  	v12 =	vbroadcast v2, $0xA;
	v13 =	vbroadcast v2, $0xB;
	v5 =	vmin.f32 v5, v7  }
0x1c3: {  	v14 =	vbroadcast v1, $0x8;
	v16 =	vbroadcast v1, $0x9;
	v5 =	vmin.f32 v5, v42  }
0x1c4: {  	v17 =	vbroadcast v1, $0xA;
	v18 =	vbroadcast v1, $0xB;
	[tilespmem:s8+$0x2400] =	vst v5  }
0x1c5: {  	v19 =	vbroadcast v3, $0x8;
	v21 =	vbroadcast v3, $0x9;
	v43 =	vld [tilespmem:s13+$0x0]  }
0x1c6: {  	v23 =	vbroadcast v3, $0xA;
	v25 =	vbroadcast v3, $0xB;
	v44 =	vld [tilespmem:s13+$0x80]  }
0x1c7: {  	v9 =	vbroadcast v2, $0x8;
	v11 =	vbroadcast v2, $0x9;
	v45 =	vld [tilespmem:s13+$0x100]  }
0x1c8: {  	v6 =	vbroadcast v4, $0x8;
	v5 =	vbroadcast v4, $0x9  }
0x1c9: {  	v8 =	vbroadcast v4, $0xB;
	v7 =	vbroadcast v4, $0xA  }
0x1ca: {  	v46 =	vmul.f32 v43, v6;
	v47 =	vmul.f32 v43, v5  }
0x1cb: {  	v48 =	vmul.f32 v44, v9;
	v49 =	vmul.f32 v44, v11  }
0x1cc: {  	v50 =	vmul.f32 v43, v7;
	v52 =	vmul.f32 v45, v14;
	v22 =	vadd.f32 v46, v19  }
0x1cd: {  	v51 =	vld [tilespmem:s3+$0x2400];
	v10 =	vmul.f32 v43, v8;
	v54 =	vmul.f32 v44, v12;
	v24 =	vadd.f32 v47, v21  }
0x1ce: {  	v55 =	vmul.f32 v45, v16;
	v53 =	vadd.f32 v50, v23;
	v22 =	vadd.f32 v48, v22  }
0x1cf: {  	v15 =	vmul.f32 v44, v13;
	v10 =	vadd.f32 v10, v25;
	v24 =	vadd.f32 v49, v24  }
0x1d0: {  	v57 =	vmul.f32 v45, v17;
	v56 =	vadd.f32 v54, v53;
	v22 =	vadd.f32 v52, v22  }
0x1d1: {  	v58 =	vmul.f32 v45, v18;
	v10 =	vadd.f32 v15, v10;
	v24 =	vadd.f32 v55, v24  }
0x1d2: {  	v60 =	vadd.f32 v57, v56;
	v59 =	vmin.f32 v51, v22  }
0x1d3: {  	v10 =	vadd.f32 v58, v10;
	v20 =	vmin.f32 v59, v24  }
0x1d4: {  	v61 =	vmin.f32 v20, v60  }
0x1d5: {  	v10 =	vmin.f32 v61, v10  }
0x1d6: {  	[tilespmem:s3+$0x2400] =	vst v10  }
0x1d7: {  	v10 =	vld [tilespmem:s14+$0x0]  }
0x1d8: {  	v62 =	vld [tilespmem:s14+$0x80]  }
0x1d9: {  	v63 =	vld [tilespmem:s14+$0x100];
	_ =	sdelay $0x2  }
0x1da: {  	v31 =	vmul.f32 v10, v6;
	v32 =	vmul.f32 v10, v5  }
0x1db: {  	v33 =	vmul.f32 v62, v9;
	v34 =	vmul.f32 v62, v11  }
0x1dc: {  	v35 =	vmul.f32 v10, v7;
	v37 =	vmul.f32 v63, v14;
	v22 =	vadd.f32 v31, v19  }
0x1dd: {  	v36 =	vld [tilespmem:s6+$0x2400];
	v10 =	vmul.f32 v10, v8;
	v39 =	vmul.f32 v62, v12;
	v24 =	vadd.f32 v32, v21  }
0x1de: {  	v40 =	vmul.f32 v63, v16;
	v38 =	vadd.f32 v35, v23;
	v22 =	vadd.f32 v33, v22  }
0x1df: {  	v15 =	vmul.f32 v62, v13;
	v10 =	vadd.f32 v10, v25;
	v24 =	vadd.f32 v34, v24  }
0x1e0: {  	v42 =	vmul.f32 v63, v17;
	v41 =	vadd.f32 v39, v38;
	v22 =	vadd.f32 v37, v22  }
0x1e1: {  	v43 =	vmul.f32 v63, v18;
	v10 =	vadd.f32 v15, v10;
	v24 =	vadd.f32 v40, v24  }
0x1e2: {  	v45 =	vadd.f32 v42, v41;
	v44 =	vmin.f32 v36, v22  }
0x1e3: {  	v10 =	vadd.f32 v43, v10;
	v20 =	vmin.f32 v44, v24  }
0x1e4: {  	v46 =	vmin.f32 v20, v45  }
0x1e5: {  	v10 =	vmin.f32 v46, v10  }
0x1e6: {  	[tilespmem:s6+$0x2400] =	vst v10  }
0x1e7: {  	v10 =	vld [tilespmem:s15+$0x0]  }
0x1e8: {  	v47 =	vld [tilespmem:s15+$0x80]  }
0x1e9: {  	v48 =	vld [tilespmem:s15+$0x100];
	_ =	sdelay $0x2  }
0x1ea: {  	v49 =	vmul.f32 v10, v6;
	v50 =	vmul.f32 v10, v5  }
0x1eb: {  	v51 =	vmul.f32 v47, v9;
	v52 =	vmul.f32 v47, v11  }
0x1ec: {  	v53 =	vmul.f32 v10, v7;
	v55 =	vmul.f32 v48, v14;
	v22 =	vadd.f32 v49, v19  }
0x1ed: {  	v54 =	vld [tilespmem:s7+$0x2400];
	v10 =	vmul.f32 v10, v8;
	v57 =	vmul.f32 v47, v12;
	v24 =	vadd.f32 v50, v21  }
0x1ee: {  	v58 =	vmul.f32 v48, v16;
	v56 =	vadd.f32 v53, v23;
	v22 =	vadd.f32 v51, v22  }
0x1ef: {  	v15 =	vmul.f32 v47, v13;
	v10 =	vadd.f32 v10, v25;
	v24 =	vadd.f32 v52, v24  }
0x1f0: {  	v60 =	vmul.f32 v48, v17;
	v59 =	vadd.f32 v57, v56;
	v22 =	vadd.f32 v55, v22  }
0x1f1: {  	v61 =	vmul.f32 v48, v18;
	v10 =	vadd.f32 v15, v10;
	v24 =	vadd.f32 v58, v24  }
0x1f2: {  	v63 =	vadd.f32 v60, v59;
	v62 =	vmin.f32 v54, v22  }
0x1f3: {  	v10 =	vadd.f32 v61, v10;
	v20 =	vmin.f32 v62, v24  }
0x1f4: {  	v22 =	vmin.f32 v20, v63  }
0x1f5: {  	v10 =	vmin.f32 v22, v10  }
0x1f6: {  	[tilespmem:s7+$0x2400] =	vst v10  }
0x1f7: {  	v10 =	vld [tilespmem:s16+$0x0]  }
0x1f8: {  	v24 =	vld [tilespmem:s16+$0x80]  }
0x1f9: {  	v26 =	vld [tilespmem:s16+$0x100];
	_ =	sdelay $0x2  }
0x1fa: {  	v6 =	vmul.f32 v10, v6;
	v5 =	vmul.f32 v10, v5  }
0x1fb: {  	v9 =	vmul.f32 v24, v9;
	v11 =	vmul.f32 v24, v11  }
0x1fc: {  	v7 =	vmul.f32 v10, v7;
	v28 =	vmul.f32 v26, v14;
	v6 =	vadd.f32 v6, v19  }
0x1fd: {  	v27 =	vld [tilespmem:s8+$0x2400];
	v8 =	vmul.f32 v10, v8;
	v29 =	vmul.f32 v24, v12;
	v5 =	vadd.f32 v5, v21  }
0x1fe: {  	v30 =	vmul.f32 v26, v16;
	v7 =	vadd.f32 v7, v23;
	v6 =	vadd.f32 v9, v6  }
0x1ff: {  	v31 =	vmul.f32 v24, v13;
	v8 =	vadd.f32 v8, v25;
	v5 =	vadd.f32 v11, v5  }
0x200: {  	v32 =	vmul.f32 v26, v17;
	v7 =	vadd.f32 v29, v7;
	v6 =	vadd.f32 v28, v6  }
0x201: {  	v33 =	vmul.f32 v26, v18;
	v8 =	vadd.f32 v31, v8;
	v5 =	vadd.f32 v30, v5  }
0x202: {  	v7 =	vadd.f32 v32, v7;
	v6 =	vmin.f32 v27, v6  }
0x203: {  	v34 =	vadd.f32 v33, v8;
	v5 =	vmin.f32 v6, v5  }
0x204: {  	v15 =	vbroadcast v1, $0xE;
	v20 =	vbroadcast v3, $0xE;
	v5 =	vmin.f32 v5, v7  }
0x205: {  	v10 =	vbroadcast v2, $0xD;
	v12 =	vbroadcast v1, $0xC;
	v5 =	vmin.f32 v5, v34  }
0x206: {  	v14 =	vbroadcast v1, $0xD;
	v1 =	vbroadcast v1, $0xF;
	[tilespmem:s8+$0x2400] =	vst v5  }
0x207: {  	v16 =	vbroadcast v3, $0xC;
	v18 =	vbroadcast v3, $0xD;
	v35 =	vld [tilespmem:s13+$0x0]  }
0x208: {  	v3 =	vbroadcast v3, $0xF;
	v11 =	vbroadcast v2, $0xE;
	v36 =	vld [tilespmem:s13+$0x80]  }
0x209: {  	v8 =	vbroadcast v2, $0xC;
	v2 =	vbroadcast v2, $0xF;
	v37 =	vld [tilespmem:s13+$0x100]  }
0x20a: {  	v6 =	vbroadcast v4, $0xC;
	v5 =	vbroadcast v4, $0xD  }
0x20b: {  	v7 =	vbroadcast v4, $0xE;
	v4 =	vbroadcast v4, $0xF  }
0x20c: {  	v38 =	vmul.f32 v35, v6;
	v39 =	vmul.f32 v35, v5  }
0x20d: {  	v40 =	vmul.f32 v36, v8;
	v41 =	vmul.f32 v36, v10  }
0x20e: {  	v42 =	vmul.f32 v35, v7;
	v44 =	vmul.f32 v37, v12;
	v19 =	vadd.f32 v38, v16  }
0x20f: {  	v43 =	vld [tilespmem:s3+$0x2400];
	v9 =	vmul.f32 v35, v4;
	v46 =	vmul.f32 v36, v11;
	v21 =	vadd.f32 v39, v18  }
0x210: {  	v47 =	vmul.f32 v37, v14;
	v45 =	vadd.f32 v42, v20;
	v19 =	vadd.f32 v40, v19  }
0x211: {  	v13 =	vmul.f32 v36, v2;
	v9 =	vadd.f32 v9, v3;
	v21 =	vadd.f32 v41, v21  }
0x212: {  	v49 =	vmul.f32 v37, v15;
	v48 =	vadd.f32 v46, v45;
	v19 =	vadd.f32 v44, v19  }
0x213: {  	v50 =	vmul.f32 v37, v1;
	v9 =	vadd.f32 v13, v9;
	v21 =	vadd.f32 v47, v21  }
0x214: {  	v52 =	vadd.f32 v49, v48;
	v51 =	vmin.f32 v43, v19  }
0x215: {  	v9 =	vadd.f32 v50, v9;
	v17 =	vmin.f32 v51, v21  }
0x216: {  	v53 =	vmin.f32 v17, v52  }
0x217: {  	v9 =	vmin.f32 v53, v9  }
0x218: {  	[tilespmem:s3+$0x2400] =	vst v9  }
0x219: {  	v9 =	vld [tilespmem:s14+$0x0]  }
0x21a: {  	v54 =	vld [tilespmem:s14+$0x80]  }
0x21b: {  	v55 =	vld [tilespmem:s14+$0x100];
	_ =	sdelay $0x2  }
0x21c: {  	v56 =	vmul.f32 v9, v6;
	v57 =	vmul.f32 v9, v5  }
0x21d: {  	v58 =	vmul.f32 v54, v8;
	v59 =	vmul.f32 v54, v10  }
0x21e: {  	v60 =	vmul.f32 v9, v7;
	v62 =	vmul.f32 v55, v12;
	v19 =	vadd.f32 v56, v16  }
0x21f: {  	v61 =	vld [tilespmem:s6+$0x2400];
	v9 =	vmul.f32 v9, v4;
	v28 =	vmul.f32 v54, v11;
	v21 =	vadd.f32 v57, v18  }
0x220: {  	v29 =	vmul.f32 v55, v14;
	v63 =	vadd.f32 v60, v20;
	v19 =	vadd.f32 v58, v19  }
0x221: {  	v13 =	vmul.f32 v54, v2;
	v9 =	vadd.f32 v9, v3;
	v21 =	vadd.f32 v59, v21  }
0x222: {  	v31 =	vmul.f32 v55, v15;
	v30 =	vadd.f32 v28, v63;
	v19 =	vadd.f32 v62, v19  }
0x223: {  	v32 =	vmul.f32 v55, v1;
	v9 =	vadd.f32 v13, v9;
	v21 =	vadd.f32 v29, v21  }
0x224: {  	v34 =	vadd.f32 v31, v30;
	v33 =	vmin.f32 v61, v19  }
0x225: {  	v9 =	vadd.f32 v32, v9;
	v17 =	vmin.f32 v33, v21  }
0x226: {  	v35 =	vmin.f32 v17, v34  }
0x227: {  	v9 =	vmin.f32 v35, v9  }
0x228: {  	[tilespmem:s6+$0x2400] =	vst v9  }
0x229: {  	v9 =	vld [tilespmem:s15+$0x0]  }
0x22a: {  	v36 =	vld [tilespmem:s15+$0x80]  }
0x22b: {  	v37 =	vld [tilespmem:s15+$0x100];
	_ =	sdelay $0x2  }
0x22c: {  	v38 =	vmul.f32 v9, v6;
	v39 =	vmul.f32 v9, v5  }
0x22d: {  	v40 =	vmul.f32 v36, v8;
	v41 =	vmul.f32 v36, v10  }
0x22e: {  	v42 =	vmul.f32 v9, v7;
	v44 =	vmul.f32 v37, v12;
	v19 =	vadd.f32 v38, v16  }
0x22f: {  	v43 =	vld [tilespmem:s7+$0x2400];
	v9 =	vmul.f32 v9, v4;
	v46 =	vmul.f32 v36, v11;
	v21 =	vadd.f32 v39, v18  }
0x230: {  	v47 =	vmul.f32 v37, v14;
	v45 =	vadd.f32 v42, v20;
	v19 =	vadd.f32 v40, v19  }
0x231: {  	v13 =	vmul.f32 v36, v2;
	v9 =	vadd.f32 v9, v3;
	v21 =	vadd.f32 v41, v21  }
0x232: {  	v49 =	vmul.f32 v37, v15;
	v48 =	vadd.f32 v46, v45;
	v19 =	vadd.f32 v44, v19  }
0x233: {  	v50 =	vmul.f32 v37, v1;
	v9 =	vadd.f32 v13, v9;
	v21 =	vadd.f32 v47, v21  }
0x234: {  	v52 =	vadd.f32 v49, v48;
	v51 =	vmin.f32 v43, v19  }
0x235: {  	v9 =	vadd.f32 v50, v9;
	v17 =	vmin.f32 v51, v21  }
0x236: {  	v53 =	vmin.f32 v17, v52  }
0x237: {  	v9 =	vmin.f32 v53, v9  }
0x238: {  	[tilespmem:s7+$0x2400] =	vst v9  }
0x239: {  	v9 =	vld [tilespmem:s16+$0x0]  }
0x23a: {  	v54 =	vld [tilespmem:s16+$0x80]  }
0x23b: {  	v55 =	vld [tilespmem:s16+$0x100];
	_ =	sdelay $0x2  }
0x23c: {  	v6 =	vmul.f32 v9, v6;
	v5 =	vmul.f32 v9, v5  }
0x23d: {  	v8 =	vmul.f32 v54, v8;
	v10 =	vmul.f32 v54, v10  }
0x23e: {  	v7 =	vmul.f32 v9, v7;
	v57 =	vmul.f32 v55, v12;
	v6 =	vadd.f32 v6, v16  }
0x23f: {  	v56 =	vld [tilespmem:s8+$0x2400];
	v4 =	vmul.f32 v9, v4;
	v58 =	vmul.f32 v54, v11;
	v5 =	vadd.f32 v5, v18  }
0x240: {  	v59 =	vmul.f32 v55, v14;
	v7 =	vadd.f32 v7, v20;
	v6 =	vadd.f32 v8, v6  }
0x241: {  	v2 =	vmul.f32 v54, v2;
	v3 =	vadd.f32 v4, v3;
	v5 =	vadd.f32 v10, v5  }
0x242: {  	v62 =	vmul.f32 v55, v15;
	v61 =	vadd.f32 v58, v7;
	v60 =	vadd.f32 v57, v6  }
0x243: {  	p0 =	sne.s32 s1, $0x3F0;
	v1 =	vmul.f32 v55, v1;
	v2 =	vadd.f32 v2, v3;
	v5 =	vadd.f32 v59, v5  }
.Ltmp1:
0x244: {  	v63 =	vadd.f32 v62, v61;
	v3 =	vmin.f32 v56, v60;
	(pc) =	sbr.rel @p0 .LBB2_4-.Ltmp1, $4  }
0x245: {  	v1 =	vadd.f32 v1, v2;
	v3 =	vmin.f32 v3, v5  }
0x246: {  	v2 =	vmin.f32 v3, v63  }
0x247: {  	v1 =	vmin.f32 v2, v1  }
0x248: {  	s0 =	sadd.s32 $0x40, s0;
	s1 =	sadd.s32 $0x10, s1;
	[tilespmem:s8+$0x2400] =	vst v1  }
0x249: {  	v2 =	vld [tilespmem:s9+$0x0]  }
0x24a: {  	v3 =	vld [tilespmem:s17+$0x0]  }
0x24b: {  	v4 =	vld [tilespmem:s18+$0x0]  }
0x24c: {  	v5 =	vld [tilespmem:s9+$0x1000]  }
0x24d: {  	v6 =	vld [tilespmem:s17+$0x1000]  }
0x24e: {  	v7 =	vld [tilespmem:s18+$0x1000]  }
0x24f: {  	v8 =	vld [tilespmem:s3+$0x2000]  }
0x250: {  	v9 =	vld [tilespmem:s3+$0x2400]  }
0x251: {  	v10 =	vld [tilespmem:s10+$0x0]  }
0x252: {  	v11 =	vld [tilespmem:s19+$0x0]  }
0x253: {  	v12 =	vld [tilespmem:s20+$0x0]  }
0x254: {  	v13 =	vld [tilespmem:s10+$0x1000]  }
0x255: {  	v14 =	vld [tilespmem:s19+$0x1000]  }
0x256: {  	v15 =	vld [tilespmem:s20+$0x1000]  }
0x257: {  	v16 =	vld [tilespmem:s6+$0x2000]  }
0x258: {  	v17 =	vld [tilespmem:s6+$0x2400]  }
0x259: {  	v18 =	vld [tilespmem:s11+$0x0]  }
0x25a: {  	v19 =	vld [tilespmem:s21+$0x0];
	v2 =	vmul.f32 v2, v2;
	v3 =	vmul.f32 v3, v3  }
0x25b: {  	v40 =	vld [tilespmem:s11+$0x1000];
	v5 =	vmul.f32 v5, v5;
	v6 =	vmul.f32 v6, v6  }
0x25c: {  	v43 =	vld [tilespmem:s21+$0x1000];
	v39 =	vmul.f32 v11, v11;
	v41 =	vmul.f32 v13, v13  }
0x25d: {  	v20 =	vld [tilespmem:s22+$0x0];
	v42 =	vmul.f32 v14, v14;
	v4 =	vmul.f32 v4, v4  }
0x25e: {  	v54 =	vld [tilespmem:s26+$0x0];
	v7 =	vmul.f32 v7, v7;
	v12 =	vmul.f32 v12, v12  }
0x25f: {  	v48 =	vld [tilespmem:s12+$0x0];
	v45 =	vmul.f32 v15, v15;
	v52 =	vmul.f32 v18, v18  }
0x260: {  	v49 =	vld [tilespmem:s23+$0x0];
	v53 =	vmul.f32 v19, v19;
	v2 =	vadd.f32 v3, v2;
	v3 =	vmul.f32 v10, v10  }
0x261: {  	v50 =	vld [tilespmem:s12+$0x1000];
	v55 =	vmul.f32 v40, v40;
	v56 =	vmul.f32 v43, v43;
	v5 =	vadd.f32 v6, v5  }
0x262: {  	v51 =	vld [tilespmem:s23+$0x1000];
	v58 =	vmul.f32 v20, v20;
	v6 =	vadd.f32 v42, v41;
	v3 =	vadd.f32 v39, v3  }
0x263: {  	v44 =	vld [tilespmem:s22+$0x1000];
	v61 =	vmul.f32 v54, v54;
	v2 =	vadd.f32 v4, v2;
	v47 =	vadd.f32 v7, v5  }
0x264: {  	v57 =	vld [tilespmem:s26+$0x1000];
	v6 =	vadd.f32 v45, v6;
	v5 =	vmul.f32 v48, v48;
	v3 =	vadd.f32 v12, v3  }
0x265: {  	v7 =	vmul.f32 v49, v49;
	v2 =	vadd.f32 v8, v2;
	v4 =	vadd.f32 v47, v9  }
0x266: {  	v46 =	vld [tilespmem:s7+$0x2000];
	v6 =	vadd.f32 v6, v17;
	v8 =	vmul.f32 v50, v50;
	v3 =	vadd.f32 v16, v3  }
0x267: {  	v59 =	vld [tilespmem:s7+$0x2400];
	v9 =	vmul.f32 v51, v51;
	v2 =	vadd.f32 v4, v2;
	v4 =	vadd.f32 v53, v52  }
0x268: {  	v60 =	vld [tilespmem:s8+$0x2000];
	v10 =	vmul.f32 v44, v44;
	v3 =	vadd.f32 v6, v3;
	v6 =	vadd.f32 v56, v55  }
0x269: {  	v62 =	vmul.f32 v57, v57;
	v5 =	vadd.f32 v7, v5;
	v8 =	vadd.f32 v9, v8  }
0x26a: {  	v4 =	vadd.f32 v58, v4;
	v6 =	vadd.f32 v10, v6  }
0x26b: {  	v5 =	vadd.f32 v61, v5;
	v8 =	vadd.f32 v62, v8  }
0x26c: {  	v4 =	vadd.f32 v46, v4;
	v6 =	vadd.f32 v6, v59  }
0x26d: {  	v63 =	vadd.f32 v60, v5;
	v2 =	vadd.f32 v3, v2  }
0x26e: {  	v1 =	vadd.f32 v8, v1;
	v3 =	vadd.f32 v6, v4;
	_ =	sdelay $0x1  }
0x26f: {  	v1 =	vadd.f32 v1, v63;
	v2 =	vadd.f32 v3, v2;
	_ =	sdelay $0x1  }
0x270: {  	s31 =	sadd.s32 $0x1, s31;
	v1 =	vadd.f32 v1, v2  }
0x271: {  	p0 =	sne.s32 s31, s25  }
.Ltmp2:
0x272: {  	s0 =	simm.s32 $0x2800;
	[tilespmem:$0x2800] =	vst v1;
	(pc) =	sbr.rel @p0 .LBB2_1-.Ltmp2, $4  }
0x273: {  	[hbm4b:s24+s2] =	stream.linear.scatter [tilespmem:s0], [sflag:$0x1], $0x80, $0x38;
	[tilespmem:$0x2880] =	vst v63  }
0x274: {  	_ =	swait.ge [sflag:s28], $0x80  }
0x275: {  	[sflag:s28] =	ssyncset.done $0x0  }
0x276: {  	[sflag:s28] =	ssyncadd.s32 $0xFFFFFF80  }
0x277: {  	_ =	sfence.sel $0x180000  }
0x278: {  	[bflag:$0x0] =	sbarrier.arrive $0xFFFF  }
0x279: {  	_ =	strace $0x90000047  }
0x27a: {  	s0 =	stileid.u32;
	[bflag:$0x2] =	sbarrier.arrive $0xFFFF  }
0x27b: {  	p0 =	sne.s32 s0, $0x0;
	s0 =	rddreg [dreg:$0x1]  }
0x27c: {  	s0 =	sadd.s32 @!p0 $0x100000, s0  }
0x27d: {  	[sflag:s0] =	ssyncadd.tile.s32 @!p0 $0x1;
	_ =	shalt  }
.Lfunc_end2:
_tile_overlayer_lowered:
.L_overlay_start_2:
0x27e: {  	(tag) =	ssettag $0x2  }
0x27f: {  	s0 =	rddreg [dreg:$0x0];
	s2 =	stileid.u32  }
0x280: {  	s1 =	rddreg [dreg:$0x1];
	p0 =	sne.s32 s2, $0x0  }
0x281: {  	s3 =	rddreg [dreg:$0x2];
	[bflag:$0x3] =	sbarrier.arrive $0xFFFF;
	s2 =	simm.s32 @!p0 $0x1C01  }
0x282: {  	[timem:s3], [sflag:s2] =	dma.local @!p0 [hbm:s0], s1  }
0x283: {  	s0 =	simm.s32 @!p0 $0x1  }
0x284: {  	_ =	swait.ge @!p0 [sflag:s0], s1  }
0x285: {  	s1 =	ssub.s32 @!p0 $0x0, s1;
	[sflag:s0] =	ssyncset.done @!p0 $0x0  }
0x286: {  	[sflag:s0] =	ssyncadd.s32 @!p0 s1  }
0x287: {  	[bflag:$0x3] =	sbarrier.arrive $0xFFFF  }
0x288: {  	_ =	shalt  }

</sc_bundles>
